<compile_context>
chip_gen: v7x
topology: tpu7x:2x2x1
jax: 0.10.2.dev20260603
libtpu: 0.0.44.dev20260713+nightly
codegen_flags: <defaults>
</compile_context>

<pallas_src>
import functools

import jax
import jax.numpy as jnp
from jax import lax
from jax.experimental import pallas as pl
from jax.experimental.pallas import tpu as pltpu
from jax.experimental.pallas import tpu_sc as plsc

N = 15840
NP = 16384
E = N * 64
NC = 2
NS = 16
L = 16
NW = NC * NS
EPW = E // NW

def _worker_id():
    return lax.axis_index("s") * NC + lax.axis_index("c")


_ZU = 16
_NB = 4
CHE = EPW // _NB
CHG = CHE // L
_EU = 15


def _zero_ref(ref):
    zero = jnp.zeros((L,), jnp.float32)

    @plsc.parallel_loop(0, NP // L, unroll=_ZU)
    def _(j):
        ref[pl.ds(j * L, L)] = zero


@functools.lru_cache(maxsize=None)
def _sc_kernels():
    mesh = plsc.VectorSubcoreMesh(
        core_axis_name="c", subcore_axis_name="s", num_cores=NC,
        num_subcores=NS)

    @functools.partial(
        pl.kernel,
        out_type=(
            jax.ShapeDtypeStruct((NW, NP), jnp.float32),
            jax.ShapeDtypeStruct((NW, NP), jnp.float32),
        ),
        mesh=mesh,
        compiler_params=pltpu.CompilerParams(needs_layout_passes=False),
        scratch_types=[
            pltpu.VMEM((CHE,), jnp.int32),
            pltpu.VMEM((CHE,), jnp.int32),
            pltpu.VMEM((CHE,), jnp.int32),
            pltpu.VMEM((CHE,), jnp.int32),
            pltpu.VMEM((NP,), jnp.float32),
            pltpu.VMEM((NP,), jnp.float32),
            pltpu.SemaphoreType.DMA,
            pltpu.SemaphoreType.DMA,
            pltpu.SemaphoreType.DMA,
            pltpu.SemaphoreType.DMA,
        ],
    )
    def sc_degrees(src_hbm, dst_hbm, outd_hbm, ind_hbm, src_a, src_b, dst_a,
                   dst_b, acc_o, acc_i, sem_sa, sem_sb, sem_da, sem_db):
        wid = _worker_id()
        base = wid * EPW
        bufs = ((src_a, dst_a, sem_sa, sem_da), (src_b, dst_b, sem_sb, sem_db))

        def fetch(b):
            sv, dv, ss, sd = bufs[b % 2]
            off = base + b * CHE
            return (pltpu.async_copy(src_hbm.at[pl.ds(off, CHE)], sv, ss),
                    pltpu.async_copy(dst_hbm.at[pl.ds(off, CHE)], dv, sd))

        inflight = fetch(0)
        _zero_ref(acc_o)
        _zero_ref(acc_i)
        ones = jnp.ones((L,), jnp.float32)

        for b in range(_NB):
            sv, dv, _, _ = bufs[b % 2]
            cps = inflight
            if b + 1 < _NB:
                inflight = fetch(b + 1)
            cps[0].wait()
            cps[1].wait()

            @plsc.parallel_loop(0, CHG, unroll=_EU)
            def _(g, sv=sv, dv=dv):
                s = sv[pl.ds(g * L, L)]
                d = dv[pl.ds(g * L, L)]
                plsc.addupdate_scatter(acc_o, [s], ones)
                plsc.addupdate_scatter(acc_i, [d], ones)

        cp_o = pltpu.async_copy(acc_o, outd_hbm.at[wid], sem_sa)
        cp_i = pltpu.async_copy(acc_i, ind_hbm.at[wid], sem_da)
        cp_o.wait()
        cp_i.wait()

    @functools.partial(
        pl.kernel,
        out_type=jax.ShapeDtypeStruct((NW, NP), jnp.float32),
        mesh=mesh,
        compiler_params=pltpu.CompilerParams(needs_layout_passes=False),
        scratch_types=[
            pltpu.VMEM((CHE,), jnp.int32),
            pltpu.VMEM((CHE,), jnp.int32),
            pltpu.VMEM((CHE,), jnp.int32),
            pltpu.VMEM((CHE,), jnp.int32),
            pltpu.VMEM((NP,), jnp.float32),
            pltpu.VMEM((NP,), jnp.float32),
            pltpu.SemaphoreType.DMA,
            pltpu.SemaphoreType.DMA,
            pltpu.SemaphoreType.DMA,
            pltpu.SemaphoreType.DMA,
            pltpu.SemaphoreType.DMA,
        ],
    )
    def sc_pass(src_hbm, dst_hbm, tab_hbm, out_hbm, src_a, src_b, dst_a,
                dst_b, tab_v, acc, sem_sa, sem_sb, sem_da, sem_db, sem_t):
        wid = _worker_id()
        base = wid * EPW
        bufs = ((src_a, dst_a, sem_sa, sem_da), (src_b, dst_b, sem_sb, sem_db))

        def fetch(b):
            sv, dv, ss, sd = bufs[b % 2]
            off = base + b * CHE
            return (pltpu.async_copy(src_hbm.at[pl.ds(off, CHE)], sv, ss),
                    pltpu.async_copy(dst_hbm.at[pl.ds(off, CHE)], dv, sd))

        inflight = fetch(0)
        cp_t = pltpu.async_copy(tab_hbm, tab_v, sem_t)
        _zero_ref(acc)
        cp_t.wait()

        for b in range(_NB):
            sv, dv, _, _ = bufs[b % 2]
            cps = inflight
            if b + 1 < _NB:
                inflight = fetch(b + 1)
            cps[0].wait()
            cps[1].wait()

            @plsc.parallel_loop(0, CHG, unroll=_EU)
            def _(g, sv=sv, dv=dv):
                s = sv[pl.ds(g * L, L)]
                d = dv[pl.ds(g * L, L)]
                v = plsc.load_gather(tab_v, [s])
                plsc.addupdate_scatter(acc, [d], v)

        pltpu.sync_copy(acc, out_hbm.at[wid])

    return sc_degrees, sc_pass


def _tc_norms_body(dego_ref, degi_ref, x_ref, t1_ref, ns_ref, nd_ref):
    od = jnp.sum(dego_ref[...], axis=0, keepdims=True)
    idg = jnp.sum(degi_ref[...], axis=0, keepdims=True)
    ns = lax.rsqrt(jnp.where(od > 0, od, 1.0))
    nd = lax.rsqrt(jnp.where(idg > 0, idg, 1.0))
    t1_ref[...] = x_ref[...] * ns
    ns_ref[...] = ns
    nd_ref[...] = nd


def _tc_mid_body(agg_ref, ns_ref, nd_ref, t2_ref):
    a = jnp.sum(agg_ref[...], axis=0, keepdims=True)
    t2_ref[...] = ns_ref[...] * jnp.maximum(nd_ref[...] * a, 0.0)


def _tc_head_body(agg_ref, nd_ref, w0_ref, w1_ref, wl1_ref, bl1_ref, wl2_ref,
                  bl2_ref, out_ref):
    a = jnp.sum(agg_ref[...], axis=0, keepdims=True)
    u = jnp.maximum(nd_ref[...] * a, 0.0)
    c = jnp.sum(w0_ref[...] * w1_ref[...])
    y = jnp.dot(u[:, :N], wl1_ref[...], preferred_element_type=jnp.float32)
    y = jnp.maximum(c * y + bl1_ref[...], 0.0)
    z = jnp.dot(y, wl2_ref[...], preferred_element_type=jnp.float32)
    out_ref[...] = jnp.maximum(z + bl2_ref[...], 0.0)


def kernel(in_feat, edge_index, W0, b0, W1, b1, Wl1, bl1, Wl2, bl2):
    f32 = jnp.float32
    src = edge_index[0]
    dst = edge_index[1]
    xp = jnp.zeros((1, NP), f32).at[0, :N].set(in_feat[:, 0])

    sc_degrees, sc_pass = _sc_kernels()
    dego, degi = sc_degrees(src, dst)

    t1, ns, nd = pl.pallas_call(
        _tc_norms_body,
        out_shape=(
            jax.ShapeDtypeStruct((1, NP), f32),
            jax.ShapeDtypeStruct((1, NP), f32),
            jax.ShapeDtypeStruct((1, NP), f32),
        ),
    )(dego, degi, xp)

    agg1 = sc_pass(src, dst, t1.reshape(NP))

    t2 = pl.pallas_call(
        _tc_mid_body,
        out_shape=jax.ShapeDtypeStruct((1, NP), f32),
    )(agg1, ns, nd)

    agg2 = sc_pass(src, dst, t2.reshape(NP))

    out = pl.pallas_call(
        _tc_head_body,
        out_shape=jax.ShapeDtypeStruct((1, 10), f32),
    )(agg2, nd, W0, W1.reshape(1, 1000), Wl1, bl1.reshape(1, 100), Wl2,
      bl2.reshape(1, 10))
    return out

# --- scband reference (transcript-rebuilt; emitter-appended) ---
"""Pipeline reference for scband-gcn1-8735963480281 (READ-ONLY COPY).

The authoritative reference and input builder live on the scoring server;
editing this copy changes nothing except your own understanding.
"""

import jax, jax.numpy as jnp
import numpy as np

N = 15840
E = N * 64
NUM_CLASSES = 10


def setup_inputs(seed: int = 0) -> dict:
    key = jax.random.key(seed)
    ks = jax.random.split(key, 10)
    in_feat = jax.random.normal(ks[0], (N, 1), dtype=jnp.float32)
    edge_index = jax.random.randint(ks[1], (2, E), 0, N, dtype=jnp.int32)
    # DGL GraphConv weights: shape (in_feats, out_feats); init uniform per module
    W0 = jax.random.uniform(ks[2], (1, 1000), dtype=jnp.float32)
    b0 = jnp.zeros((1000,), dtype=jnp.float32)
    W1 = jax.random.uniform(ks[3], (1000, 1), dtype=jnp.float32)
    b1 = jnp.zeros((1,), dtype=jnp.float32)
    # nn.Linear weights stored transposed for matmul: (in, out)
    Wl1 = jax.random.uniform(ks[4], (15840, 100), dtype=jnp.float32)
    bl1 = jnp.zeros((100,), dtype=jnp.float32)
    Wl2 = jax.random.uniform(ks[5], (100, NUM_CLASSES), dtype=jnp.float32)
    bl2 = jnp.zeros((NUM_CLASSES,), dtype=jnp.float32)
    return {"in_feat": in_feat, "edge_index": edge_index, "W0": W0, "b0": b0,
            "W1": W1, "b1": b1, "Wl1": Wl1, "bl1": bl1, "Wl2": Wl2, "bl2": bl2}


def _graph_conv(x, src, dst, W, b):
    # DGL GraphConv with norm='both': symmetric normalization; matmul ordering
    # depends on in_feats vs out_feats (mult-first when in > out).
    in_f, out_f = W.shape
    ones = jnp.ones((src.shape[0],), dtype=x.dtype)
    out_deg = jnp.zeros((N,), dtype=x.dtype).at[src].add(ones)
    in_deg = jnp.zeros((N,), dtype=x.dtype).at[dst].add(ones)
    norm_src = jnp.where(out_deg > 0, out_deg, 1.0) ** -0.5
    norm_dst = jnp.where(in_deg > 0, in_deg, 1.0) ** -0.5
    h = x * norm_src[:, None]
    if in_f > out_f:
        h = h @ W
        agg = jnp.zeros((N, out_f), dtype=h.dtype).at[dst].add(jnp.take(h, src, axis=0))
    else:
        agg = jnp.zeros((N, in_f), dtype=h.dtype).at[dst].add(jnp.take(h, src, axis=0))
        agg = agg @ W
    agg = agg * norm_dst[:, None]
    return agg + b


def reference(in_feat, edge_index, W0, b0, W1, b1, Wl1, bl1, Wl2, bl2):
    src = edge_index[0]
    dst = edge_index[1]
    h = _graph_conv(in_feat, src, dst, W0, b0)
    h = jax.nn.relu(h)
    h = _graph_conv(h, src, dst, W1, b1)
    h = jax.nn.relu(h)
    h = h.T  # [1, 15840]
    h = jax.nn.relu(h @ Wl1 + bl1)
    h = jax.nn.relu(h @ Wl2 + bl2)
    return h

if __name__ == "__main__":
    import jax
    _d = setup_inputs()
    print(jax.jit(kernel)(*tuple(_d.values())))

</pallas_src>

<mosaic_0001>
#map = affine_map<(d0, d1) -> (0)>
#map1 = affine_map<(d0, d1) -> (0, 0)>
module attributes {stable_mosaic.version = 14 : i64} {
  func.func @sc_degrees(%arg0: i32, %arg1: i32, %arg2: memref<1013760xi32, #tpu.memory_space<hbm>>, %arg3: memref<1013760xi32, #tpu.memory_space<hbm>>, %arg4: memref<32x16384xf32, #tpu.memory_space<hbm>>, %arg5: memref<32x16384xf32, #tpu.memory_space<hbm>>, %arg6: memref<7920xi32, #tpu.memory_space<vmem>>, %arg7: memref<7920xi32, #tpu.memory_space<vmem>>, %arg8: memref<7920xi32, #tpu.memory_space<vmem>>, %arg9: memref<7920xi32, #tpu.memory_space<vmem>>, %arg10: memref<16384xf32, #tpu.memory_space<vmem>>, %arg11: memref<16384xf32, #tpu.memory_space<vmem>>, %arg12: memref<!tpu.dma_semaphore, #tpu.memory_space<semaphore_mem>>, %arg13: memref<!tpu.dma_semaphore, #tpu.memory_space<semaphore_mem>>, %arg14: memref<!tpu.dma_semaphore, #tpu.memory_space<semaphore_mem>>, %arg15: memref<!tpu.dma_semaphore, #tpu.memory_space<semaphore_mem>>) attributes {dimension_semantics = [#tpu.dimension_semantics<core_parallel>, #tpu.dimension_semantics<subcore_parallel>], iteration_bounds = array<i64: 2, 16>, scalar_prefetch = 0 : i64, scratch_operands = 10 : i64, tpu.core_type = #tpu.core_type<sc_vector_subcore>, window_params = [{transform_indices = #map}, {transform_indices = #map}, {transform_indices = #map1}, {transform_indices = #map1}]} {
    %mul3A = arith.constant 2 : i32
    %mul3A_0 = arith.muli %arg1, %mul3A : i32
    %add3A = arith.addi %mul3A_0, %arg0 : i32
    %mul3A_1 = arith.constant 31680 : i32
    %mul3A_2 = arith.muli %add3A, %mul3A_1 : i32
    %add3A_3 = arith.constant 0 : i32
    %add3A_4 = arith.addi %mul3A_2, %add3A_3 : i32
    %dma_start3A = tpu.memref_slice %arg2[%add3A_4] : memref<1013760xi32, #tpu.memory_space<hbm>> -> memref<7920xi32, #tpu.memory_space<hbm>>
    %dma_start3A_5 = tpu.memref_slice %arg2[%add3A_4] : memref<1013760xi32, #tpu.memory_space<hbm>> -> memref<7920xi32, #tpu.memory_space<hbm>>
    tpu.enqueue_dma source(%dma_start3A_5 : memref<7920xi32, #tpu.memory_space<hbm>>) target(%arg6 : memref<7920xi32, #tpu.memory_space<vmem>>) target_semaphore(%arg12 : memref<!tpu.dma_semaphore, #tpu.memory_space<semaphore_mem>>)
    %dma_start3A_6 = tpu.memref_slice %arg3[%add3A_4] : memref<1013760xi32, #tpu.memory_space<hbm>> -> memref<7920xi32, #tpu.memory_space<hbm>>
    %dma_start3A_7 = tpu.memref_slice %arg3[%add3A_4] : memref<1013760xi32, #tpu.memory_space<hbm>> -> memref<7920xi32, #tpu.memory_space<hbm>>
    tpu.enqueue_dma source(%dma_start3A_7 : memref<7920xi32, #tpu.memory_space<hbm>>) target(%arg8 : memref<7920xi32, #tpu.memory_space<vmem>>) target_semaphore(%arg14 : memref<!tpu.dma_semaphore, #tpu.memory_space<semaphore_mem>>)
    %broadcast_in_dim3A = arith.constant 0.000000e+00 : f32
    %broadcast_in_dim3A_8 = vector.broadcast %broadcast_in_dim3A : f32 to vector<16xf32>
    %parallel_loop3A = arith.constant 0 : i32
    %parallel_loop3A_9 = arith.constant 1024 : i32
    %parallel_loop3A_10 = arith.constant 1 : i32
    scf.for %parallel_loop3A_87 = %parallel_loop3A to %parallel_loop3A_9 step %parallel_loop3A_10  : i32 {
      %parallel_loop3A_88 = arith.constant 16 : i32
      %parallel_loop3A_89 = arith.muli %parallel_loop3A_87, %parallel_loop3A_88 : i32
      %parallel_loop3A_90 = arith.index_cast %parallel_loop3A_89 : i32 to index
      %parallel_loop3A_91 = tpu.vector_load %arg10[%parallel_loop3A_90] {strides = array<i32>} : memref<16384xf32, #tpu.memory_space<vmem>>, vector<16xf32>,
      tpu.vector_store %arg10[%parallel_loop3A_90], %broadcast_in_dim3A_8 {strides = array<i32>} : memref<16384xf32, #tpu.memory_space<vmem>>, vector<16xf32>,
    } {sc.loop_unroll_factor = 16 : i64, sc.parallel_access}
    %broadcast_in_dim3A_11 = arith.constant 0.000000e+00 : f32
    %broadcast_in_dim3A_12 = vector.broadcast %broadcast_in_dim3A_11 : f32 to vector<16xf32>
    %parallel_loop3A_13 = arith.constant 0 : i32
    %parallel_loop3A_14 = arith.constant 1024 : i32
    %parallel_loop3A_15 = arith.constant 1 : i32
    scf.for %parallel_loop3A_87 = %parallel_loop3A_13 to %parallel_loop3A_14 step %parallel_loop3A_15  : i32 {
      %parallel_loop3A_88 = arith.constant 16 : i32
      %parallel_loop3A_89 = arith.muli %parallel_loop3A_87, %parallel_loop3A_88 : i32
      %parallel_loop3A_90 = arith.index_cast %parallel_loop3A_89 : i32 to index
      %parallel_loop3A_91 = tpu.vector_load %arg11[%parallel_loop3A_90] {strides = array<i32>} : memref<16384xf32, #tpu.memory_space<vmem>>, vector<16xf32>,
      tpu.vector_store %arg11[%parallel_loop3A_90], %broadcast_in_dim3A_12 {strides = array<i32>} : memref<16384xf32, #tpu.memory_space<vmem>>, vector<16xf32>,
    } {sc.loop_unroll_factor = 16 : i64, sc.parallel_access}
    %broadcast_in_dim3A_16 = arith.constant 1.000000e+00 : f32
    %broadcast_in_dim3A_17 = vector.broadcast %broadcast_in_dim3A_16 : f32 to vector<16xf32>
    %add3A_18 = arith.constant 7920 : i32
    %add3A_19 = arith.addi %mul3A_2, %add3A_18 : i32
    %dma_start3A_20 = tpu.memref_slice %arg2[%add3A_19] : memref<1013760xi32, #tpu.memory_space<hbm>> -> memref<7920xi32, #tpu.memory_space<hbm>>
    %dma_start3A_21 = tpu.memref_slice %arg2[%add3A_19] : memref<1013760xi32, #tpu.memory_space<hbm>> -> memref<7920xi32, #tpu.memory_space<hbm>>
    tpu.enqueue_dma source(%dma_start3A_21 : memref<7920xi32, #tpu.memory_space<hbm>>) target(%arg7 : memref<7920xi32, #tpu.memory_space<vmem>>) target_semaphore(%arg13 : memref<!tpu.dma_semaphore, #tpu.memory_space<semaphore_mem>>)
    %dma_start3A_22 = tpu.memref_slice %arg3[%add3A_19] : memref<1013760xi32, #tpu.memory_space<hbm>> -> memref<7920xi32, #tpu.memory_space<hbm>>
    %dma_start3A_23 = tpu.memref_slice %arg3[%add3A_19] : memref<1013760xi32, #tpu.memory_space<hbm>> -> memref<7920xi32, #tpu.memory_space<hbm>>
    tpu.enqueue_dma source(%dma_start3A_23 : memref<7920xi32, #tpu.memory_space<hbm>>) target(%arg9 : memref<7920xi32, #tpu.memory_space<vmem>>) target_semaphore(%arg15 : memref<!tpu.dma_semaphore, #tpu.memory_space<semaphore_mem>>)
    %dma_wait3A = tpu.memref_slice %arg2[%add3A_4] : memref<1013760xi32, #tpu.memory_space<hbm>> -> memref<7920xi32, #tpu.memory_space<hbm>>
    %dma_wait3A_24 = tpu.memref_slice %arg2[%add3A_4] : memref<1013760xi32, #tpu.memory_space<hbm>> -> memref<7920xi32, #tpu.memory_space<hbm>>
    tpu.wait_dma2 semaphore(%arg12 : memref<!tpu.dma_semaphore, #tpu.memory_space<semaphore_mem>>) src(%dma_wait3A_24 : memref<7920xi32, #tpu.memory_space<hbm>>) dst(%arg6 : memref<7920xi32, #tpu.memory_space<vmem>>)
    %dma_wait3A_25 = tpu.memref_slice %arg3[%add3A_4] : memref<1013760xi32, #tpu.memory_space<hbm>> -> memref<7920xi32, #tpu.memory_space<hbm>>
    %dma_wait3A_26 = tpu.memref_slice %arg3[%add3A_4] : memref<1013760xi32, #tpu.memory_space<hbm>> -> memref<7920xi32, #tpu.memory_space<hbm>>
    tpu.wait_dma2 semaphore(%arg14 : memref<!tpu.dma_semaphore, #tpu.memory_space<semaphore_mem>>) src(%dma_wait3A_26 : memref<7920xi32, #tpu.memory_space<hbm>>) dst(%arg8 : memref<7920xi32, #tpu.memory_space<vmem>>)
    %parallel_loop3A_27 = arith.constant 0 : i32
    %parallel_loop3A_28 = arith.constant 495 : i32
    %parallel_loop3A_29 = arith.constant 1 : i32
    scf.for %parallel_loop3A_87 = %parallel_loop3A_27 to %parallel_loop3A_28 step %parallel_loop3A_29  : i32 {
      %parallel_loop3A_88 = arith.constant 16 : i32
      %parallel_loop3A_89 = arith.muli %parallel_loop3A_87, %parallel_loop3A_88 : i32
      %parallel_loop3A_90 = arith.index_cast %parallel_loop3A_89 : i32 to index
      %parallel_loop3A_91 = tpu.vector_load %arg6[%parallel_loop3A_90] {strides = array<i32>} : memref<7920xi32, #tpu.memory_space<vmem>>, vector<16xi32>,
      %parallel_loop3A_92 = arith.constant 16 : i32
      %parallel_loop3A_93 = arith.muli %parallel_loop3A_87, %parallel_loop3A_92 : i32
      %parallel_loop3A_94 = arith.index_cast %parallel_loop3A_93 : i32 to index
      %parallel_loop3A_95 = tpu.vector_load %arg8[%parallel_loop3A_94] {strides = array<i32>} : memref<7920xi32, #tpu.memory_space<vmem>>, vector<16xi32>,
      tpu.vector_store_idx %arg10[%parallel_loop3A_91], %broadcast_in_dim3A_17 {add = true} : memref<16384xf32, #tpu.memory_space<vmem>>[vector<16xi32>], vector<16xf32>,
      tpu.vector_store_idx %arg11[%parallel_loop3A_95], %broadcast_in_dim3A_17 {add = true} : memref<16384xf32, #tpu.memory_space<vmem>>[vector<16xi32>], vector<16xf32>,
    } {sc.loop_unroll_factor = 15 : i64, sc.parallel_access}
    %add3A_30 = arith.constant 15840 : i32
    %add3A_31 = arith.addi %mul3A_2, %add3A_30 : i32
    %dma_start3A_32 = tpu.memref_slice %arg2[%add3A_31] : memref<1013760xi32, #tpu.memory_space<hbm>> -> memref<7920xi32, #tpu.memory_space<hbm>>
    %dma_start3A_33 = tpu.memref_slice %arg2[%add3A_31] : memref<1013760xi32, #tpu.memory_space<hbm>> -> memref<7920xi32, #tpu.memory_space<hbm>>
    tpu.enqueue_dma source(%dma_start3A_33 : memref<7920xi32, #tpu.memory_space<hbm>>) target(%arg6 : memref<7920xi32, #tpu.memory_space<vmem>>) target_semaphore(%arg12 : memref<!tpu.dma_semaphore, #tpu.memory_space<semaphore_mem>>)
    %dma_start3A_34 = tpu.memref_slice %arg3[%add3A_31] : memref<1013760xi32, #tpu.memory_space<hbm>> -> memref<7920xi32, #tpu.memory_space<hbm>>
    %dma_start3A_35 = tpu.memref_slice %arg3[%add3A_31] : memref<1013760xi32, #tpu.memory_space<hbm>> -> memref<7920xi32, #tpu.memory_space<hbm>>
    tpu.enqueue_dma source(%dma_start3A_35 : memref<7920xi32, #tpu.memory_space<hbm>>) target(%arg8 : memref<7920xi32, #tpu.memory_space<vmem>>) target_semaphore(%arg14 : memref<!tpu.dma_semaphore, #tpu.memory_space<semaphore_mem>>)
    %dma_wait3A_36 = tpu.memref_slice %arg2[%add3A_19] : memref<1013760xi32, #tpu.memory_space<hbm>> -> memref<7920xi32, #tpu.memory_space<hbm>>
    %dma_wait3A_37 = tpu.memref_slice %arg2[%add3A_19] : memref<1013760xi32, #tpu.memory_space<hbm>> -> memref<7920xi32, #tpu.memory_space<hbm>>
    tpu.wait_dma2 semaphore(%arg13 : memref<!tpu.dma_semaphore, #tpu.memory_space<semaphore_mem>>) src(%dma_wait3A_37 : memref<7920xi32, #tpu.memory_space<hbm>>) dst(%arg7 : memref<7920xi32, #tpu.memory_space<vmem>>)
    %dma_wait3A_38 = tpu.memref_slice %arg3[%add3A_19] : memref<1013760xi32, #tpu.memory_space<hbm>> -> memref<7920xi32, #tpu.memory_space<hbm>>
    %dma_wait3A_39 = tpu.memref_slice %arg3[%add3A_19] : memref<1013760xi32, #tpu.memory_space<hbm>> -> memref<7920xi32, #tpu.memory_space<hbm>>
    tpu.wait_dma2 semaphore(%arg15 : memref<!tpu.dma_semaphore, #tpu.memory_space<semaphore_mem>>) src(%dma_wait3A_39 : memref<7920xi32, #tpu.memory_space<hbm>>) dst(%arg9 : memref<7920xi32, #tpu.memory_space<vmem>>)
    %parallel_loop3A_40 = arith.constant 0 : i32
    %parallel_loop3A_41 = arith.constant 495 : i32
    %parallel_loop3A_42 = arith.constant 1 : i32
    scf.for %parallel_loop3A_87 = %parallel_loop3A_40 to %parallel_loop3A_41 step %parallel_loop3A_42  : i32 {
      %parallel_loop3A_88 = arith.constant 16 : i32
      %parallel_loop3A_89 = arith.muli %parallel_loop3A_87, %parallel_loop3A_88 : i32
      %parallel_loop3A_90 = arith.index_cast %parallel_loop3A_89 : i32 to index
      %parallel_loop3A_91 = tpu.vector_load %arg7[%parallel_loop3A_90] {strides = array<i32>} : memref<7920xi32, #tpu.memory_space<vmem>>, vector<16xi32>,
      %parallel_loop3A_92 = arith.constant 16 : i32
      %parallel_loop3A_93 = arith.muli %parallel_loop3A_87, %parallel_loop3A_92 : i32
      %parallel_loop3A_94 = arith.index_cast %parallel_loop3A_93 : i32 to index
      %parallel_loop3A_95 = tpu.vector_load %arg9[%parallel_loop3A_94] {strides = array<i32>} : memref<7920xi32, #tpu.memory_space<vmem>>, vector<16xi32>,
      tpu.vector_store_idx %arg10[%parallel_loop3A_91], %broadcast_in_dim3A_17 {add = true} : memref<16384xf32, #tpu.memory_space<vmem>>[vector<16xi32>], vector<16xf32>,
      tpu.vector_store_idx %arg11[%parallel_loop3A_95], %broadcast_in_dim3A_17 {add = true} : memref<16384xf32, #tpu.memory_space<vmem>>[vector<16xi32>], vector<16xf32>,
    } {sc.loop_unroll_factor = 15 : i64, sc.parallel_access}
    %add3A_43 = arith.constant 23760 : i32
    %add3A_44 = arith.addi %mul3A_2, %add3A_43 : i32
    %dma_start3A_45 = tpu.memref_slice %arg2[%add3A_44] : memref<1013760xi32, #tpu.memory_space<hbm>> -> memref<7920xi32, #tpu.memory_space<hbm>>
    %dma_start3A_46 = tpu.memref_slice %arg2[%add3A_44] : memref<1013760xi32, #tpu.memory_space<hbm>> -> memref<7920xi32, #tpu.memory_space<hbm>>
    tpu.enqueue_dma source(%dma_start3A_46 : memref<7920xi32, #tpu.memory_space<hbm>>) target(%arg7 : memref<7920xi32, #tpu.memory_space<vmem>>) target_semaphore(%arg13 : memref<!tpu.dma_semaphore, #tpu.memory_space<semaphore_mem>>)
    %dma_start3A_47 = tpu.memref_slice %arg3[%add3A_44] : memref<1013760xi32, #tpu.memory_space<hbm>> -> memref<7920xi32, #tpu.memory_space<hbm>>
    %dma_start3A_48 = tpu.memref_slice %arg3[%add3A_44] : memref<1013760xi32, #tpu.memory_space<hbm>> -> memref<7920xi32, #tpu.memory_space<hbm>>
    tpu.enqueue_dma source(%dma_start3A_48 : memref<7920xi32, #tpu.memory_space<hbm>>) target(%arg9 : memref<7920xi32, #tpu.memory_space<vmem>>) target_semaphore(%arg15 : memref<!tpu.dma_semaphore, #tpu.memory_space<semaphore_mem>>)
    %dma_wait3A_49 = tpu.memref_slice %arg2[%add3A_31] : memref<1013760xi32, #tpu.memory_space<hbm>> -> memref<7920xi32, #tpu.memory_space<hbm>>
    %dma_wait3A_50 = tpu.memref_slice %arg2[%add3A_31] : memref<1013760xi32, #tpu.memory_space<hbm>> -> memref<7920xi32, #tpu.memory_space<hbm>>
    tpu.wait_dma2 semaphore(%arg12 : memref<!tpu.dma_semaphore, #tpu.memory_space<semaphore_mem>>) src(%dma_wait3A_50 : memref<7920xi32, #tpu.memory_space<hbm>>) dst(%arg6 : memref<7920xi32, #tpu.memory_space<vmem>>)
    %dma_wait3A_51 = tpu.memref_slice %arg3[%add3A_31] : memref<1013760xi32, #tpu.memory_space<hbm>> -> memref<7920xi32, #tpu.memory_space<hbm>>
    %dma_wait3A_52 = tpu.memref_slice %arg3[%add3A_31] : memref<1013760xi32, #tpu.memory_space<hbm>> -> memref<7920xi32, #tpu.memory_space<hbm>>
    tpu.wait_dma2 semaphore(%arg14 : memref<!tpu.dma_semaphore, #tpu.memory_space<semaphore_mem>>) src(%dma_wait3A_52 : memref<7920xi32, #tpu.memory_space<hbm>>) dst(%arg8 : memref<7920xi32, #tpu.memory_space<vmem>>)
    %parallel_loop3A_53 = arith.constant 0 : i32
    %parallel_loop3A_54 = arith.constant 495 : i32
    %parallel_loop3A_55 = arith.constant 1 : i32
    scf.for %parallel_loop3A_87 = %parallel_loop3A_53 to %parallel_loop3A_54 step %parallel_loop3A_55  : i32 {
      %parallel_loop3A_88 = arith.constant 16 : i32
      %parallel_loop3A_89 = arith.muli %parallel_loop3A_87, %parallel_loop3A_88 : i32
      %parallel_loop3A_90 = arith.index_cast %parallel_loop3A_89 : i32 to index
      %parallel_loop3A_91 = tpu.vector_load %arg6[%parallel_loop3A_90] {strides = array<i32>} : memref<7920xi32, #tpu.memory_space<vmem>>, vector<16xi32>,
      %parallel_loop3A_92 = arith.constant 16 : i32
      %parallel_loop3A_93 = arith.muli %parallel_loop3A_87, %parallel_loop3A_92 : i32
      %parallel_loop3A_94 = arith.index_cast %parallel_loop3A_93 : i32 to index
      %parallel_loop3A_95 = tpu.vector_load %arg8[%parallel_loop3A_94] {strides = array<i32>} : memref<7920xi32, #tpu.memory_space<vmem>>, vector<16xi32>,
      tpu.vector_store_idx %arg10[%parallel_loop3A_91], %broadcast_in_dim3A_17 {add = true} : memref<16384xf32, #tpu.memory_space<vmem>>[vector<16xi32>], vector<16xf32>,
      tpu.vector_store_idx %arg11[%parallel_loop3A_95], %broadcast_in_dim3A_17 {add = true} : memref<16384xf32, #tpu.memory_space<vmem>>[vector<16xi32>], vector<16xf32>,
    } {sc.loop_unroll_factor = 15 : i64, sc.parallel_access}
    %dma_wait3A_56 = tpu.memref_slice %arg2[%add3A_44] : memref<1013760xi32, #tpu.memory_space<hbm>> -> memref<7920xi32, #tpu.memory_space<hbm>>
    %dma_wait3A_57 = tpu.memref_slice %arg2[%add3A_44] : memref<1013760xi32, #tpu.memory_space<hbm>> -> memref<7920xi32, #tpu.memory_space<hbm>>
    tpu.wait_dma2 semaphore(%arg13 : memref<!tpu.dma_semaphore, #tpu.memory_space<semaphore_mem>>) src(%dma_wait3A_57 : memref<7920xi32, #tpu.memory_space<hbm>>) dst(%arg7 : memref<7920xi32, #tpu.memory_space<vmem>>)
    %dma_wait3A_58 = tpu.memref_slice %arg3[%add3A_44] : memref<1013760xi32, #tpu.memory_space<hbm>> -> memref<7920xi32, #tpu.memory_space<hbm>>
    %dma_wait3A_59 = tpu.memref_slice %arg3[%add3A_44] : memref<1013760xi32, #tpu.memory_space<hbm>> -> memref<7920xi32, #tpu.memory_space<hbm>>
    tpu.wait_dma2 semaphore(%arg15 : memref<!tpu.dma_semaphore, #tpu.memory_space<semaphore_mem>>) src(%dma_wait3A_59 : memref<7920xi32, #tpu.memory_space<hbm>>) dst(%arg9 : memref<7920xi32, #tpu.memory_space<vmem>>)
    %parallel_loop3A_60 = arith.constant 0 : i32
    %parallel_loop3A_61 = arith.constant 495 : i32
    %parallel_loop3A_62 = arith.constant 1 : i32
    scf.for %parallel_loop3A_87 = %parallel_loop3A_60 to %parallel_loop3A_61 step %parallel_loop3A_62  : i32 {
      %parallel_loop3A_88 = arith.constant 16 : i32
      %parallel_loop3A_89 = arith.muli %parallel_loop3A_87, %parallel_loop3A_88 : i32
      %parallel_loop3A_90 = arith.index_cast %parallel_loop3A_89 : i32 to index
      %parallel_loop3A_91 = tpu.vector_load %arg7[%parallel_loop3A_90] {strides = array<i32>} : memref<7920xi32, #tpu.memory_space<vmem>>, vector<16xi32>,
      %parallel_loop3A_92 = arith.constant 16 : i32
      %parallel_loop3A_93 = arith.muli %parallel_loop3A_87, %parallel_loop3A_92 : i32
      %parallel_loop3A_94 = arith.index_cast %parallel_loop3A_93 : i32 to index
      %parallel_loop3A_95 = tpu.vector_load %arg9[%parallel_loop3A_94] {strides = array<i32>} : memref<7920xi32, #tpu.memory_space<vmem>>, vector<16xi32>,
      tpu.vector_store_idx %arg10[%parallel_loop3A_91], %broadcast_in_dim3A_17 {add = true} : memref<16384xf32, #tpu.memory_space<vmem>>[vector<16xi32>], vector<16xf32>,
      tpu.vector_store_idx %arg11[%parallel_loop3A_95], %broadcast_in_dim3A_17 {add = true} : memref<16384xf32, #tpu.memory_space<vmem>>[vector<16xi32>], vector<16xf32>,
    } {sc.loop_unroll_factor = 15 : i64, sc.parallel_access}
    %dma_start3A_63 = arith.constant 0 : i32
    %dma_start3A_64 = tpu.memref_slice %arg4[%add3A, %dma_start3A_63] : memref<32x16384xf32, #tpu.memory_space<hbm>> -> memref<1x16384xf32, #tpu.memory_space<hbm>>
    %dma_start3A_65 = tpu.memref_squeeze %dma_start3A_64 : memref<1x16384xf32, #tpu.memory_space<hbm>> -> memref<16384xf32, #tpu.memory_space<hbm>>
    %dma_start3A_66 = arith.constant 0 : i32
    %dma_start3A_67 = tpu.memref_slice %arg4[%add3A, %dma_start3A_66] : memref<32x16384xf32, #tpu.memory_space<hbm>> -> memref<1x16384xf32, #tpu.memory_space<hbm>>
    %dma_start3A_68 = tpu.memref_squeeze %dma_start3A_67 : memref<1x16384xf32, #tpu.memory_space<hbm>> -> memref<16384xf32, #tpu.memory_space<hbm>>
    tpu.enqueue_dma source(%arg10 : memref<16384xf32, #tpu.memory_space<vmem>>) target(%dma_start3A_68 : memref<16384xf32, #tpu.memory_space<hbm>>) target_semaphore(%arg12 : memref<!tpu.dma_semaphore, #tpu.memory_space<semaphore_mem>>)
    %dma_start3A_69 = arith.constant 0 : i32
    %dma_start3A_70 = tpu.memref_slice %arg5[%add3A, %dma_start3A_69] : memref<32x16384xf32, #tpu.memory_space<hbm>> -> memref<1x16384xf32, #tpu.memory_space<hbm>>
    %dma_start3A_71 = tpu.memref_squeeze %dma_start3A_70 : memref<1x16384xf32, #tpu.memory_space<hbm>> -> memref<16384xf32, #tpu.memory_space<hbm>>
    %dma_start3A_72 = arith.constant 0 : i32
    %dma_start3A_73 = tpu.memref_slice %arg5[%add3A, %dma_start3A_72] : memref<32x16384xf32, #tpu.memory_space<hbm>> -> memref<1x16384xf32, #tpu.memory_space<hbm>>
    %dma_start3A_74 = tpu.memref_squeeze %dma_start3A_73 : memref<1x16384xf32, #tpu.memory_space<hbm>> -> memref<16384xf32, #tpu.memory_space<hbm>>
    tpu.enqueue_dma source(%arg11 : memref<16384xf32, #tpu.memory_space<vmem>>) target(%dma_start3A_74 : memref<16384xf32, #tpu.memory_space<hbm>>) target_semaphore(%arg14 : memref<!tpu.dma_semaphore, #tpu.memory_space<semaphore_mem>>)
    %dma_wait3A_75 = arith.constant 0 : i32
    %dma_wait3A_76 = tpu.memref_slice %arg4[%add3A, %dma_wait3A_75] : memref<32x16384xf32, #tpu.memory_space<hbm>> -> memref<1x16384xf32, #tpu.memory_space<hbm>>
    %dma_wait3A_77 = tpu.memref_squeeze %dma_wait3A_76 : memref<1x16384xf32, #tpu.memory_space<hbm>> -> memref<16384xf32, #tpu.memory_space<hbm>>
    %dma_wait3A_78 = arith.constant 0 : i32
    %dma_wait3A_79 = tpu.memref_slice %arg4[%add3A, %dma_wait3A_78] : memref<32x16384xf32, #tpu.memory_space<hbm>> -> memref<1x16384xf32, #tpu.memory_space<hbm>>
    %dma_wait3A_80 = tpu.memref_squeeze %dma_wait3A_79 : memref<1x16384xf32, #tpu.memory_space<hbm>> -> memref<16384xf32, #tpu.memory_space<hbm>>
    tpu.wait_dma2 semaphore(%arg12 : memref<!tpu.dma_semaphore, #tpu.memory_space<semaphore_mem>>) src(%arg10 : memref<16384xf32, #tpu.memory_space<vmem>>) dst(%dma_wait3A_80 : memref<16384xf32, #tpu.memory_space<hbm>>)
    %dma_wait3A_81 = arith.constant 0 : i32
    %dma_wait3A_82 = tpu.memref_slice %arg5[%add3A, %dma_wait3A_81] : memref<32x16384xf32, #tpu.memory_space<hbm>> -> memref<1x16384xf32, #tpu.memory_space<hbm>>
    %dma_wait3A_83 = tpu.memref_squeeze %dma_wait3A_82 : memref<1x16384xf32, #tpu.memory_space<hbm>> -> memref<16384xf32, #tpu.memory_space<hbm>>
    %dma_wait3A_84 = arith.constant 0 : i32
    %dma_wait3A_85 = tpu.memref_slice %arg5[%add3A, %dma_wait3A_84] : memref<32x16384xf32, #tpu.memory_space<hbm>> -> memref<1x16384xf32, #tpu.memory_space<hbm>>
    %dma_wait3A_86 = tpu.memref_squeeze %dma_wait3A_85 : memref<1x16384xf32, #tpu.memory_space<hbm>> -> memref<16384xf32, #tpu.memory_space<hbm>>
    tpu.wait_dma2 semaphore(%arg14 : memref<!tpu.dma_semaphore, #tpu.memory_space<semaphore_mem>>) src(%arg11 : memref<16384xf32, #tpu.memory_space<vmem>>) dst(%dma_wait3A_86 : memref<16384xf32, #tpu.memory_space<hbm>>)
    return
  }
}

#map = affine_map<(d0, d1) -> (0)>
#map1 = affine_map<(d0, d1) -> (0, 0)>
module attributes {stable_mosaic.version = 14 : i64} {
  func.func @sc_pass(%arg0: i32, %arg1: i32, %arg2: memref<1013760xi32, #tpu.memory_space<hbm>>, %arg3: memref<1013760xi32, #tpu.memory_space<hbm>>, %arg4: memref<16384xf32, #tpu.memory_space<hbm>>, %arg5: memref<32x16384xf32, #tpu.memory_space<hbm>>, %arg6: memref<7920xi32, #tpu.memory_space<vmem>>, %arg7: memref<7920xi32, #tpu.memory_space<vmem>>, %arg8: memref<7920xi32, #tpu.memory_space<vmem>>, %arg9: memref<7920xi32, #tpu.memory_space<vmem>>, %arg10: memref<16384xf32, #tpu.memory_space<vmem>>, %arg11: memref<16384xf32, #tpu.memory_space<vmem>>, %arg12: memref<!tpu.dma_semaphore, #tpu.memory_space<semaphore_mem>>, %arg13: memref<!tpu.dma_semaphore, #tpu.memory_space<semaphore_mem>>, %arg14: memref<!tpu.dma_semaphore, #tpu.memory_space<semaphore_mem>>, %arg15: memref<!tpu.dma_semaphore, #tpu.memory_space<semaphore_mem>>, %arg16: memref<!tpu.dma_semaphore, #tpu.memory_space<semaphore_mem>>) attributes {dimension_semantics = [#tpu.dimension_semantics<core_parallel>, #tpu.dimension_semantics<subcore_parallel>], iteration_bounds = array<i64: 2, 16>, scalar_prefetch = 0 : i64, scratch_operands = 11 : i64, tpu.core_type = #tpu.core_type<sc_vector_subcore>, window_params = [{transform_indices = #map}, {transform_indices = #map}, {transform_indices = #map}, {transform_indices = #map1}]} {
    %mul3A = arith.constant 2 : i32
    %mul3A_0 = arith.muli %arg1, %mul3A : i32
    %add3A = arith.addi %mul3A_0, %arg0 : i32
    %mul3A_1 = arith.constant 31680 : i32
    %mul3A_2 = arith.muli %add3A, %mul3A_1 : i32
    %add3A_3 = arith.constant 0 : i32
    %add3A_4 = arith.addi %mul3A_2, %add3A_3 : i32
    %dma_start3A = tpu.memref_slice %arg2[%add3A_4] : memref<1013760xi32, #tpu.memory_space<hbm>> -> memref<7920xi32, #tpu.memory_space<hbm>>
    %dma_start3A_5 = tpu.memref_slice %arg2[%add3A_4] : memref<1013760xi32, #tpu.memory_space<hbm>> -> memref<7920xi32, #tpu.memory_space<hbm>>
    tpu.enqueue_dma source(%dma_start3A_5 : memref<7920xi32, #tpu.memory_space<hbm>>) target(%arg6 : memref<7920xi32, #tpu.memory_space<vmem>>) target_semaphore(%arg12 : memref<!tpu.dma_semaphore, #tpu.memory_space<semaphore_mem>>)
    %dma_start3A_6 = tpu.memref_slice %arg3[%add3A_4] : memref<1013760xi32, #tpu.memory_space<hbm>> -> memref<7920xi32, #tpu.memory_space<hbm>>
    %dma_start3A_7 = tpu.memref_slice %arg3[%add3A_4] : memref<1013760xi32, #tpu.memory_space<hbm>> -> memref<7920xi32, #tpu.memory_space<hbm>>
    tpu.enqueue_dma source(%dma_start3A_7 : memref<7920xi32, #tpu.memory_space<hbm>>) target(%arg8 : memref<7920xi32, #tpu.memory_space<vmem>>) target_semaphore(%arg14 : memref<!tpu.dma_semaphore, #tpu.memory_space<semaphore_mem>>)
    tpu.enqueue_dma source(%arg4 : memref<16384xf32, #tpu.memory_space<hbm>>) target(%arg10 : memref<16384xf32, #tpu.memory_space<vmem>>) target_semaphore(%arg16 : memref<!tpu.dma_semaphore, #tpu.memory_space<semaphore_mem>>)
    %broadcast_in_dim3A = arith.constant 0.000000e+00 : f32
    %broadcast_in_dim3A_8 = vector.broadcast %broadcast_in_dim3A : f32 to vector<16xf32>
    %parallel_loop3A = arith.constant 0 : i32
    %parallel_loop3A_9 = arith.constant 1024 : i32
    %parallel_loop3A_10 = arith.constant 1 : i32
    scf.for %parallel_loop3A_56 = %parallel_loop3A to %parallel_loop3A_9 step %parallel_loop3A_10  : i32 {
      %parallel_loop3A_57 = arith.constant 16 : i32
      %parallel_loop3A_58 = arith.muli %parallel_loop3A_56, %parallel_loop3A_57 : i32
      %parallel_loop3A_59 = arith.index_cast %parallel_loop3A_58 : i32 to index
      %parallel_loop3A_60 = tpu.vector_load %arg11[%parallel_loop3A_59] {strides = array<i32>} : memref<16384xf32, #tpu.memory_space<vmem>>, vector<16xf32>,
      tpu.vector_store %arg11[%parallel_loop3A_59], %broadcast_in_dim3A_8 {strides = array<i32>} : memref<16384xf32, #tpu.memory_space<vmem>>, vector<16xf32>,
    } {sc.loop_unroll_factor = 16 : i64, sc.parallel_access}
    tpu.wait_dma2 semaphore(%arg16 : memref<!tpu.dma_semaphore, #tpu.memory_space<semaphore_mem>>) src(%arg4 : memref<16384xf32, #tpu.memory_space<hbm>>) dst(%arg10 : memref<16384xf32, #tpu.memory_space<vmem>>)
    %add3A_11 = arith.constant 7920 : i32
    %add3A_12 = arith.addi %mul3A_2, %add3A_11 : i32
    %dma_start3A_13 = tpu.memref_slice %arg2[%add3A_12] : memref<1013760xi32, #tpu.memory_space<hbm>> -> memref<7920xi32, #tpu.memory_space<hbm>>
    %dma_start3A_14 = tpu.memref_slice %arg2[%add3A_12] : memref<1013760xi32, #tpu.memory_space<hbm>> -> memref<7920xi32, #tpu.memory_space<hbm>>
    tpu.enqueue_dma source(%dma_start3A_14 : memref<7920xi32, #tpu.memory_space<hbm>>) target(%arg7 : memref<7920xi32, #tpu.memory_space<vmem>>) target_semaphore(%arg13 : memref<!tpu.dma_semaphore, #tpu.memory_space<semaphore_mem>>)
    %dma_start3A_15 = tpu.memref_slice %arg3[%add3A_12] : memref<1013760xi32, #tpu.memory_space<hbm>> -> memref<7920xi32, #tpu.memory_space<hbm>>
    %dma_start3A_16 = tpu.memref_slice %arg3[%add3A_12] : memref<1013760xi32, #tpu.memory_space<hbm>> -> memref<7920xi32, #tpu.memory_space<hbm>>
    tpu.enqueue_dma source(%dma_start3A_16 : memref<7920xi32, #tpu.memory_space<hbm>>) target(%arg9 : memref<7920xi32, #tpu.memory_space<vmem>>) target_semaphore(%arg15 : memref<!tpu.dma_semaphore, #tpu.memory_space<semaphore_mem>>)
    %dma_wait3A = tpu.memref_slice %arg2[%add3A_4] : memref<1013760xi32, #tpu.memory_space<hbm>> -> memref<7920xi32, #tpu.memory_space<hbm>>
    %dma_wait3A_17 = tpu.memref_slice %arg2[%add3A_4] : memref<1013760xi32, #tpu.memory_space<hbm>> -> memref<7920xi32, #tpu.memory_space<hbm>>
    tpu.wait_dma2 semaphore(%arg12 : memref<!tpu.dma_semaphore, #tpu.memory_space<semaphore_mem>>) src(%dma_wait3A_17 : memref<7920xi32, #tpu.memory_space<hbm>>) dst(%arg6 : memref<7920xi32, #tpu.memory_space<vmem>>)
    %dma_wait3A_18 = tpu.memref_slice %arg3[%add3A_4] : memref<1013760xi32, #tpu.memory_space<hbm>> -> memref<7920xi32, #tpu.memory_space<hbm>>
    %dma_wait3A_19 = tpu.memref_slice %arg3[%add3A_4] : memref<1013760xi32, #tpu.memory_space<hbm>> -> memref<7920xi32, #tpu.memory_space<hbm>>
    tpu.wait_dma2 semaphore(%arg14 : memref<!tpu.dma_semaphore, #tpu.memory_space<semaphore_mem>>) src(%dma_wait3A_19 : memref<7920xi32, #tpu.memory_space<hbm>>) dst(%arg8 : memref<7920xi32, #tpu.memory_space<vmem>>)
    %parallel_loop3A_20 = arith.constant 0 : i32
    %parallel_loop3A_21 = arith.constant 495 : i32
    %parallel_loop3A_22 = arith.constant 1 : i32
    scf.for %parallel_loop3A_56 = %parallel_loop3A_20 to %parallel_loop3A_21 step %parallel_loop3A_22  : i32 {
      %parallel_loop3A_57 = arith.constant 16 : i32
      %parallel_loop3A_58 = arith.muli %parallel_loop3A_56, %parallel_loop3A_57 : i32
      %parallel_loop3A_59 = arith.index_cast %parallel_loop3A_58 : i32 to index
      %parallel_loop3A_60 = tpu.vector_load %arg6[%parallel_loop3A_59] {strides = array<i32>} : memref<7920xi32, #tpu.memory_space<vmem>>, vector<16xi32>,
      %parallel_loop3A_61 = arith.constant 16 : i32
      %parallel_loop3A_62 = arith.muli %parallel_loop3A_56, %parallel_loop3A_61 : i32
      %parallel_loop3A_63 = arith.index_cast %parallel_loop3A_62 : i32 to index
      %parallel_loop3A_64 = tpu.vector_load %arg8[%parallel_loop3A_63] {strides = array<i32>} : memref<7920xi32, #tpu.memory_space<vmem>>, vector<16xi32>,
      %parallel_loop3A_65 = tpu.vector_load_idx %arg10[%parallel_loop3A_60] : memref<16384xf32, #tpu.memory_space<vmem>>[vector<16xi32>], vector<16xf32>,
      tpu.vector_store_idx %arg11[%parallel_loop3A_64], %parallel_loop3A_65 {add = true} : memref<16384xf32, #tpu.memory_space<vmem>>[vector<16xi32>], vector<16xf32>,
    } {sc.loop_unroll_factor = 15 : i64, sc.parallel_access}
    %add3A_23 = arith.constant 15840 : i32
    %add3A_24 = arith.addi %mul3A_2, %add3A_23 : i32
    %dma_start3A_25 = tpu.memref_slice %arg2[%add3A_24] : memref<1013760xi32, #tpu.memory_space<hbm>> -> memref<7920xi32, #tpu.memory_space<hbm>>
    %dma_start3A_26 = tpu.memref_slice %arg2[%add3A_24] : memref<1013760xi32, #tpu.memory_space<hbm>> -> memref<7920xi32, #tpu.memory_space<hbm>>
    tpu.enqueue_dma source(%dma_start3A_26 : memref<7920xi32, #tpu.memory_space<hbm>>) target(%arg6 : memref<7920xi32, #tpu.memory_space<vmem>>) target_semaphore(%arg12 : memref<!tpu.dma_semaphore, #tpu.memory_space<semaphore_mem>>)
    %dma_start3A_27 = tpu.memref_slice %arg3[%add3A_24] : memref<1013760xi32, #tpu.memory_space<hbm>> -> memref<7920xi32, #tpu.memory_space<hbm>>
    %dma_start3A_28 = tpu.memref_slice %arg3[%add3A_24] : memref<1013760xi32, #tpu.memory_space<hbm>> -> memref<7920xi32, #tpu.memory_space<hbm>>
    tpu.enqueue_dma source(%dma_start3A_28 : memref<7920xi32, #tpu.memory_space<hbm>>) target(%arg8 : memref<7920xi32, #tpu.memory_space<vmem>>) target_semaphore(%arg14 : memref<!tpu.dma_semaphore, #tpu.memory_space<semaphore_mem>>)
    %dma_wait3A_29 = tpu.memref_slice %arg2[%add3A_12] : memref<1013760xi32, #tpu.memory_space<hbm>> -> memref<7920xi32, #tpu.memory_space<hbm>>
    %dma_wait3A_30 = tpu.memref_slice %arg2[%add3A_12] : memref<1013760xi32, #tpu.memory_space<hbm>> -> memref<7920xi32, #tpu.memory_space<hbm>>
    tpu.wait_dma2 semaphore(%arg13 : memref<!tpu.dma_semaphore, #tpu.memory_space<semaphore_mem>>) src(%dma_wait3A_30 : memref<7920xi32, #tpu.memory_space<hbm>>) dst(%arg7 : memref<7920xi32, #tpu.memory_space<vmem>>)
    %dma_wait3A_31 = tpu.memref_slice %arg3[%add3A_12] : memref<1013760xi32, #tpu.memory_space<hbm>> -> memref<7920xi32, #tpu.memory_space<hbm>>
    %dma_wait3A_32 = tpu.memref_slice %arg3[%add3A_12] : memref<1013760xi32, #tpu.memory_space<hbm>> -> memref<7920xi32, #tpu.memory_space<hbm>>
    tpu.wait_dma2 semaphore(%arg15 : memref<!tpu.dma_semaphore, #tpu.memory_space<semaphore_mem>>) src(%dma_wait3A_32 : memref<7920xi32, #tpu.memory_space<hbm>>) dst(%arg9 : memref<7920xi32, #tpu.memory_space<vmem>>)
    %parallel_loop3A_33 = arith.constant 0 : i32
    %parallel_loop3A_34 = arith.constant 495 : i32
    %parallel_loop3A_35 = arith.constant 1 : i32
    scf.for %parallel_loop3A_56 = %parallel_loop3A_33 to %parallel_loop3A_34 step %parallel_loop3A_35  : i32 {
      %parallel_loop3A_57 = arith.constant 16 : i32
      %parallel_loop3A_58 = arith.muli %parallel_loop3A_56, %parallel_loop3A_57 : i32
      %parallel_loop3A_59 = arith.index_cast %parallel_loop3A_58 : i32 to index
      %parallel_loop3A_60 = tpu.vector_load %arg7[%parallel_loop3A_59] {strides = array<i32>} : memref<7920xi32, #tpu.memory_space<vmem>>, vector<16xi32>,
      %parallel_loop3A_61 = arith.constant 16 : i32
      %parallel_loop3A_62 = arith.muli %parallel_loop3A_56, %parallel_loop3A_61 : i32
      %parallel_loop3A_63 = arith.index_cast %parallel_loop3A_62 : i32 to index
      %parallel_loop3A_64 = tpu.vector_load %arg9[%parallel_loop3A_63] {strides = array<i32>} : memref<7920xi32, #tpu.memory_space<vmem>>, vector<16xi32>,
      %parallel_loop3A_65 = tpu.vector_load_idx %arg10[%parallel_loop3A_60] : memref<16384xf32, #tpu.memory_space<vmem>>[vector<16xi32>], vector<16xf32>,
      tpu.vector_store_idx %arg11[%parallel_loop3A_64], %parallel_loop3A_65 {add = true} : memref<16384xf32, #tpu.memory_space<vmem>>[vector<16xi32>], vector<16xf32>,
    } {sc.loop_unroll_factor = 15 : i64, sc.parallel_access}
    %add3A_36 = arith.constant 23760 : i32
    %add3A_37 = arith.addi %mul3A_2, %add3A_36 : i32
    %dma_start3A_38 = tpu.memref_slice %arg2[%add3A_37] : memref<1013760xi32, #tpu.memory_space<hbm>> -> memref<7920xi32, #tpu.memory_space<hbm>>
    %dma_start3A_39 = tpu.memref_slice %arg2[%add3A_37] : memref<1013760xi32, #tpu.memory_space<hbm>> -> memref<7920xi32, #tpu.memory_space<hbm>>
    tpu.enqueue_dma source(%dma_start3A_39 : memref<7920xi32, #tpu.memory_space<hbm>>) target(%arg7 : memref<7920xi32, #tpu.memory_space<vmem>>) target_semaphore(%arg13 : memref<!tpu.dma_semaphore, #tpu.memory_space<semaphore_mem>>)
    %dma_start3A_40 = tpu.memref_slice %arg3[%add3A_37] : memref<1013760xi32, #tpu.memory_space<hbm>> -> memref<7920xi32, #tpu.memory_space<hbm>>
    %dma_start3A_41 = tpu.memref_slice %arg3[%add3A_37] : memref<1013760xi32, #tpu.memory_space<hbm>> -> memref<7920xi32, #tpu.memory_space<hbm>>
    tpu.enqueue_dma source(%dma_start3A_41 : memref<7920xi32, #tpu.memory_space<hbm>>) target(%arg9 : memref<7920xi32, #tpu.memory_space<vmem>>) target_semaphore(%arg15 : memref<!tpu.dma_semaphore, #tpu.memory_space<semaphore_mem>>)
    %dma_wait3A_42 = tpu.memref_slice %arg2[%add3A_24] : memref<1013760xi32, #tpu.memory_space<hbm>> -> memref<7920xi32, #tpu.memory_space<hbm>>
    %dma_wait3A_43 = tpu.memref_slice %arg2[%add3A_24] : memref<1013760xi32, #tpu.memory_space<hbm>> -> memref<7920xi32, #tpu.memory_space<hbm>>
    tpu.wait_dma2 semaphore(%arg12 : memref<!tpu.dma_semaphore, #tpu.memory_space<semaphore_mem>>) src(%dma_wait3A_43 : memref<7920xi32, #tpu.memory_space<hbm>>) dst(%arg6 : memref<7920xi32, #tpu.memory_space<vmem>>)
    %dma_wait3A_44 = tpu.memref_slice %arg3[%add3A_24] : memref<1013760xi32, #tpu.memory_space<hbm>> -> memref<7920xi32, #tpu.memory_space<hbm>>
    %dma_wait3A_45 = tpu.memref_slice %arg3[%add3A_24] : memref<1013760xi32, #tpu.memory_space<hbm>> -> memref<7920xi32, #tpu.memory_space<hbm>>
    tpu.wait_dma2 semaphore(%arg14 : memref<!tpu.dma_semaphore, #tpu.memory_space<semaphore_mem>>) src(%dma_wait3A_45 : memref<7920xi32, #tpu.memory_space<hbm>>) dst(%arg8 : memref<7920xi32, #tpu.memory_space<vmem>>)
    %parallel_loop3A_46 = arith.constant 0 : i32
    %parallel_loop3A_47 = arith.constant 495 : i32
    %parallel_loop3A_48 = arith.constant 1 : i32
    scf.for %parallel_loop3A_56 = %parallel_loop3A_46 to %parallel_loop3A_47 step %parallel_loop3A_48  : i32 {
      %parallel_loop3A_57 = arith.constant 16 : i32
      %parallel_loop3A_58 = arith.muli %parallel_loop3A_56, %parallel_loop3A_57 : i32
      %parallel_loop3A_59 = arith.index_cast %parallel_loop3A_58 : i32 to index
      %parallel_loop3A_60 = tpu.vector_load %arg6[%parallel_loop3A_59] {strides = array<i32>} : memref<7920xi32, #tpu.memory_space<vmem>>, vector<16xi32>,
      %parallel_loop3A_61 = arith.constant 16 : i32
      %parallel_loop3A_62 = arith.muli %parallel_loop3A_56, %parallel_loop3A_61 : i32
      %parallel_loop3A_63 = arith.index_cast %parallel_loop3A_62 : i32 to index
      %parallel_loop3A_64 = tpu.vector_load %arg8[%parallel_loop3A_63] {strides = array<i32>} : memref<7920xi32, #tpu.memory_space<vmem>>, vector<16xi32>,
      %parallel_loop3A_65 = tpu.vector_load_idx %arg10[%parallel_loop3A_60] : memref<16384xf32, #tpu.memory_space<vmem>>[vector<16xi32>], vector<16xf32>,
      tpu.vector_store_idx %arg11[%parallel_loop3A_64], %parallel_loop3A_65 {add = true} : memref<16384xf32, #tpu.memory_space<vmem>>[vector<16xi32>], vector<16xf32>,
    } {sc.loop_unroll_factor = 15 : i64, sc.parallel_access}
    %dma_wait3A_49 = tpu.memref_slice %arg2[%add3A_37] : memref<1013760xi32, #tpu.memory_space<hbm>> -> memref<7920xi32, #tpu.memory_space<hbm>>
    %dma_wait3A_50 = tpu.memref_slice %arg2[%add3A_37] : memref<1013760xi32, #tpu.memory_space<hbm>> -> memref<7920xi32, #tpu.memory_space<hbm>>
    tpu.wait_dma2 semaphore(%arg13 : memref<!tpu.dma_semaphore, #tpu.memory_space<semaphore_mem>>) src(%dma_wait3A_50 : memref<7920xi32, #tpu.memory_space<hbm>>) dst(%arg7 : memref<7920xi32, #tpu.memory_space<vmem>>)
    %dma_wait3A_51 = tpu.memref_slice %arg3[%add3A_37] : memref<1013760xi32, #tpu.memory_space<hbm>> -> memref<7920xi32, #tpu.memory_space<hbm>>
    %dma_wait3A_52 = tpu.memref_slice %arg3[%add3A_37] : memref<1013760xi32, #tpu.memory_space<hbm>> -> memref<7920xi32, #tpu.memory_space<hbm>>
    tpu.wait_dma2 semaphore(%arg15 : memref<!tpu.dma_semaphore, #tpu.memory_space<semaphore_mem>>) src(%dma_wait3A_52 : memref<7920xi32, #tpu.memory_space<hbm>>) dst(%arg9 : memref<7920xi32, #tpu.memory_space<vmem>>)
    %parallel_loop3A_53 = arith.constant 0 : i32
    %parallel_loop3A_54 = arith.constant 495 : i32
    %parallel_loop3A_55 = arith.constant 1 : i32
    scf.for %parallel_loop3A_56 = %parallel_loop3A_53 to %parallel_loop3A_54 step %parallel_loop3A_55  : i32 {
      %parallel_loop3A_57 = arith.constant 16 : i32
      %parallel_loop3A_58 = arith.muli %parallel_loop3A_56, %parallel_loop3A_57 : i32
      %parallel_loop3A_59 = arith.index_cast %parallel_loop3A_58 : i32 to index
      %parallel_loop3A_60 = tpu.vector_load %arg7[%parallel_loop3A_59] {strides = array<i32>} : memref<7920xi32, #tpu.memory_space<vmem>>, vector<16xi32>,
      %parallel_loop3A_61 = arith.constant 16 : i32
      %parallel_loop3A_62 = arith.muli %parallel_loop3A_56, %parallel_loop3A_61 : i32
      %parallel_loop3A_63 = arith.index_cast %parallel_loop3A_62 : i32 to index
      %parallel_loop3A_64 = tpu.vector_load %arg9[%parallel_loop3A_63] {strides = array<i32>} : memref<7920xi32, #tpu.memory_space<vmem>>, vector<16xi32>,
      %parallel_loop3A_65 = tpu.vector_load_idx %arg10[%parallel_loop3A_60] : memref<16384xf32, #tpu.memory_space<vmem>>[vector<16xi32>], vector<16xf32>,
      tpu.vector_store_idx %arg11[%parallel_loop3A_64], %parallel_loop3A_65 {add = true} : memref<16384xf32, #tpu.memory_space<vmem>>[vector<16xi32>], vector<16xf32>,
    } {sc.loop_unroll_factor = 15 : i64, sc.parallel_access}
    "tpu.region"() ({
      %run_scoped3A = tpu.sem_alloc : memref<!tpu.dma_semaphore, #tpu.memory_space<semaphore_mem>>
      %dma_start3A_56 = arith.constant 0 : i32
      %dma_start3A_57 = tpu.memref_slice %arg5[%add3A, %dma_start3A_56] : memref<32x16384xf32, #tpu.memory_space<hbm>> -> memref<1x16384xf32, #tpu.memory_space<hbm>>
      %dma_start3A_58 = tpu.memref_squeeze %dma_start3A_57 : memref<1x16384xf32, #tpu.memory_space<hbm>> -> memref<16384xf32, #tpu.memory_space<hbm>>
      %dma_start3A_59 = arith.constant 0 : i32
      %dma_start3A_60 = tpu.memref_slice %arg5[%add3A, %dma_start3A_59] : memref<32x16384xf32, #tpu.memory_space<hbm>> -> memref<1x16384xf32, #tpu.memory_space<hbm>>
      %dma_start3A_61 = tpu.memref_squeeze %dma_start3A_60 : memref<1x16384xf32, #tpu.memory_space<hbm>> -> memref<16384xf32, #tpu.memory_space<hbm>>
      tpu.enqueue_dma source(%arg11 : memref<16384xf32, #tpu.memory_space<vmem>>) target(%dma_start3A_61 : memref<16384xf32, #tpu.memory_space<hbm>>) target_semaphore(%run_scoped3A : memref<!tpu.dma_semaphore, #tpu.memory_space<semaphore_mem>>)
      %dma_wait3A_62 = arith.constant 0 : i32
      %dma_wait3A_63 = tpu.memref_slice %arg5[%add3A, %dma_wait3A_62] : memref<32x16384xf32, #tpu.memory_space<hbm>> -> memref<1x16384xf32, #tpu.memory_space<hbm>>
      %dma_wait3A_64 = tpu.memref_squeeze %dma_wait3A_63 : memref<1x16384xf32, #tpu.memory_space<hbm>> -> memref<16384xf32, #tpu.memory_space<hbm>>
      %dma_wait3A_65 = arith.constant 0 : i32
      %dma_wait3A_66 = tpu.memref_slice %arg5[%add3A, %dma_wait3A_65] : memref<32x16384xf32, #tpu.memory_space<hbm>> -> memref<1x16384xf32, #tpu.memory_space<hbm>>
      %dma_wait3A_67 = tpu.memref_squeeze %dma_wait3A_66 : memref<1x16384xf32, #tpu.memory_space<hbm>> -> memref<16384xf32, #tpu.memory_space<hbm>>
      tpu.wait_dma2 semaphore(%run_scoped3A : memref<!tpu.dma_semaphore, #tpu.memory_space<semaphore_mem>>) src(%arg11 : memref<16384xf32, #tpu.memory_space<vmem>>) dst(%dma_wait3A_67 : memref<16384xf32, #tpu.memory_space<hbm>>)
      tpu.yield
    }) : () -> ()
    return
  }
}

#map = affine_map<(d0, d1) -> (0)>
#map1 = affine_map<(d0, d1) -> (0, 0)>
module attributes {stable_mosaic.version = 14 : i64} {
  func.func @sc_pass(%arg0: i32, %arg1: i32, %arg2: memref<1013760xi32, #tpu.memory_space<hbm>>, %arg3: memref<1013760xi32, #tpu.memory_space<hbm>>, %arg4: memref<16384xf32, #tpu.memory_space<hbm>>, %arg5: memref<32x16384xf32, #tpu.memory_space<hbm>>, %arg6: memref<7920xi32, #tpu.memory_space<vmem>>, %arg7: memref<7920xi32, #tpu.memory_space<vmem>>, %arg8: memref<7920xi32, #tpu.memory_space<vmem>>, %arg9: memref<7920xi32, #tpu.memory_space<vmem>>, %arg10: memref<16384xf32, #tpu.memory_space<vmem>>, %arg11: memref<16384xf32, #tpu.memory_space<vmem>>, %arg12: memref<!tpu.dma_semaphore, #tpu.memory_space<semaphore_mem>>, %arg13: memref<!tpu.dma_semaphore, #tpu.memory_space<semaphore_mem>>, %arg14: memref<!tpu.dma_semaphore, #tpu.memory_space<semaphore_mem>>, %arg15: memref<!tpu.dma_semaphore, #tpu.memory_space<semaphore_mem>>, %arg16: memref<!tpu.dma_semaphore, #tpu.memory_space<semaphore_mem>>) attributes {dimension_semantics = [#tpu.dimension_semantics<core_parallel>, #tpu.dimension_semantics<subcore_parallel>], iteration_bounds = array<i64: 2, 16>, scalar_prefetch = 0 : i64, scratch_operands = 11 : i64, tpu.core_type = #tpu.core_type<sc_vector_subcore>, window_params = [{transform_indices = #map}, {transform_indices = #map}, {transform_indices = #map}, {transform_indices = #map1}]} {
    %mul3A = arith.constant 2 : i32
    %mul3A_0 = arith.muli %arg1, %mul3A : i32
    %add3A = arith.addi %mul3A_0, %arg0 : i32
    %mul3A_1 = arith.constant 31680 : i32
    %mul3A_2 = arith.muli %add3A, %mul3A_1 : i32
    %add3A_3 = arith.constant 0 : i32
    %add3A_4 = arith.addi %mul3A_2, %add3A_3 : i32
    %dma_start3A = tpu.memref_slice %arg2[%add3A_4] : memref<1013760xi32, #tpu.memory_space<hbm>> -> memref<7920xi32, #tpu.memory_space<hbm>>
    %dma_start3A_5 = tpu.memref_slice %arg2[%add3A_4] : memref<1013760xi32, #tpu.memory_space<hbm>> -> memref<7920xi32, #tpu.memory_space<hbm>>
    tpu.enqueue_dma source(%dma_start3A_5 : memref<7920xi32, #tpu.memory_space<hbm>>) target(%arg6 : memref<7920xi32, #tpu.memory_space<vmem>>) target_semaphore(%arg12 : memref<!tpu.dma_semaphore, #tpu.memory_space<semaphore_mem>>)
    %dma_start3A_6 = tpu.memref_slice %arg3[%add3A_4] : memref<1013760xi32, #tpu.memory_space<hbm>> -> memref<7920xi32, #tpu.memory_space<hbm>>
    %dma_start3A_7 = tpu.memref_slice %arg3[%add3A_4] : memref<1013760xi32, #tpu.memory_space<hbm>> -> memref<7920xi32, #tpu.memory_space<hbm>>
    tpu.enqueue_dma source(%dma_start3A_7 : memref<7920xi32, #tpu.memory_space<hbm>>) target(%arg8 : memref<7920xi32, #tpu.memory_space<vmem>>) target_semaphore(%arg14 : memref<!tpu.dma_semaphore, #tpu.memory_space<semaphore_mem>>)
    tpu.enqueue_dma source(%arg4 : memref<16384xf32, #tpu.memory_space<hbm>>) target(%arg10 : memref<16384xf32, #tpu.memory_space<vmem>>) target_semaphore(%arg16 : memref<!tpu.dma_semaphore, #tpu.memory_space<semaphore_mem>>)
    %broadcast_in_dim3A = arith.constant 0.000000e+00 : f32
    %broadcast_in_dim3A_8 = vector.broadcast %broadcast_in_dim3A : f32 to vector<16xf32>
    %parallel_loop3A = arith.constant 0 : i32
    %parallel_loop3A_9 = arith.constant 1024 : i32
    %parallel_loop3A_10 = arith.constant 1 : i32
    scf.for %parallel_loop3A_56 = %parallel_loop3A to %parallel_loop3A_9 step %parallel_loop3A_10  : i32 {
      %parallel_loop3A_57 = arith.constant 16 : i32
      %parallel_loop3A_58 = arith.muli %parallel_loop3A_56, %parallel_loop3A_57 : i32
      %parallel_loop3A_59 = arith.index_cast %parallel_loop3A_58 : i32 to index
      %parallel_loop3A_60 = tpu.vector_load %arg11[%parallel_loop3A_59] {strides = array<i32>} : memref<16384xf32, #tpu.memory_space<vmem>>, vector<16xf32>,
      tpu.vector_store %arg11[%parallel_loop3A_59], %broadcast_in_dim3A_8 {strides = array<i32>} : memref<16384xf32, #tpu.memory_space<vmem>>, vector<16xf32>,
    } {sc.loop_unroll_factor = 16 : i64, sc.parallel_access}
    tpu.wait_dma2 semaphore(%arg16 : memref<!tpu.dma_semaphore, #tpu.memory_space<semaphore_mem>>) src(%arg4 : memref<16384xf32, #tpu.memory_space<hbm>>) dst(%arg10 : memref<16384xf32, #tpu.memory_space<vmem>>)
    %add3A_11 = arith.constant 7920 : i32
    %add3A_12 = arith.addi %mul3A_2, %add3A_11 : i32
    %dma_start3A_13 = tpu.memref_slice %arg2[%add3A_12] : memref<1013760xi32, #tpu.memory_space<hbm>> -> memref<7920xi32, #tpu.memory_space<hbm>>
    %dma_start3A_14 = tpu.memref_slice %arg2[%add3A_12] : memref<1013760xi32, #tpu.memory_space<hbm>> -> memref<7920xi32, #tpu.memory_space<hbm>>
    tpu.enqueue_dma source(%dma_start3A_14 : memref<7920xi32, #tpu.memory_space<hbm>>) target(%arg7 : memref<7920xi32, #tpu.memory_space<vmem>>) target_semaphore(%arg13 : memref<!tpu.dma_semaphore, #tpu.memory_space<semaphore_mem>>)
    %dma_start3A_15 = tpu.memref_slice %arg3[%add3A_12] : memref<1013760xi32, #tpu.memory_space<hbm>> -> memref<7920xi32, #tpu.memory_space<hbm>>
    %dma_start3A_16 = tpu.memref_slice %arg3[%add3A_12] : memref<1013760xi32, #tpu.memory_space<hbm>> -> memref<7920xi32, #tpu.memory_space<hbm>>
    tpu.enqueue_dma source(%dma_start3A_16 : memref<7920xi32, #tpu.memory_space<hbm>>) target(%arg9 : memref<7920xi32, #tpu.memory_space<vmem>>) target_semaphore(%arg15 : memref<!tpu.dma_semaphore, #tpu.memory_space<semaphore_mem>>)
    %dma_wait3A = tpu.memref_slice %arg2[%add3A_4] : memref<1013760xi32, #tpu.memory_space<hbm>> -> memref<7920xi32, #tpu.memory_space<hbm>>
    %dma_wait3A_17 = tpu.memref_slice %arg2[%add3A_4] : memref<1013760xi32, #tpu.memory_space<hbm>> -> memref<7920xi32, #tpu.memory_space<hbm>>
    tpu.wait_dma2 semaphore(%arg12 : memref<!tpu.dma_semaphore, #tpu.memory_space<semaphore_mem>>) src(%dma_wait3A_17 : memref<7920xi32, #tpu.memory_space<hbm>>) dst(%arg6 : memref<7920xi32, #tpu.memory_space<vmem>>)
    %dma_wait3A_18 = tpu.memref_slice %arg3[%add3A_4] : memref<1013760xi32, #tpu.memory_space<hbm>> -> memref<7920xi32, #tpu.memory_space<hbm>>
    %dma_wait3A_19 = tpu.memref_slice %arg3[%add3A_4] : memref<1013760xi32, #tpu.memory_space<hbm>> -> memref<7920xi32, #tpu.memory_space<hbm>>
    tpu.wait_dma2 semaphore(%arg14 : memref<!tpu.dma_semaphore, #tpu.memory_space<semaphore_mem>>) src(%dma_wait3A_19 : memref<7920xi32, #tpu.memory_space<hbm>>) dst(%arg8 : memref<7920xi32, #tpu.memory_space<vmem>>)
    %parallel_loop3A_20 = arith.constant 0 : i32
    %parallel_loop3A_21 = arith.constant 495 : i32
    %parallel_loop3A_22 = arith.constant 1 : i32
    scf.for %parallel_loop3A_56 = %parallel_loop3A_20 to %parallel_loop3A_21 step %parallel_loop3A_22  : i32 {
      %parallel_loop3A_57 = arith.constant 16 : i32
      %parallel_loop3A_58 = arith.muli %parallel_loop3A_56, %parallel_loop3A_57 : i32
      %parallel_loop3A_59 = arith.index_cast %parallel_loop3A_58 : i32 to index
      %parallel_loop3A_60 = tpu.vector_load %arg6[%parallel_loop3A_59] {strides = array<i32>} : memref<7920xi32, #tpu.memory_space<vmem>>, vector<16xi32>,
      %parallel_loop3A_61 = arith.constant 16 : i32
      %parallel_loop3A_62 = arith.muli %parallel_loop3A_56, %parallel_loop3A_61 : i32
      %parallel_loop3A_63 = arith.index_cast %parallel_loop3A_62 : i32 to index
      %parallel_loop3A_64 = tpu.vector_load %arg8[%parallel_loop3A_63] {strides = array<i32>} : memref<7920xi32, #tpu.memory_space<vmem>>, vector<16xi32>,
      %parallel_loop3A_65 = tpu.vector_load_idx %arg10[%parallel_loop3A_60] : memref<16384xf32, #tpu.memory_space<vmem>>[vector<16xi32>], vector<16xf32>,
      tpu.vector_store_idx %arg11[%parallel_loop3A_64], %parallel_loop3A_65 {add = true} : memref<16384xf32, #tpu.memory_space<vmem>>[vector<16xi32>], vector<16xf32>,
    } {sc.loop_unroll_factor = 15 : i64, sc.parallel_access}
    %add3A_23 = arith.constant 15840 : i32
    %add3A_24 = arith.addi %mul3A_2, %add3A_23 : i32
    %dma_start3A_25 = tpu.memref_slice %arg2[%add3A_24] : memref<1013760xi32, #tpu.memory_space<hbm>> -> memref<7920xi32, #tpu.memory_space<hbm>>
    %dma_start3A_26 = tpu.memref_slice %arg2[%add3A_24] : memref<1013760xi32, #tpu.memory_space<hbm>> -> memref<7920xi32, #tpu.memory_space<hbm>>
    tpu.enqueue_dma source(%dma_start3A_26 : memref<7920xi32, #tpu.memory_space<hbm>>) target(%arg6 : memref<7920xi32, #tpu.memory_space<vmem>>) target_semaphore(%arg12 : memref<!tpu.dma_semaphore, #tpu.memory_space<semaphore_mem>>)
    %dma_start3A_27 = tpu.memref_slice %arg3[%add3A_24] : memref<1013760xi32, #tpu.memory_space<hbm>> -> memref<7920xi32, #tpu.memory_space<hbm>>
    %dma_start3A_28 = tpu.memref_slice %arg3[%add3A_24] : memref<1013760xi32, #tpu.memory_space<hbm>> -> memref<7920xi32, #tpu.memory_space<hbm>>
    tpu.enqueue_dma source(%dma_start3A_28 : memref<7920xi32, #tpu.memory_space<hbm>>) target(%arg8 : memref<7920xi32, #tpu.memory_space<vmem>>) target_semaphore(%arg14 : memref<!tpu.dma_semaphore, #tpu.memory_space<semaphore_mem>>)
    %dma_wait3A_29 = tpu.memref_slice %arg2[%add3A_12] : memref<1013760xi32, #tpu.memory_space<hbm>> -> memref<7920xi32, #tpu.memory_space<hbm>>
    %dma_wait3A_30 = tpu.memref_slice %arg2[%add3A_12] : memref<1013760xi32, #tpu.memory_space<hbm>> -> memref<7920xi32, #tpu.memory_space<hbm>>
    tpu.wait_dma2 semaphore(%arg13 : memref<!tpu.dma_semaphore, #tpu.memory_space<semaphore_mem>>) src(%dma_wait3A_30 : memref<7920xi32, #tpu.memory_space<hbm>>) dst(%arg7 : memref<7920xi32, #tpu.memory_space<vmem>>)
    %dma_wait3A_31 = tpu.memref_slice %arg3[%add3A_12] : memref<1013760xi32, #tpu.memory_space<hbm>> -> memref<7920xi32, #tpu.memory_space<hbm>>
    %dma_wait3A_32 = tpu.memref_slice %arg3[%add3A_12] : memref<1013760xi32, #tpu.memory_space<hbm>> -> memref<7920xi32, #tpu.memory_space<hbm>>
    tpu.wait_dma2 semaphore(%arg15 : memref<!tpu.dma_semaphore, #tpu.memory_space<semaphore_mem>>) src(%dma_wait3A_32 : memref<7920xi32, #tpu.memory_space<hbm>>) dst(%arg9 : memref<7920xi32, #tpu.memory_space<vmem>>)
    %parallel_loop3A_33 = arith.constant 0 : i32
    %parallel_loop3A_34 = arith.constant 495 : i32
    %parallel_loop3A_35 = arith.constant 1 : i32
    scf.for %parallel_loop3A_56 = %parallel_loop3A_33 to %parallel_loop3A_34 step %parallel_loop3A_35  : i32 {
      %parallel_loop3A_57 = arith.constant 16 : i32
      %parallel_loop3A_58 = arith.muli %parallel_loop3A_56, %parallel_loop3A_57 : i32
      %parallel_loop3A_59 = arith.index_cast %parallel_loop3A_58 : i32 to index
      %parallel_loop3A_60 = tpu.vector_load %arg7[%parallel_loop3A_59] {strides = array<i32>} : memref<7920xi32, #tpu.memory_space<vmem>>, vector<16xi32>,
      %parallel_loop3A_61 = arith.constant 16 : i32
      %parallel_loop3A_62 = arith.muli %parallel_loop3A_56, %parallel_loop3A_61 : i32
      %parallel_loop3A_63 = arith.index_cast %parallel_loop3A_62 : i32 to index
      %parallel_loop3A_64 = tpu.vector_load %arg9[%parallel_loop3A_63] {strides = array<i32>} : memref<7920xi32, #tpu.memory_space<vmem>>, vector<16xi32>,
      %parallel_loop3A_65 = tpu.vector_load_idx %arg10[%parallel_loop3A_60] : memref<16384xf32, #tpu.memory_space<vmem>>[vector<16xi32>], vector<16xf32>,
      tpu.vector_store_idx %arg11[%parallel_loop3A_64], %parallel_loop3A_65 {add = true} : memref<16384xf32, #tpu.memory_space<vmem>>[vector<16xi32>], vector<16xf32>,
    } {sc.loop_unroll_factor = 15 : i64, sc.parallel_access}
    %add3A_36 = arith.constant 23760 : i32
    %add3A_37 = arith.addi %mul3A_2, %add3A_36 : i32
    %dma_start3A_38 = tpu.memref_slice %arg2[%add3A_37] : memref<1013760xi32, #tpu.memory_space<hbm>> -> memref<7920xi32, #tpu.memory_space<hbm>>
    %dma_start3A_39 = tpu.memref_slice %arg2[%add3A_37] : memref<1013760xi32, #tpu.memory_space<hbm>> -> memref<7920xi32, #tpu.memory_space<hbm>>
    tpu.enqueue_dma source(%dma_start3A_39 : memref<7920xi32, #tpu.memory_space<hbm>>) target(%arg7 : memref<7920xi32, #tpu.memory_space<vmem>>) target_semaphore(%arg13 : memref<!tpu.dma_semaphore, #tpu.memory_space<semaphore_mem>>)
    %dma_start3A_40 = tpu.memref_slice %arg3[%add3A_37] : memref<1013760xi32, #tpu.memory_space<hbm>> -> memref<7920xi32, #tpu.memory_space<hbm>>
    %dma_start3A_41 = tpu.memref_slice %arg3[%add3A_37] : memref<1013760xi32, #tpu.memory_space<hbm>> -> memref<7920xi32, #tpu.memory_space<hbm>>
    tpu.enqueue_dma source(%dma_start3A_41 : memref<7920xi32, #tpu.memory_space<hbm>>) target(%arg9 : memref<7920xi32, #tpu.memory_space<vmem>>) target_semaphore(%arg15 : memref<!tpu.dma_semaphore, #tpu.memory_space<semaphore_mem>>)
    %dma_wait3A_42 = tpu.memref_slice %arg2[%add3A_24] : memref<1013760xi32, #tpu.memory_space<hbm>> -> memref<7920xi32, #tpu.memory_space<hbm>>
    %dma_wait3A_43 = tpu.memref_slice %arg2[%add3A_24] : memref<1013760xi32, #tpu.memory_space<hbm>> -> memref<7920xi32, #tpu.memory_space<hbm>>
    tpu.wait_dma2 semaphore(%arg12 : memref<!tpu.dma_semaphore, #tpu.memory_space<semaphore_mem>>) src(%dma_wait3A_43 : memref<7920xi32, #tpu.memory_space<hbm>>) dst(%arg6 : memref<7920xi32, #tpu.memory_space<vmem>>)
    %dma_wait3A_44 = tpu.memref_slice %arg3[%add3A_24] : memref<1013760xi32, #tpu.memory_space<hbm>> -> memref<7920xi32, #tpu.memory_space<hbm>>
    %dma_wait3A_45 = tpu.memref_slice %arg3[%add3A_24] : memref<1013760xi32, #tpu.memory_space<hbm>> -> memref<7920xi32, #tpu.memory_space<hbm>>
    tpu.wait_dma2 semaphore(%arg14 : memref<!tpu.dma_semaphore, #tpu.memory_space<semaphore_mem>>) src(%dma_wait3A_45 : memref<7920xi32, #tpu.memory_space<hbm>>) dst(%arg8 : memref<7920xi32, #tpu.memory_space<vmem>>)
    %parallel_loop3A_46 = arith.constant 0 : i32
    %parallel_loop3A_47 = arith.constant 495 : i32
    %parallel_loop3A_48 = arith.constant 1 : i32
    scf.for %parallel_loop3A_56 = %parallel_loop3A_46 to %parallel_loop3A_47 step %parallel_loop3A_48  : i32 {
      %parallel_loop3A_57 = arith.constant 16 : i32
      %parallel_loop3A_58 = arith.muli %parallel_loop3A_56, %parallel_loop3A_57 : i32
      %parallel_loop3A_59 = arith.index_cast %parallel_loop3A_58 : i32 to index
      %parallel_loop3A_60 = tpu.vector_load %arg6[%parallel_loop3A_59] {strides = array<i32>} : memref<7920xi32, #tpu.memory_space<vmem>>, vector<16xi32>,
      %parallel_loop3A_61 = arith.constant 16 : i32
      %parallel_loop3A_62 = arith.muli %parallel_loop3A_56, %parallel_loop3A_61 : i32
      %parallel_loop3A_63 = arith.index_cast %parallel_loop3A_62 : i32 to index
      %parallel_loop3A_64 = tpu.vector_load %arg8[%parallel_loop3A_63] {strides = array<i32>} : memref<7920xi32, #tpu.memory_space<vmem>>, vector<16xi32>,
      %parallel_loop3A_65 = tpu.vector_load_idx %arg10[%parallel_loop3A_60] : memref<16384xf32, #tpu.memory_space<vmem>>[vector<16xi32>], vector<16xf32>,
      tpu.vector_store_idx %arg11[%parallel_loop3A_64], %parallel_loop3A_65 {add = true} : memref<16384xf32, #tpu.memory_space<vmem>>[vector<16xi32>], vector<16xf32>,
    } {sc.loop_unroll_factor = 15 : i64, sc.parallel_access}
    %dma_wait3A_49 = tpu.memref_slice %arg2[%add3A_37] : memref<1013760xi32, #tpu.memory_space<hbm>> -> memref<7920xi32, #tpu.memory_space<hbm>>
    %dma_wait3A_50 = tpu.memref_slice %arg2[%add3A_37] : memref<1013760xi32, #tpu.memory_space<hbm>> -> memref<7920xi32, #tpu.memory_space<hbm>>
    tpu.wait_dma2 semaphore(%arg13 : memref<!tpu.dma_semaphore, #tpu.memory_space<semaphore_mem>>) src(%dma_wait3A_50 : memref<7920xi32, #tpu.memory_space<hbm>>) dst(%arg7 : memref<7920xi32, #tpu.memory_space<vmem>>)
    %dma_wait3A_51 = tpu.memref_slice %arg3[%add3A_37] : memref<1013760xi32, #tpu.memory_space<hbm>> -> memref<7920xi32, #tpu.memory_space<hbm>>
    %dma_wait3A_52 = tpu.memref_slice %arg3[%add3A_37] : memref<1013760xi32, #tpu.memory_space<hbm>> -> memref<7920xi32, #tpu.memory_space<hbm>>
    tpu.wait_dma2 semaphore(%arg15 : memref<!tpu.dma_semaphore, #tpu.memory_space<semaphore_mem>>) src(%dma_wait3A_52 : memref<7920xi32, #tpu.memory_space<hbm>>) dst(%arg9 : memref<7920xi32, #tpu.memory_space<vmem>>)
    %parallel_loop3A_53 = arith.constant 0 : i32
    %parallel_loop3A_54 = arith.constant 495 : i32
    %parallel_loop3A_55 = arith.constant 1 : i32
    scf.for %parallel_loop3A_56 = %parallel_loop3A_53 to %parallel_loop3A_54 step %parallel_loop3A_55  : i32 {
      %parallel_loop3A_57 = arith.constant 16 : i32
      %parallel_loop3A_58 = arith.muli %parallel_loop3A_56, %parallel_loop3A_57 : i32
      %parallel_loop3A_59 = arith.index_cast %parallel_loop3A_58 : i32 to index
      %parallel_loop3A_60 = tpu.vector_load %arg7[%parallel_loop3A_59] {strides = array<i32>} : memref<7920xi32, #tpu.memory_space<vmem>>, vector<16xi32>,
      %parallel_loop3A_61 = arith.constant 16 : i32
      %parallel_loop3A_62 = arith.muli %parallel_loop3A_56, %parallel_loop3A_61 : i32
      %parallel_loop3A_63 = arith.index_cast %parallel_loop3A_62 : i32 to index
      %parallel_loop3A_64 = tpu.vector_load %arg9[%parallel_loop3A_63] {strides = array<i32>} : memref<7920xi32, #tpu.memory_space<vmem>>, vector<16xi32>,
      %parallel_loop3A_65 = tpu.vector_load_idx %arg10[%parallel_loop3A_60] : memref<16384xf32, #tpu.memory_space<vmem>>[vector<16xi32>], vector<16xf32>,
      tpu.vector_store_idx %arg11[%parallel_loop3A_64], %parallel_loop3A_65 {add = true} : memref<16384xf32, #tpu.memory_space<vmem>>[vector<16xi32>], vector<16xf32>,
    } {sc.loop_unroll_factor = 15 : i64, sc.parallel_access}
    "tpu.region"() ({
      %run_scoped3A = tpu.sem_alloc : memref<!tpu.dma_semaphore, #tpu.memory_space<semaphore_mem>>
      %dma_start3A_56 = arith.constant 0 : i32
      %dma_start3A_57 = tpu.memref_slice %arg5[%add3A, %dma_start3A_56] : memref<32x16384xf32, #tpu.memory_space<hbm>> -> memref<1x16384xf32, #tpu.memory_space<hbm>>
      %dma_start3A_58 = tpu.memref_squeeze %dma_start3A_57 : memref<1x16384xf32, #tpu.memory_space<hbm>> -> memref<16384xf32, #tpu.memory_space<hbm>>
      %dma_start3A_59 = arith.constant 0 : i32
      %dma_start3A_60 = tpu.memref_slice %arg5[%add3A, %dma_start3A_59] : memref<32x16384xf32, #tpu.memory_space<hbm>> -> memref<1x16384xf32, #tpu.memory_space<hbm>>
      %dma_start3A_61 = tpu.memref_squeeze %dma_start3A_60 : memref<1x16384xf32, #tpu.memory_space<hbm>> -> memref<16384xf32, #tpu.memory_space<hbm>>
      tpu.enqueue_dma source(%arg11 : memref<16384xf32, #tpu.memory_space<vmem>>) target(%dma_start3A_61 : memref<16384xf32, #tpu.memory_space<hbm>>) target_semaphore(%run_scoped3A : memref<!tpu.dma_semaphore, #tpu.memory_space<semaphore_mem>>)
      %dma_wait3A_62 = arith.constant 0 : i32
      %dma_wait3A_63 = tpu.memref_slice %arg5[%add3A, %dma_wait3A_62] : memref<32x16384xf32, #tpu.memory_space<hbm>> -> memref<1x16384xf32, #tpu.memory_space<hbm>>
      %dma_wait3A_64 = tpu.memref_squeeze %dma_wait3A_63 : memref<1x16384xf32, #tpu.memory_space<hbm>> -> memref<16384xf32, #tpu.memory_space<hbm>>
      %dma_wait3A_65 = arith.constant 0 : i32
      %dma_wait3A_66 = tpu.memref_slice %arg5[%add3A, %dma_wait3A_65] : memref<32x16384xf32, #tpu.memory_space<hbm>> -> memref<1x16384xf32, #tpu.memory_space<hbm>>
      %dma_wait3A_67 = tpu.memref_squeeze %dma_wait3A_66 : memref<1x16384xf32, #tpu.memory_space<hbm>> -> memref<16384xf32, #tpu.memory_space<hbm>>
      tpu.wait_dma2 semaphore(%run_scoped3A : memref<!tpu.dma_semaphore, #tpu.memory_space<semaphore_mem>>) src(%arg11 : memref<16384xf32, #tpu.memory_space<vmem>>) dst(%dma_wait3A_67 : memref<16384xf32, #tpu.memory_space<hbm>>)
      tpu.yield
    }) : () -> ()
    return
  }
}

module attributes {stable_mosaic.version = 14 : i64} {
  func.func @_tc_mid_body(%arg0: memref<32x16384xf32, #tpu.memory_space<vmem>>, %arg1: memref<1x16384xf32, #tpu.memory_space<vmem>>, %arg2: memref<1x16384xf32, #tpu.memory_space<vmem>>, %arg3: memref<1x16384xf32, #tpu.memory_space<vmem>>) attributes {dimension_semantics = [], scalar_prefetch = 0 : i64, scratch_operands = 0 : i64, tpu.core_type = #tpu.core_type<tc>} {
    %get3A = arith.constant 0 : index
    %get3A_0 = arith.constant 0 : index
    %get3A_1 = vector.load %arg0[%get3A, %get3A_0] : memref<32x16384xf32, #tpu.memory_space<vmem>>, vector<32x16384xf32>
    %reduce_sum3A = arith.constant dense<0.000000e+00> : vector<16384xf32>
    %reduce_sum3A_2 = vector.multi_reduction <add>, %get3A_1, %reduce_sum3A [0] : vector<32x16384xf32> to vector<16384xf32>
    %broadcast_in_dim3A = vector.shape_cast %reduce_sum3A_2 : vector<16384xf32> to vector<1x16384xf32>
    %get3A_3 = arith.constant 0 : index
    %get3A_4 = arith.constant 0 : index
    %get3A_5 = vector.load %arg1[%get3A_3, %get3A_4] : memref<1x16384xf32, #tpu.memory_space<vmem>>, vector<1x16384xf32>
    %get3A_6 = arith.constant 0 : index
    %get3A_7 = arith.constant 0 : index
    %get3A_8 = vector.load %arg2[%get3A_6, %get3A_7] : memref<1x16384xf32, #tpu.memory_space<vmem>>, vector<1x16384xf32>
    %mul3A = arith.mulf %get3A_8, %broadcast_in_dim3A : vector<1x16384xf32>
    %max3A = arith.constant 0.000000e+00 : f32
    %max3A_9 = vector.broadcast %max3A : f32 to vector<1x16384xf32>
    %max3A_10 = arith.maximumf %mul3A, %max3A_9 : vector<1x16384xf32>
    %mul3A_11 = arith.mulf %get3A_5, %max3A_10 : vector<1x16384xf32>
    %swap3A = arith.constant 0 : index
    %swap3A_12 = arith.constant 0 : index
    %swap3A_13 = vector.load %arg3[%swap3A, %swap3A_12] : memref<1x16384xf32, #tpu.memory_space<vmem>>, vector<1x16384xf32>
    tpu.vector_store %arg3[%swap3A, %swap3A_12], %mul3A_11 {strides = array<i32>} : memref<1x16384xf32, #tpu.memory_space<vmem>>, vector<1x16384xf32>,
    return
  }
}

module attributes {stable_mosaic.version = 14 : i64} {
  func.func @_tc_norms_body(%arg0: memref<32x16384xf32, #tpu.memory_space<vmem>>, %arg1: memref<32x16384xf32, #tpu.memory_space<vmem>>, %arg2: memref<1x16384xf32, #tpu.memory_space<vmem>>, %arg3: memref<1x16384xf32, #tpu.memory_space<vmem>>, %arg4: memref<1x16384xf32, #tpu.memory_space<vmem>>, %arg5: memref<1x16384xf32, #tpu.memory_space<vmem>>) attributes {dimension_semantics = [], scalar_prefetch = 0 : i64, scratch_operands = 0 : i64, tpu.core_type = #tpu.core_type<tc>} {
    %get3A = arith.constant 0 : index
    %get3A_0 = arith.constant 0 : index
    %get3A_1 = vector.load %arg0[%get3A, %get3A_0] : memref<32x16384xf32, #tpu.memory_space<vmem>>, vector<32x16384xf32>
    %reduce_sum3A = arith.constant dense<0.000000e+00> : vector<16384xf32>
    %reduce_sum3A_2 = vector.multi_reduction <add>, %get3A_1, %reduce_sum3A [0] : vector<32x16384xf32> to vector<16384xf32>
    %broadcast_in_dim3A = vector.shape_cast %reduce_sum3A_2 : vector<16384xf32> to vector<1x16384xf32>
    %get3A_3 = arith.constant 0 : index
    %get3A_4 = arith.constant 0 : index
    %get3A_5 = vector.load %arg1[%get3A_3, %get3A_4] : memref<32x16384xf32, #tpu.memory_space<vmem>>, vector<32x16384xf32>
    %reduce_sum3A_6 = arith.constant dense<0.000000e+00> : vector<16384xf32>
    %reduce_sum3A_7 = vector.multi_reduction <add>, %get3A_5, %reduce_sum3A_6 [0] : vector<32x16384xf32> to vector<16384xf32>
    %broadcast_in_dim3A_8 = vector.shape_cast %reduce_sum3A_7 : vector<16384xf32> to vector<1x16384xf32>
    %gt3A = arith.constant 0.000000e+00 : f32
    %gt3A_9 = vector.broadcast %gt3A : f32 to vector<1x16384xf32>
    %gt3A_10 = arith.cmpf ogt, %broadcast_in_dim3A, %gt3A_9 : vector<1x16384xf32>
    %jit3A = arith.constant 1.000000e+00 : f32
    %broadcast_in_dim3A_11 = vector.broadcast %jit3A : f32 to vector<1x16384xf32>
    %select_n3A = arith.select %gt3A_10, %broadcast_in_dim3A, %broadcast_in_dim3A_11 : vector<1x16384xi1>, vector<1x16384xf32>
    %rsqrt3A = math.rsqrt %select_n3A : vector<1x16384xf32>
    %gt3A_12 = arith.constant 0.000000e+00 : f32
    %gt3A_13 = vector.broadcast %gt3A_12 : f32 to vector<1x16384xf32>
    %gt3A_14 = arith.cmpf ogt, %broadcast_in_dim3A_8, %gt3A_13 : vector<1x16384xf32>
    %jit3A_15 = arith.constant 1.000000e+00 : f32
    %broadcast_in_dim3A_16 = vector.broadcast %jit3A_15 : f32 to vector<1x16384xf32>
    %select_n3A_17 = arith.select %gt3A_14, %broadcast_in_dim3A_8, %broadcast_in_dim3A_16 : vector<1x16384xi1>, vector<1x16384xf32>
    %rsqrt3A_18 = math.rsqrt %select_n3A_17 : vector<1x16384xf32>
    %get3A_19 = arith.constant 0 : index
    %get3A_20 = arith.constant 0 : index
    %get3A_21 = vector.load %arg2[%get3A_19, %get3A_20] : memref<1x16384xf32, #tpu.memory_space<vmem>>, vector<1x16384xf32>
    %mul3A = arith.mulf %get3A_21, %rsqrt3A : vector<1x16384xf32>
    %swap3A = arith.constant 0 : index
    %swap3A_22 = arith.constant 0 : index
    %swap3A_23 = vector.load %arg3[%swap3A, %swap3A_22] : memref<1x16384xf32, #tpu.memory_space<vmem>>, vector<1x16384xf32>
    tpu.vector_store %arg3[%swap3A, %swap3A_22], %mul3A {strides = array<i32>} : memref<1x16384xf32, #tpu.memory_space<vmem>>, vector<1x16384xf32>,
    %swap3A_24 = arith.constant 0 : index
    %swap3A_25 = arith.constant 0 : index
    %swap3A_26 = vector.load %arg4[%swap3A_24, %swap3A_25] : memref<1x16384xf32, #tpu.memory_space<vmem>>, vector<1x16384xf32>
    tpu.vector_store %arg4[%swap3A_24, %swap3A_25], %rsqrt3A {strides = array<i32>} : memref<1x16384xf32, #tpu.memory_space<vmem>>, vector<1x16384xf32>,
    %swap3A_27 = arith.constant 0 : index
    %swap3A_28 = arith.constant 0 : index
    %swap3A_29 = vector.load %arg5[%swap3A_27, %swap3A_28] : memref<1x16384xf32, #tpu.memory_space<vmem>>, vector<1x16384xf32>
    tpu.vector_store %arg5[%swap3A_27, %swap3A_28], %rsqrt3A_18 {strides = array<i32>} : memref<1x16384xf32, #tpu.memory_space<vmem>>, vector<1x16384xf32>,
    return
  }
}

module attributes {stable_mosaic.version = 14 : i64} {
  func.func @_tc_head_body(%arg0: memref<32x16384xf32, #tpu.memory_space<vmem>>, %arg1: memref<1x16384xf32, #tpu.memory_space<vmem>>, %arg2: memref<1x1000xf32, #tpu.memory_space<vmem>>, %arg3: memref<1x1000xf32, #tpu.memory_space<vmem>>, %arg4: memref<15840x100xf32, #tpu.memory_space<vmem>>, %arg5: memref<1x100xf32, #tpu.memory_space<vmem>>, %arg6: memref<100x10xf32, #tpu.memory_space<vmem>>, %arg7: memref<1x10xf32, #tpu.memory_space<vmem>>, %arg8: memref<1x10xf32, #tpu.memory_space<vmem>>) attributes {dimension_semantics = [], scalar_prefetch = 0 : i64, scratch_operands = 0 : i64, tpu.core_type = #tpu.core_type<tc>} {
    %get3A = arith.constant 0 : index
    %get3A_0 = arith.constant 0 : index
    %get3A_1 = vector.load %arg0[%get3A, %get3A_0] : memref<32x16384xf32, #tpu.memory_space<vmem>>, vector<32x16384xf32>
    %reduce_sum3A = arith.constant dense<0.000000e+00> : vector<16384xf32>
    %reduce_sum3A_2 = vector.multi_reduction <add>, %get3A_1, %reduce_sum3A [0] : vector<32x16384xf32> to vector<16384xf32>
    %broadcast_in_dim3A = vector.shape_cast %reduce_sum3A_2 : vector<16384xf32> to vector<1x16384xf32>
    %get3A_3 = arith.constant 0 : index
    %get3A_4 = arith.constant 0 : index
    %get3A_5 = vector.load %arg1[%get3A_3, %get3A_4] : memref<1x16384xf32, #tpu.memory_space<vmem>>, vector<1x16384xf32>
    %mul3A = arith.mulf %get3A_5, %broadcast_in_dim3A : vector<1x16384xf32>
    %max3A = arith.constant 0.000000e+00 : f32
    %max3A_6 = vector.broadcast %max3A : f32 to vector<1x16384xf32>
    %max3A_7 = arith.maximumf %mul3A, %max3A_6 : vector<1x16384xf32>
    %get3A_8 = arith.constant 0 : index
    %get3A_9 = arith.constant 0 : index
    %get3A_10 = vector.load %arg2[%get3A_8, %get3A_9] : memref<1x1000xf32, #tpu.memory_space<vmem>>, vector<1x1000xf32>
    %get3A_11 = arith.constant 0 : index
    %get3A_12 = arith.constant 0 : index
    %get3A_13 = vector.load %arg3[%get3A_11, %get3A_12] : memref<1x1000xf32, #tpu.memory_space<vmem>>, vector<1x1000xf32>
    %mul3A_14 = arith.mulf %get3A_10, %get3A_13 : vector<1x1000xf32>
    %reduce_sum3A_15 = vector.shape_cast %mul3A_14 : vector<1x1000xf32> to vector<1x1x1000xf32>
    %reduce_sum3A_16 = arith.constant dense<0.000000e+00> : vector<1xf32>
    %reduce_sum3A_17 = vector.multi_reduction <add>, %reduce_sum3A_15, %reduce_sum3A_16 [1, 2] : vector<1x1x1000xf32> to vector<1xf32>
    %reduce_sum3A_18 = vector.shape_cast %reduce_sum3A_17 : vector<1xf32> to vector<1x1x1xf32>
    %reduce_sum3A_19 = vector.extract %reduce_sum3A_18[0, 0, 0] : f32 from vector<1x1x1xf32>
    %slice3A = vector.extract_strided_slice %max3A_7 {offsets = [0, 0], sizes = [1, 15840], strides = [1, 1]} : vector<1x16384xf32> to vector<1x15840xf32>
    %get3A_20 = arith.constant 0 : index
    %get3A_21 = arith.constant 0 : index
    %get3A_22 = vector.load %arg4[%get3A_20, %get3A_21] : memref<15840x100xf32, #tpu.memory_space<vmem>>, vector<15840x100xf32>
    %dot_general3A = arith.constant dense<0.000000e+00> : vector<1x100xf32>
    %dot_general3A_23 = tpu.matmul %slice3A, %get3A_22, %dot_general3A {dimension_numbers = #tpu.dot_dimension_numbers<[1], [0], [0], [1], [0, 0, 1, 1], [], []>, transpose_lhs_hint = false} : vector<1x15840xf32>, vector<15840x100xf32>, vector<1x100xf32> -> vector<1x100xf32>
    %mul3A_24 = vector.broadcast %reduce_sum3A_19 : f32 to vector<1x100xf32>
    %mul3A_25 = arith.mulf %mul3A_24, %dot_general3A_23 : vector<1x100xf32>
    %get3A_26 = arith.constant 0 : index
    %get3A_27 = arith.constant 0 : index
    %get3A_28 = vector.load %arg5[%get3A_26, %get3A_27] : memref<1x100xf32, #tpu.memory_space<vmem>>, vector<1x100xf32>
    %add3A = arith.addf %mul3A_25, %get3A_28 : vector<1x100xf32>
    %max3A_29 = arith.constant 0.000000e+00 : f32
    %max3A_30 = vector.broadcast %max3A_29 : f32 to vector<1x100xf32>
    %max3A_31 = arith.maximumf %add3A, %max3A_30 : vector<1x100xf32>
    %get3A_32 = arith.constant 0 : index
    %get3A_33 = arith.constant 0 : index
    %get3A_34 = vector.load %arg6[%get3A_32, %get3A_33] : memref<100x10xf32, #tpu.memory_space<vmem>>, vector<100x10xf32>
    %dot_general3A_35 = arith.constant dense<0.000000e+00> : vector<1x10xf32>
    %dot_general3A_36 = tpu.matmul %max3A_31, %get3A_34, %dot_general3A_35 {dimension_numbers = #tpu.dot_dimension_numbers<[1], [0], [0], [1], [0, 0, 1, 1], [], []>, transpose_lhs_hint = false} : vector<1x100xf32>, vector<100x10xf32>, vector<1x10xf32> -> vector<1x10xf32>
    %get3A_37 = arith.constant 0 : index
    %get3A_38 = arith.constant 0 : index
    %get3A_39 = vector.load %arg7[%get3A_37, %get3A_38] : memref<1x10xf32, #tpu.memory_space<vmem>>, vector<1x10xf32>
    %add3A_40 = arith.addf %dot_general3A_36, %get3A_39 : vector<1x10xf32>
    %max3A_41 = arith.constant 0.000000e+00 : f32
    %max3A_42 = vector.broadcast %max3A_41 : f32 to vector<1x10xf32>
    %max3A_43 = arith.maximumf %add3A_40, %max3A_42 : vector<1x10xf32>
    %swap3A = arith.constant 0 : index
    %swap3A_44 = arith.constant 0 : index
    %swap3A_45 = vector.load %arg8[%swap3A, %swap3A_44] : memref<1x10xf32, #tpu.memory_space<vmem>>, vector<1x10xf32>
    tpu.vector_store %arg8[%swap3A, %swap3A_44], %max3A_43 {strides = array<i32>} : memref<1x10xf32, #tpu.memory_space<vmem>>, vector<1x10xf32>,
    return
  }
}

</mosaic_0001>

<sc_bundles>
// kernel: kernel.11.cloned.1.call-start
scs
__scs_entry_jumppad:
0x0: {  	(pc) =	sbr.rel $0x88, $3  }
0x1: {  	(tag) =	ssettag $0x0;
	lr =	simm.s32 $0x1  }
0x2: {  	[smem:$0x3F99] =	sst lr;
	_ =	strace $0xD0000000  }
0x3: {  	_ = 	snop  }
0x4: {  	_ = 	snop  }
0x5: {  	_ = 	snop  }
0x6: {  	_ = 	snop  }
0x7: {  	_ = 	snop  }
__scs_overlays_trampoline_lowered:
0x8: {  	[smem:$0x3FA8] =	sst s0  }
0x9: {  	[smem:$0x3FA9] =	sst s1  }
0xa: {  	[smem:$0x3FAA] =	sst s2  }
0xb: {  	[smem:$0x3FAB] =	sst s3  }
0xc: {  	[smem:$0x3FAC] =	sst s4  }
0xd: {  	[smem:$0x3FAD] =	sst s5  }
0xe: {  	[smem:$0x3FAE] =	sst s6  }
0xf: {  	[smem:$0x3FAF] =	sst s7  }
0x10: {  	[smem:$0x3FB0] =	sst s8  }
0x11: {  	[smem:$0x3FB1] =	sst s9;
	s0 =	simm.s32 @!p0 $0x0  }
0x12: {  	s1 =	sld [smem:$0x3F97];
	s0 =	simm.s32 @p0 $0x1  }
0x13: {  	[smem:$0x3FB2] =	sst s0;
	s0 =	simm.s32 @!p1 $0x0  }
0x14: {  	s2 =	sld [smem:$0x3F96];
	s0 =	simm.s32 @p1 $0x1  }
0x15: {  	[smem:$0x3FB3] =	sst s0;
	s0 =	simm.s32 @!p2 $0x0  }
0x16: {  	s3 =	sld [smem:$0x3FDB];
	s0 =	simm.s32 @p2 $0x1  }
0x17: {  	s4 =	simm.s32 $0x1BF5;
	[smem:$0x3FB5] =	sst s0  }
0x18: {  	s0 =	sld [smem:$0x3F98];
	_ =	swait.ge [sflag:s4], $0x0  }
0x19: {  	s7 =	sld [smem:$0x3F99]  }
0x1a: {  	s8 =	sadd.s32 $0xFFFFE003, lr  }
0x1b: {  	s9 =	sadd.s32 $0xFFFFFEF7, lr;
	s5 =	simm.s32 $0xFFFFFFFF;
	p2 =	slt.u32 s8, $0xFFFFF086  }
0x1c: {  	p1 =	slt.u32 s9, $0xF7A;
	s5 =	simm.s32 @!p2 $0x0  }
0x1d: {  	s5 =	simm.s32 @p1 $0x1;
	p0 =	seq.s32 s7, s2  }
0x1e: {  	s7 =	smul.u32 @!p0 $0xF7A, s2;
	p2 =	seq.s32 @!p0 s5, $0x0  }
0x1f: {  	s9 =	smul.u32 $0xF7A, s1;
	s8 =	simm.s32 @!p0 $0x1BF5;
	p2 =	por !p2, p0  }
0x20: {  	[sflag:s8] =	ssyncset.s32 @!p0 $0xFFFFF086;
	s6 =	sadd.s32 @!p0 s3, s7;
	s7 =	simm.s32 @!p0 $0x108  }
0x21: {  	s3 =	sadd.s32 s3, s9;
	s6 =	sadd.s32 @!p0 $0x88, s6;
	s7 =	simm.s32 @p2 $0x1082  }
0x22: {  	[simem:s7], [sflag:s8] =	dma.local @!p0 [hbm:s6], $0xF7A  }
0x23: {  	s9 =	sor.u32 $0xD0000000, s2;
	s6 =	simm.s32 $0x108;
	_ =	swait.ge @!p0 [sflag:s8], $0x0  }
0x24: {  	s3 =	sadd.s32 $0x88, s3;
	s6 =	simm.s32 @!p1 $0x1082;
	[sflag:s4] =	ssyncset.s32 $0xFFFFF086  }
0x25: {  	[simem:s6], [sflag:s4] =	dma.local [hbm:s3], $0xF7A  }
0x26: {  	[smem:$0x3F99] =	sst s1;
	(tag) =	ssettag s2;
	_ =	strace s9  }
0x27: {  	s1 =	sld [smem:$0x3FA9]  }
0x28: {  	s2 =	sld [smem:$0x3FAA]  }
0x29: {  	s4 =	sld [smem:$0x3FAC]  }
0x2a: {  	p0 =	seq.s32 s5, $0x0;
	s5 =	sld [smem:$0x3FAD]  }
0x2b: {  	s6 =	sld [smem:$0x3FAE]  }
0x2c: {  	s7 =	sld [smem:$0x3FAF]  }
0x2d: {  	s3 =	simm.s32 $0x108;
	s8 =	sld [smem:$0x3FB0]  }
0x2e: {  	s3 =	simm.s32 @!p0 $0x1082;
	s9 =	sld [smem:$0x3FB1]  }
0x2f: {  	lr =	sadd.s32 s0, s3;
	s0 =	sld [smem:$0x3FA8]  }
0x30: {  	s3 =	sld [smem:$0x3FAB]  }
0x31: {  	[smem:$0x3FB4] =	sst s10  }
0x32: {  	s10 =	sld [smem:$0x3FB2];
	_ =	sdelay $0x3  }
0x33: {  	p0 =	seq.s32 s10, $0x1;
	s10 =	sld [smem:$0x3FB4];
	_ =	sdelay $0x3  }
0x34: {  	[smem:$0x3FB4] =	sst s10  }
0x35: {  	s10 =	sld [smem:$0x3FB3];
	_ =	sdelay $0x3  }
0x36: {  	p1 =	seq.s32 s10, $0x1;
	s10 =	sld [smem:$0x3FB4];
	_ =	sdelay $0x3  }
0x37: {  	[smem:$0x3FB4] =	sst s10  }
0x38: {  	s10 =	sld [smem:$0x3FB5]  }
0x39: {  	_ = 	snop;
	(pc) =	sbr.ind lr, $3  }
0x3a: {  	_ = 	snop  }
0x3b: {  	_ = 	snop  }
0x3c: {  	p2 =	seq.s32 s10, $0x1;
	s10 =	sld [smem:$0x3FB4]  }
0x3d: {  	_ =	shalt  }
0x3e: {  	_ =	shalt  }
0x3f: {  	_ =	shalt  }
0x40: {  	_ =	shalt  }
0x41: {  	_ =	shalt  }
0x42: {  	_ =	shalt  }
0x43: {  	_ =	shalt  }
0x44: {  	_ =	shalt  }
0x45: {  	_ =	shalt  }
0x46: {  	_ =	shalt  }
0x47: {  	_ =	shalt  }
0x48: {  	_ =	shalt  }
0x49: {  	_ =	shalt  }
0x4a: {  	_ =	shalt  }
0x4b: {  	_ =	shalt  }
0x4c: {  	_ =	shalt  }
0x4d: {  	_ =	shalt  }
0x4e: {  	_ =	shalt  }
0x4f: {  	_ =	shalt  }
0x50: {  	_ =	shalt  }
0x51: {  	_ =	shalt  }
0x52: {  	_ =	shalt  }
0x53: {  	_ =	shalt  }
0x54: {  	_ =	shalt  }
0x55: {  	_ =	shalt  }
0x56: {  	_ =	shalt  }
0x57: {  	_ =	shalt  }
0x58: {  	_ =	shalt  }
0x59: {  	_ =	shalt  }
0x5a: {  	_ =	shalt  }
0x5b: {  	_ =	shalt  }
0x5c: {  	_ =	shalt  }
0x5d: {  	_ =	shalt  }
0x5e: {  	_ =	shalt  }
0x5f: {  	_ =	shalt  }
0x60: {  	_ =	shalt  }
0x61: {  	_ =	shalt  }
0x62: {  	_ =	shalt  }
0x63: {  	_ =	shalt  }
0x64: {  	_ =	shalt  }
0x65: {  	_ =	shalt  }
0x66: {  	_ =	shalt  }
0x67: {  	_ =	shalt  }
0x68: {  	_ =	shalt  }
0x69: {  	_ =	shalt  }
0x6a: {  	_ =	shalt  }
0x6b: {  	_ =	shalt  }
0x6c: {  	_ =	shalt  }
0x6d: {  	_ =	shalt  }
0x6e: {  	_ =	shalt  }
0x6f: {  	_ =	shalt  }
0x70: {  	_ =	shalt  }
0x71: {  	_ =	shalt  }
0x72: {  	_ =	shalt  }
0x73: {  	_ =	shalt  }
0x74: {  	_ =	shalt  }
0x75: {  	_ =	shalt  }
0x76: {  	_ =	shalt  }
0x77: {  	_ =	shalt  }
0x78: {  	_ =	shalt  }
0x79: {  	_ =	shalt  }
0x7a: {  	_ =	shalt  }
0x7b: {  	_ =	shalt  }
0x7c: {  	_ =	shalt  }
0x7d: {  	_ =	shalt  }
0x7e: {  	_ =	shalt  }
0x7f: {  	_ =	shalt  }
0x80: {  	_ =	shalt  }
0x81: {  	_ =	shalt  }
0x82: {  	_ =	shalt  }
0x83: {  	_ =	shalt  }
0x84: {  	_ =	shalt  }
0x85: {  	_ =	shalt  }
0x86: {  	_ =	shalt  }
0x87: {  	_ =	shalt  }
.Lfunc_end0:
.L_simem_size_0:
called_computation.1_lowered:
.L_overlay_start_0:
0x88: {  	s2 =	sld [smem:$0x3FD9]  }
0x89: {  	s3 =	sld [smem:$0x3FFE];
	_ =	sdelay $0x1  }
0x8a: {  	s1 =	srdreg.scid  }
0x8b: {  	s0 =	sand.u32 $0x1, s1  }
0x8c: {  	s16 =	sshll.u32 s0, $0xA;
	s2 =	sadd.s32 s3, s2  }
0x8d: {  	s2 =	sadd.s32 s2, s16  }
0x8e: {  	[smem:$0x3FC0] =	sst s2  }
0x8f: {  	_ = 	snop  }
0x90: {  	(tm) =	ssettm $0x1  }
0x91: {  	s17 =	sld [smem:$0x3FFB];
	_ =	sdelay $0x3  }
0x92: {  	_ =	strace s17  }
0x93: {  	s2 =	sld [smem:$0x3FFC];
	_ =	sdelay $0x3  }
0x94: {  	_ =	strace s2  }
0x95: {  	s2 =	sld [smem:$0x3FFD];
	_ =	sdelay $0x3  }
0x96: {  	_ =	strace s2  }
0x97: {  	_ =	strace $0x8FFFFFFF  }
0x98: {  	s18 =	sld [smem:$0x3FDB];
	_ =	sdelay $0x1  }
0x99: {  	s19 =	simm.s32 $_scs_section_size  }
0x9a: {  	s4 =	simm.s32 $_size__tile_overlayer_lowered;
	s5 =	simm.s32 $_tile_overlayer_lowered  }
0x9b: {  	s22 =	simm.s32 $0x1BFF;
	s21 =	sshll.u32 s5, $0x1;
	s2 =	sadd.s32 s19, s18  }
0x9c: {  	s6 =	simm.s32 $0x0;
	s20 =	sshll.u32 s4, $0x1;
	s4 =	sadd.s32 s21, s2  }
0x9d: {  	[timem:s6], [sflag:s22] =	dma.local [hbm:s4], s20  }
0x9e: {  	_ =	swait.ge [sflag:s22], s20  }
0x9f: {  	s3 =	ssub.s32 $0x0, s20;
	[sflag:s22] =	ssyncset.done $0x0  }
0xa0: {  	[sflag:s22] =	ssyncadd.s32 s3;
	_ =	sdelay $0x1  }
0xa1: {  	s23 =	simm.s32 $0x1B8B  }
0xa2: {  	_ =	swait.ge [sflag:s23], $0x1  }
0xa3: {  	[sflag:s23] =	ssyncset.done $0x0  }
0xa4: {  	s25 =	simm.s32 $0x1B8E;
	s24 =	sld [smem:$0x3FFE];
	[sflag:s23] =	ssyncadd.s32 $0xFFFFFFFF  }
0xa5: {  	s26 =	simm.s32 $execute0_lowered;
	[smem:$0x3FD2] =	sst s25  }
0xa6: {  	s4 =	sshll.u32 s26, $0x1;
	_ =	strace $0x80000049;
	[dreg:$0x1] =	wrdreg $0xFFFFFFFF  }
0xa7: {  	s28 =	simm.s32 $_size_execute0_lowered;
	s2 =	sadd.s32 s2, s4;
	[dreg:$0x0] =	wrdreg $0x0  }
0xa8: {  	s4 =	sshll.u32 s28, $0x1;
	[dreg:$0x2] =	wrdreg s2  }
0xa9: {  	[dreg:$0x3] =	wrdreg s4  }
0xaa: {  	[dreg:$0x4] =	wrdreg $0xC0  }
0xab: {  	_ =	task [dreg:s6], $0x5FFFF  }
0xac: {  	[dreg:$0x1] =	wrdreg $0xFFFFFFFF  }
0xad: {  	[dreg:$0x0] =	wrdreg $0x60  }
0xae: {  	[dreg:$0x2] =	wrdreg s24  }
0xaf: {  	[dreg:$0x3] =	wrdreg $0x9  }
0xb0: {  	_ =	task.clear_ibuf [dreg:s6], $0x4FFFF;
	_ =	strace $0x90000049  }
0xb1: {  	s29 =	simm.s32 $0x9;
	_ =	strace $0x8000004B  }
0xb2: {  	_ =	swait.ge [sflag:s29], $0x1  }
0xb3: {  	[sflag:s29] =	ssyncadd.s32 $0xFFFFFFFF  }
0xb4: {  	_ =	strace $0x9000004B  }
0xb5: {  	_ =	sfence  }
0xb6: {  	s30 =	sld [smem:$0x0];
	_ =	sdelay $0x2  }
0xb7: {  	s31 =	sshll.u32 s1, $0xD;
	s1 =	sshrl.u32 s1, $0x2  }
0xb8: {  	s3 =	sand.u32 $0x4000, s31;
	s1 =	sadd.s32 s1, s30  }
0xb9: {  	s0 =	sor.u32 s3, s0;
	s1 =	sshll.u32 s1, $0x11  }
0xba: {  	s0 =	sor.u32 s1, s0  }
0xbb: {  	s0 =	sadd.s32 $0x8F2B, s0  }
0xbc: {  	[sflag:s0] =	ssyncadd.remote.s32 $0x1  }
0xbd: {  	_ =	sfence.sel $0xFFFF  }
0xbe: {  	[dreg:$0x0] =	wrdreg $0xFFFFFFFF;
	(pc) =	sbr.abs _section_cstart, $3  }
0xbf: {  	[dreg:$0x1] =	wrdreg $0xFFFFFFFF  }
0xc0: {  	_ =	task.clear_ibuf [dreg:s6], $0x2FFFF;
	_ =	strace $0x9FFFFFFF  }
0xc1: {  	(tm) =	ssettm $0x7FFFFFFF  }
tec
execute0_lowered:
.L_overlay_start_1:
0x0: {  	(tag) =	ssettag $0x1  }
0x1: {  	s0 =	rddreg [dreg:$0x0];
	s2 =	simm.s32 $0x0  }
0x2: {  	s1 =	stileid.u32;
	s3 =	srdreg.scid;
	s15 =	simm.s32 $0x7C00  }
0x3: {  	s16 =	simm.s32 $0x5;
	s17 =	simm.s32 $0x1F00;
	s18 =	simm.s32 $0x5D00  }
0x4: {  	s19 =	simm.s32 $0x1;
	s20 =	simm.s32 $0x3;
	s21 =	simm.s32 $0xBC00  }
0x5: {  	s22 =	simm.s32 $0x2;
	s23 =	simm.s32 $0x4;
	s24 =	simm.s32 $0x80  }
0x6: {  	s25 =	simm.s32 $0x400;
	s26 =	simm.s32 $0x6;
	s28 =	simm.s32 $0x0  }
0x7: {  	[smem:$0x7FF] =	sst s2;
	s3 =	sand.u32 $0x1, s3;
	s4 =	sshll.u32 s1, $0x1  }
0x8: {  	s10 =	sadd.s32 $0x22000, s0;
	s11 =	sadd.s32 $0x3000, s0;
	s30 =	sshll.u32 s1, $0xC  }
0x9: {  	_ =	strace $0x8000004A;
	s7 =	sor.u32 s3, s4;
	s5 =	ssub.s32 $0x2, s3  }
0xa: {  	s3 =	sadd.s32 $0x41000, s0;
	s4 =	sand.u32 $0xC000, s30;
	s6 =	smul.u32 $0x7BC0, s7  }
0xb: {  	s8 =	sshrl.u32 s5, $0x1;
	s0 =	sadd.s32 s4, s0;
	s14 =	sshll.u32 s7, $0x4  }
0xc: {  	s13 =	ssub.s32 s5, s8;
	s14 =	sand.u32 $0x70, s14;
	s12 =	sshrl.u32 s6, $0x3  }
0xd: {  	s0 =	sadd.s32 s14, s0;
	s13 =	smax.u32 s13, $0x1;
	s14 =	simm.s32 $0x3E00  }
0xe: {  	s4 =	sadd.s32 s10, s12;
	s5 =	sadd.s32 s11, s12;
	s31 =	sadd.s32 $0x3DE, s12  }
0xf: {  	s9 =	sadd.s32 $0x7BC, s12;
	s12 =	sadd.s32 $0xB9A, s12;
	s6 =	sadd.s32 s10, s31  }
0x10: {  	s7 =	sadd.s32 s11, s31;
	s8 =	sadd.s32 s10, s9;
	s9 =	sadd.s32 s11, s9  }
0x11: {  	v0 =	vimm.f32 $0.0e+00;
	s10 =	sadd.s32 s10, s12;
	s11 =	sadd.s32 s11, s12;
	s12 =	sadd.s32 $0x41800, s0  }
.LBB2_1:
0x12: {  	[tilespmem:s2], [sflag:$0x1] =	stream.linear.gather [hbm4b:s4+s2], $0x1EF0, $0x38;
	[tilespmem:$0xFC00] =	vst v63  }
0x13: {  	_ = 	snop  }
0x14: {  	[tilespmem:s14], [sflag:$0x3] =	stream.linear.gather [hbm4b:s5+s2], $0x1EF0, $0x38;
	[tilespmem:$0xFC00] =	vst v63  }
0x15: {  	s0 =	simm.s32 $0xBC80  }
0x16: {  	[tilespmem:s15], [sflag:$0x5] =	stream.linear.gather [hbm4b:s3+s2], $0x4000, $0x38;
	[tilespmem:$0xFC00] =	vst v63  }
0x17: {  	[tilespmem:s0+$0xFFFFFF80] =	vst v0  }
0x18: {  	[tilespmem:s0+$0x70] =	vst v0  }
0x19: {  	[tilespmem:s0+$0x60] =	vst v0  }
0x1a: {  	[tilespmem:s0+$0x50] =	vst v0  }
0x1b: {  	[tilespmem:s0+$0x40] =	vst v0  }
0x1c: {  	[tilespmem:s0+$0x30] =	vst v0  }
0x1d: {  	[tilespmem:s0+$0x20] =	vst v0  }
0x1e: {  	[tilespmem:s0+$0x10] =	vst v0  }
0x1f: {  	[tilespmem:s0+$0x0] =	vst v0  }
0x20: {  	[tilespmem:s0+$0xFFFFFFF0] =	vst v0  }
0x21: {  	[tilespmem:s0+$0xFFFFFFE0] =	vst v0  }
0x22: {  	[tilespmem:s0+$0xFFFFFFD0] =	vst v0  }
0x23: {  	[tilespmem:s0+$0xFFFFFFC0] =	vst v0  }
0x24: {  	[tilespmem:s0+$0xFFFFFFB0] =	vst v0  }
0x25: {  	s29 =	simm.s32 $0x0;
	[tilespmem:s0+$0xFFFFFFA0] =	vst v0  }
.LBB2_2:
0x26: {  	s29 =	sadd.s32 $0x10, s29;
	[tilespmem:s0+$0xFFFFFF90] =	vst v0;
	s0 =	sadd.s32 $0x100, s0  }
0x27: {  	[tilespmem:s0+$0xFFFFFF80] =	vst v0;
	p0 =	slt.u32 s29, $0x3F0  }
0x28: {  	[tilespmem:s0+$0x70] =	vst v0  }
0x29: {  	[tilespmem:s0+$0x60] =	vst v0  }
0x2a: {  	[tilespmem:s0+$0x50] =	vst v0  }
0x2b: {  	[tilespmem:s0+$0x40] =	vst v0  }
0x2c: {  	[tilespmem:s0+$0x30] =	vst v0  }
0x2d: {  	[tilespmem:s0+$0x20] =	vst v0  }
0x2e: {  	[tilespmem:s0+$0x10] =	vst v0  }
0x2f: {  	[tilespmem:s0+$0x0] =	vst v0  }
0x30: {  	[tilespmem:s0+$0xFFFFFFF0] =	vst v0  }
.Ltmp0:
0x31: {  	[tilespmem:s0+$0xFFFFFFE0] =	vst v0;
	(pc) =	sbr.rel @p0 .LBB2_2-.Ltmp0, $4  }
0x32: {  	[tilespmem:s0+$0xFFFFFFD0] =	vst v0  }
0x33: {  	[tilespmem:s0+$0xFFFFFFC0] =	vst v0  }
0x34: {  	[tilespmem:s0+$0xFFFFFFB0] =	vst v0  }
0x35: {  	[tilespmem:s0+$0xFFFFFFA0] =	vst v0  }
0x36: {  	[tilespmem:s0+$0xFFFFFF90] =	vst v0  }
0x37: {  	_ =	swait.ge [sflag:s16], $0x4000  }
0x38: {  	[sflag:s16] =	ssyncset.done $0x0  }
0x39: {  	s1 =	simm.s32 $0x0;
	[sflag:s16] =	ssyncadd.s32 $0xFFFFC000  }
0x3a: {  	[tilespmem:s17], [sflag:$0x2] =	stream.linear.gather [hbm4b:s6+s1], $0x1EF0, $0x38;
	[tilespmem:$0xFC00] =	vst v63  }
0x3b: {  	_ = 	snop  }
0x3c: {  	[tilespmem:s18], [sflag:$0x4] =	stream.linear.gather [hbm4b:s7+s1], $0x1EF0, $0x38;
	[tilespmem:$0xFC00] =	vst v63  }
0x3d: {  	_ =	swait.ge [sflag:s19], $0x1EF0  }
0x3e: {  	[sflag:s19] =	ssyncset.done $0x0  }
0x3f: {  	[sflag:s19] =	ssyncadd.s32 $0xFFFFE110  }
0x40: {  	_ =	swait.ge [sflag:s20], $0x1EF0  }
0x41: {  	[sflag:s20] =	ssyncset.done $0x0  }
0x42: {  	s30 =	simm.s32 $0x70;
	[sflag:s20] =	ssyncadd.s32 $0xFFFFE110  }
0x43: {  	s0 =	sand.u32 $0x1FF0, s1;
	v1 =	vld [tilespmem:s30+$0x70]  }
0x44: {  	v2 =	vld [tilespmem:s0+$0x80]  }
0x45: {  	v3 =	vld [tilespmem:s30+$0xFFFFFFA0]  }
0x46: {  	v4 =	vld [tilespmem:s30+$0xFFFFFFB0]  }
0x47: {  	v5 =	vld [tilespmem:s30+$0xFFFFFFC0]  }
0x48: {  	s29 =	simm.s32 $0x3E70;
	v6 =	vld [tilespmem:s30+$0xFFFFFFD0]  }
0x49: {  	v7 =	vld [tilespmem:s29+$0x70]  }
0x4a: {  	v8 =	vld [tilespmem:s0+$0x3E80]  }
0x4b: {  	v9 =	vld [tilespmem:s30+$0xFFFFFFE0]  }
0x4c: {  	v10 =	vld [tilespmem:s30+$0xFFFFFFF0]  }
0x4d: {  	v11 =	vld [tilespmem:s30+$0x0]  }
0x4e: {  	v12 =	vld [tilespmem:s30+$0x20]  }
0x4f: {  	v62 =	vld [tilespmem:s30+$0x50]  }
0x50: {  	v63 =	vld [tilespmem:s30+$0x60]  }
0x51: {  	v13 =	vld [tilespmem:s30+$0xFFFFFF90]  }
0x52: {  	v14 =	vld [tilespmem:s29+$0xFFFFFF90]  }
0x53: {  	v15 =	vld [tilespmem:s29+$0xFFFFFFA0]  }
0x54: {  	v16 =	vld [tilespmem:s29+$0xFFFFFFB0]  }
0x55: {  	v17 =	vld [tilespmem:s29+$0xFFFFFFC0]  }
0x56: {  	v18 =	vld [tilespmem:s29+$0xFFFFFFD0]  }
0x57: {  	v19 =	vld [tilespmem:s29+$0xFFFFFFE0]  }
0x58: {  	v20 =	vld [tilespmem:s29+$0xFFFFFFF0]  }
0x59: {  	v21 =	vld [tilespmem:s29+$0x0]  }
0x5a: {  	v22 =	vld [tilespmem:s29+$0x20]  }
0x5b: {  	v23 =	vld [tilespmem:s29+$0x30]  }
0x5c: {  	v24 =	vld [tilespmem:s29+$0x40]  }
0x5d: {  	v25 =	vld [tilespmem:s29+$0x50]  }
0x5e: {  	v26 =	vld [tilespmem:s29+$0x60]  }
0x5f: {  	v1 =	vld.idx.msk [tilespmem:v1+s15+$0x0], $0xffff  }
0x60: {  	v2 =	vld.idx.msk [tilespmem:v2+s15+$0x0], $0xffff  }
0x61: {  	v3 =	vld.idx.msk [tilespmem:v3+s15+$0x0], $0xffff  }
0x62: {  	v4 =	vld.idx.msk [tilespmem:v4+s15+$0x0], $0xffff  }
0x63: {  	v5 =	vld.idx.msk [tilespmem:v5+s15+$0x0], $0xffff  }
0x64: {  	v6 =	vld.idx.msk [tilespmem:v6+s15+$0x0], $0xffff  }
0x65: {  	v9 =	vld.idx.msk [tilespmem:v9+s15+$0x0], $0xffff  }
0x66: {  	v10 =	vld.idx.msk [tilespmem:v10+s15+$0x0], $0xffff  }
0x67: {  	v11 =	vld.idx.msk [tilespmem:v11+s15+$0x0], $0xffff  }
0x68: {  	v13 =	vld.idx.msk [tilespmem:v13+s15+$0x0], $0xffff  }
0x69: {  	v12 =	vld.idx.msk [tilespmem:v12+s15+$0x0], $0xffff  }
0x6a: {  	[tilespmem:v7+s21+$0x0] =	vst.idx.add.f32.msk $0xffff, v1  }
0x6b: {  	[tilespmem:v8+s21+$0x0] =	vst.idx.add.f32.msk $0xffff, v2  }
0x6c: {  	v1 =	vld [tilespmem:s30+$0x30]  }
0x6d: {  	v2 =	vld [tilespmem:s30+$0x40]  }
0x6e: {  	v7 =	vld.idx.msk [tilespmem:v62+s15+$0x0], $0xffff  }
0x6f: {  	v8 =	vld.idx.msk [tilespmem:v63+s15+$0x0], $0xffff  }
0x70: {  	[tilespmem:v14+s21+$0x0] =	vst.idx.add.f32.msk $0xffff, v13  }
0x71: {  	[tilespmem:v15+s21+$0x0] =	vst.idx.add.f32.msk $0xffff, v3  }
0x72: {  	[tilespmem:v16+s21+$0x0] =	vst.idx.add.f32.msk $0xffff, v4  }
0x73: {  	[tilespmem:v17+s21+$0x0] =	vst.idx.add.f32.msk $0xffff, v5  }
0x74: {  	[tilespmem:v18+s21+$0x0] =	vst.idx.add.f32.msk $0xffff, v6  }
0x75: {  	[tilespmem:v19+s21+$0x0] =	vst.idx.add.f32.msk $0xffff, v9  }
0x76: {  	[tilespmem:v20+s21+$0x0] =	vst.idx.add.f32.msk $0xffff, v10  }
0x77: {  	[tilespmem:v21+s21+$0x0] =	vst.idx.add.f32.msk $0xffff, v11  }
0x78: {  	v1 =	vld.idx.msk [tilespmem:v1+s15+$0x0], $0xffff  }
0x79: {  	v2 =	vld.idx.msk [tilespmem:v2+s15+$0x0], $0xffff  }
0x7a: {  	[tilespmem:v22+s21+$0x0] =	vst.idx.add.f32.msk $0xffff, v12  }
0x7b: {  	[tilespmem:v25+s21+$0x0] =	vst.idx.add.f32.msk $0xffff, v7  }
0x7c: {  	[tilespmem:v26+s21+$0x0] =	vst.idx.add.f32.msk $0xffff, v8  }
0x7d: {  	[tilespmem:v23+s21+$0x0] =	vst.idx.add.f32.msk $0xffff, v1  }
0x7e: {  	s31 =	simm.s32 $0x160;
	s0 =	simm.s32 $0xF0;
	s30 =	simm.s32 $0x0;
	[tilespmem:v24+s21+$0x0] =	vst.idx.add.f32.msk $0xffff, v2  }
.LBB2_4:
0x7f: {  	s1 =	sand.u32 $0x1FF0, s0;
	v1 =	vld [tilespmem:s31+$0x70];
	s30 =	sadd.s32 $0xF, s30  }
0x80: {  	v2 =	vld [tilespmem:s1+$0x80];
	p0 =	slt.u32 s30, $0x1E0  }
0x81: {  	v3 =	vld [tilespmem:s31+$0xFFFFFFA0]  }
0x82: {  	v4 =	vld [tilespmem:s31+$0xFFFFFFB0]  }
0x83: {  	v5 =	vld [tilespmem:s31+$0xFFFFFFC0]  }
0x84: {  	s29 =	sadd.s32 $0xF0, s29;
	v6 =	vld [tilespmem:s31+$0xFFFFFFD0]  }
0x85: {  	v7 =	vld [tilespmem:s29+$0x70]  }
0x86: {  	v8 =	vld [tilespmem:s1+$0x3E80]  }
0x87: {  	v1 =	vld.idx.msk [tilespmem:v1+s15+$0x0], $0xffff  }
0x88: {  	v2 =	vld.idx.msk [tilespmem:v2+s15+$0x0], $0xffff  }
0x89: {  	v9 =	vld [tilespmem:s31+$0xFFFFFFE0]  }
0x8a: {  	v10 =	vld [tilespmem:s31+$0xFFFFFFF0]  }
0x8b: {  	v11 =	vld [tilespmem:s31+$0x0]  }
0x8c: {  	v12 =	vld [tilespmem:s31+$0x20]  }
0x8d: {  	[tilespmem:v7+s21+$0x0] =	vst.idx.add.f32.msk $0xffff, v1  }
0x8e: {  	[tilespmem:v8+s21+$0x0] =	vst.idx.add.f32.msk $0xffff, v2  }
0x8f: {  	v1 =	vld [tilespmem:s31+$0x30]  }
0x90: {  	v2 =	vld [tilespmem:s31+$0x40]  }
0x91: {  	v7 =	vld [tilespmem:s31+$0x50]  }
0x92: {  	v8 =	vld [tilespmem:s31+$0x60]  }
0x93: {  	v13 =	vld [tilespmem:s31+$0xFFFFFF90]  }
0x94: {  	v3 =	vld.idx.msk [tilespmem:v3+s15+$0x0], $0xffff  }
0x95: {  	v4 =	vld.idx.msk [tilespmem:v4+s15+$0x0], $0xffff  }
0x96: {  	v5 =	vld.idx.msk [tilespmem:v5+s15+$0x0], $0xffff  }
0x97: {  	v6 =	vld.idx.msk [tilespmem:v6+s15+$0x0], $0xffff  }
0x98: {  	v9 =	vld.idx.msk [tilespmem:v9+s15+$0x0], $0xffff  }
0x99: {  	v10 =	vld.idx.msk [tilespmem:v10+s15+$0x0], $0xffff  }
0x9a: {  	v11 =	vld.idx.msk [tilespmem:v11+s15+$0x0], $0xffff  }
0x9b: {  	v13 =	vld.idx.msk [tilespmem:v13+s15+$0x0], $0xffff  }
0x9c: {  	v12 =	vld.idx.msk [tilespmem:v12+s15+$0x0], $0xffff  }
0x9d: {  	v1 =	vld.idx.msk [tilespmem:v1+s15+$0x0], $0xffff  }
0x9e: {  	v2 =	vld.idx.msk [tilespmem:v2+s15+$0x0], $0xffff  }
0x9f: {  	v7 =	vld.idx.msk [tilespmem:v7+s15+$0x0], $0xffff  }
0xa0: {  	v8 =	vld.idx.msk [tilespmem:v8+s15+$0x0], $0xffff  }
0xa1: {  	v14 =	vld [tilespmem:s29+$0xFFFFFF90]  }
0xa2: {  	v15 =	vld [tilespmem:s29+$0xFFFFFFA0]  }
0xa3: {  	v16 =	vld [tilespmem:s29+$0xFFFFFFB0]  }
0xa4: {  	v17 =	vld [tilespmem:s29+$0xFFFFFFC0]  }
0xa5: {  	v18 =	vld [tilespmem:s29+$0xFFFFFFD0]  }
0xa6: {  	v19 =	vld [tilespmem:s29+$0xFFFFFFE0]  }
0xa7: {  	v20 =	vld [tilespmem:s29+$0xFFFFFFF0]  }
0xa8: {  	v21 =	vld [tilespmem:s29+$0x0]  }
0xa9: {  	v22 =	vld [tilespmem:s29+$0x20]  }
0xaa: {  	v23 =	vld [tilespmem:s29+$0x30]  }
0xab: {  	v24 =	vld [tilespmem:s29+$0x40]  }
0xac: {  	v25 =	vld [tilespmem:s29+$0x50]  }
0xad: {  	v26 =	vld [tilespmem:s29+$0x60]  }
0xae: {  	[tilespmem:v14+s21+$0x0] =	vst.idx.add.f32.msk $0xffff, v13  }
0xaf: {  	[tilespmem:v15+s21+$0x0] =	vst.idx.add.f32.msk $0xffff, v3  }
0xb0: {  	[tilespmem:v16+s21+$0x0] =	vst.idx.add.f32.msk $0xffff, v4  }
0xb1: {  	[tilespmem:v17+s21+$0x0] =	vst.idx.add.f32.msk $0xffff, v5  }
0xb2: {  	[tilespmem:v18+s21+$0x0] =	vst.idx.add.f32.msk $0xffff, v6  }
0xb3: {  	[tilespmem:v19+s21+$0x0] =	vst.idx.add.f32.msk $0xffff, v9  }
0xb4: {  	[tilespmem:v20+s21+$0x0] =	vst.idx.add.f32.msk $0xffff, v10  }
0xb5: {  	[tilespmem:v21+s21+$0x0] =	vst.idx.add.f32.msk $0xffff, v11  }
.Ltmp1:
0xb6: {  	[tilespmem:v22+s21+$0x0] =	vst.idx.add.f32.msk $0xffff, v12;
	(pc) =	sbr.rel @p0 .LBB2_4-.Ltmp1, $4  }
0xb7: {  	[tilespmem:v23+s21+$0x0] =	vst.idx.add.f32.msk $0xffff, v1  }
0xb8: {  	[tilespmem:v24+s21+$0x0] =	vst.idx.add.f32.msk $0xffff, v2  }
0xb9: {  	[tilespmem:v25+s21+$0x0] =	vst.idx.add.f32.msk $0xffff, v7  }
0xba: {  	s0 =	sadd.s32 $0xF0, s0;
	s31 =	sadd.s32 $0xF0, s31;
	[tilespmem:v26+s21+$0x0] =	vst.idx.add.f32.msk $0xffff, v8  }
0xbb: {  	s0 =	simm.s32 $0x0  }
0xbc: {  	[tilespmem:s0], [sflag:$0x1] =	stream.linear.gather [hbm4b:s8+s0], $0x1EF0, $0x38;
	[tilespmem:$0xFC00] =	vst v63  }
0xbd: {  	_ = 	snop  }
0xbe: {  	[tilespmem:s14], [sflag:$0x3] =	stream.linear.gather [hbm4b:s9+s0], $0x1EF0, $0x38;
	[tilespmem:$0xFC00] =	vst v63  }
0xbf: {  	_ =	swait.ge [sflag:s22], $0x1EF0  }
0xc0: {  	[sflag:s22] =	ssyncset.done $0x0  }
0xc1: {  	[sflag:s22] =	ssyncadd.s32 $0xFFFFE110  }
0xc2: {  	_ =	swait.ge [sflag:s23], $0x1EF0  }
0xc3: {  	[sflag:s23] =	ssyncset.done $0x0  }
0xc4: {  	s1 =	simm.s32 $0x1F70;
	[sflag:s23] =	ssyncadd.s32 $0xFFFFE110  }
0xc5: {  	s0 =	sand.u32 $0x1FF0, s0;
	v1 =	vld [tilespmem:s1+$0x70]  }
0xc6: {  	v2 =	vld [tilespmem:s0+$0x1F80]  }
0xc7: {  	v3 =	vld [tilespmem:s1+$0xFFFFFFA0]  }
0xc8: {  	v4 =	vld [tilespmem:s1+$0xFFFFFFB0]  }
0xc9: {  	v5 =	vld [tilespmem:s1+$0xFFFFFFC0]  }
0xca: {  	s29 =	simm.s32 $0x5D70;
	v6 =	vld [tilespmem:s1+$0xFFFFFFD0]  }
0xcb: {  	v7 =	vld [tilespmem:s29+$0x70]  }
0xcc: {  	v8 =	vld [tilespmem:s0+$0x5D80]  }
0xcd: {  	v9 =	vld [tilespmem:s1+$0xFFFFFFE0]  }
0xce: {  	v10 =	vld [tilespmem:s1+$0xFFFFFFF0]  }
0xcf: {  	v11 =	vld [tilespmem:s1+$0x0]  }
0xd0: {  	v12 =	vld [tilespmem:s1+$0x20]  }
0xd1: {  	v62 =	vld [tilespmem:s1+$0x50]  }
0xd2: {  	v63 =	vld [tilespmem:s1+$0x60]  }
0xd3: {  	v13 =	vld [tilespmem:s1+$0xFFFFFF90]  }
0xd4: {  	v14 =	vld [tilespmem:s29+$0xFFFFFF90]  }
0xd5: {  	v15 =	vld [tilespmem:s29+$0xFFFFFFA0]  }
0xd6: {  	v16 =	vld [tilespmem:s29+$0xFFFFFFB0]  }
0xd7: {  	v17 =	vld [tilespmem:s29+$0xFFFFFFC0]  }
0xd8: {  	v18 =	vld [tilespmem:s29+$0xFFFFFFD0]  }
0xd9: {  	v19 =	vld [tilespmem:s29+$0xFFFFFFE0]  }
0xda: {  	v20 =	vld [tilespmem:s29+$0xFFFFFFF0]  }
0xdb: {  	v21 =	vld [tilespmem:s29+$0x0]  }
0xdc: {  	v22 =	vld [tilespmem:s29+$0x20]  }
0xdd: {  	v23 =	vld [tilespmem:s29+$0x30]  }
0xde: {  	v24 =	vld [tilespmem:s29+$0x40]  }
0xdf: {  	v25 =	vld [tilespmem:s29+$0x50]  }
0xe0: {  	v26 =	vld [tilespmem:s29+$0x60]  }
0xe1: {  	v1 =	vld.idx.msk [tilespmem:v1+s15+$0x0], $0xffff  }
0xe2: {  	v2 =	vld.idx.msk [tilespmem:v2+s15+$0x0], $0xffff  }
0xe3: {  	v3 =	vld.idx.msk [tilespmem:v3+s15+$0x0], $0xffff  }
0xe4: {  	v4 =	vld.idx.msk [tilespmem:v4+s15+$0x0], $0xffff  }
0xe5: {  	v5 =	vld.idx.msk [tilespmem:v5+s15+$0x0], $0xffff  }
0xe6: {  	v6 =	vld.idx.msk [tilespmem:v6+s15+$0x0], $0xffff  }
0xe7: {  	v9 =	vld.idx.msk [tilespmem:v9+s15+$0x0], $0xffff  }
0xe8: {  	v10 =	vld.idx.msk [tilespmem:v10+s15+$0x0], $0xffff  }
0xe9: {  	v11 =	vld.idx.msk [tilespmem:v11+s15+$0x0], $0xffff  }
0xea: {  	v13 =	vld.idx.msk [tilespmem:v13+s15+$0x0], $0xffff  }
0xeb: {  	v12 =	vld.idx.msk [tilespmem:v12+s15+$0x0], $0xffff  }
0xec: {  	[tilespmem:v7+s21+$0x0] =	vst.idx.add.f32.msk $0xffff, v1  }
0xed: {  	[tilespmem:v8+s21+$0x0] =	vst.idx.add.f32.msk $0xffff, v2  }
0xee: {  	v1 =	vld [tilespmem:s1+$0x30]  }
0xef: {  	v2 =	vld [tilespmem:s1+$0x40]  }
0xf0: {  	v7 =	vld.idx.msk [tilespmem:v62+s15+$0x0], $0xffff  }
0xf1: {  	v8 =	vld.idx.msk [tilespmem:v63+s15+$0x0], $0xffff  }
0xf2: {  	[tilespmem:v14+s21+$0x0] =	vst.idx.add.f32.msk $0xffff, v13  }
0xf3: {  	[tilespmem:v15+s21+$0x0] =	vst.idx.add.f32.msk $0xffff, v3  }
0xf4: {  	[tilespmem:v16+s21+$0x0] =	vst.idx.add.f32.msk $0xffff, v4  }
0xf5: {  	[tilespmem:v17+s21+$0x0] =	vst.idx.add.f32.msk $0xffff, v5  }
0xf6: {  	[tilespmem:v18+s21+$0x0] =	vst.idx.add.f32.msk $0xffff, v6  }
0xf7: {  	[tilespmem:v19+s21+$0x0] =	vst.idx.add.f32.msk $0xffff, v9  }
0xf8: {  	[tilespmem:v20+s21+$0x0] =	vst.idx.add.f32.msk $0xffff, v10  }
0xf9: {  	[tilespmem:v21+s21+$0x0] =	vst.idx.add.f32.msk $0xffff, v11  }
0xfa: {  	v1 =	vld.idx.msk [tilespmem:v1+s15+$0x0], $0xffff  }
0xfb: {  	v2 =	vld.idx.msk [tilespmem:v2+s15+$0x0], $0xffff  }
0xfc: {  	[tilespmem:v22+s21+$0x0] =	vst.idx.add.f32.msk $0xffff, v12  }
0xfd: {  	[tilespmem:v25+s21+$0x0] =	vst.idx.add.f32.msk $0xffff, v7  }
0xfe: {  	[tilespmem:v26+s21+$0x0] =	vst.idx.add.f32.msk $0xffff, v8  }
0xff: {  	[tilespmem:v23+s21+$0x0] =	vst.idx.add.f32.msk $0xffff, v1  }
0x100: {  	s30 =	simm.s32 $0x0;
	s31 =	simm.s32 $0x2060;
	s0 =	simm.s32 $0xF0;
	[tilespmem:v24+s21+$0x0] =	vst.idx.add.f32.msk $0xffff, v2  }
.LBB2_6:
0x101: {  	s1 =	sand.u32 $0x1FF0, s0;
	v1 =	vld [tilespmem:s31+$0x70];
	s30 =	sadd.s32 $0xF, s30  }
0x102: {  	v2 =	vld [tilespmem:s1+$0x1F80];
	p0 =	slt.u32 s30, $0x1E0  }
0x103: {  	v3 =	vld [tilespmem:s31+$0xFFFFFFA0]  }
0x104: {  	v4 =	vld [tilespmem:s31+$0xFFFFFFB0]  }
0x105: {  	v5 =	vld [tilespmem:s31+$0xFFFFFFC0]  }
0x106: {  	s29 =	sadd.s32 $0xF0, s29;
	v6 =	vld [tilespmem:s31+$0xFFFFFFD0]  }
0x107: {  	v7 =	vld [tilespmem:s29+$0x70]  }
0x108: {  	v8 =	vld [tilespmem:s1+$0x5D80]  }
0x109: {  	v1 =	vld.idx.msk [tilespmem:v1+s15+$0x0], $0xffff  }
0x10a: {  	v2 =	vld.idx.msk [tilespmem:v2+s15+$0x0], $0xffff  }
0x10b: {  	v9 =	vld [tilespmem:s31+$0xFFFFFFE0]  }
0x10c: {  	v10 =	vld [tilespmem:s31+$0xFFFFFFF0]  }
0x10d: {  	v11 =	vld [tilespmem:s31+$0x0]  }
0x10e: {  	v12 =	vld [tilespmem:s31+$0x20]  }
0x10f: {  	[tilespmem:v7+s21+$0x0] =	vst.idx.add.f32.msk $0xffff, v1  }
0x110: {  	[tilespmem:v8+s21+$0x0] =	vst.idx.add.f32.msk $0xffff, v2  }
0x111: {  	v1 =	vld [tilespmem:s31+$0x30]  }
0x112: {  	v2 =	vld [tilespmem:s31+$0x40]  }
0x113: {  	v7 =	vld [tilespmem:s31+$0x50]  }
0x114: {  	v8 =	vld [tilespmem:s31+$0x60]  }
0x115: {  	v13 =	vld [tilespmem:s31+$0xFFFFFF90]  }
0x116: {  	v3 =	vld.idx.msk [tilespmem:v3+s15+$0x0], $0xffff  }
0x117: {  	v4 =	vld.idx.msk [tilespmem:v4+s15+$0x0], $0xffff  }
0x118: {  	v5 =	vld.idx.msk [tilespmem:v5+s15+$0x0], $0xffff  }
0x119: {  	v6 =	vld.idx.msk [tilespmem:v6+s15+$0x0], $0xffff  }
0x11a: {  	v9 =	vld.idx.msk [tilespmem:v9+s15+$0x0], $0xffff  }
0x11b: {  	v10 =	vld.idx.msk [tilespmem:v10+s15+$0x0], $0xffff  }
0x11c: {  	v11 =	vld.idx.msk [tilespmem:v11+s15+$0x0], $0xffff  }
0x11d: {  	v13 =	vld.idx.msk [tilespmem:v13+s15+$0x0], $0xffff  }
0x11e: {  	v12 =	vld.idx.msk [tilespmem:v12+s15+$0x0], $0xffff  }
0x11f: {  	v1 =	vld.idx.msk [tilespmem:v1+s15+$0x0], $0xffff  }
0x120: {  	v2 =	vld.idx.msk [tilespmem:v2+s15+$0x0], $0xffff  }
0x121: {  	v7 =	vld.idx.msk [tilespmem:v7+s15+$0x0], $0xffff  }
0x122: {  	v8 =	vld.idx.msk [tilespmem:v8+s15+$0x0], $0xffff  }
0x123: {  	v14 =	vld [tilespmem:s29+$0xFFFFFF90]  }
0x124: {  	v15 =	vld [tilespmem:s29+$0xFFFFFFA0]  }
0x125: {  	v16 =	vld [tilespmem:s29+$0xFFFFFFB0]  }
0x126: {  	v17 =	vld [tilespmem:s29+$0xFFFFFFC0]  }
0x127: {  	v18 =	vld [tilespmem:s29+$0xFFFFFFD0]  }
0x128: {  	v19 =	vld [tilespmem:s29+$0xFFFFFFE0]  }
0x129: {  	v20 =	vld [tilespmem:s29+$0xFFFFFFF0]  }
0x12a: {  	v21 =	vld [tilespmem:s29+$0x0]  }
0x12b: {  	v22 =	vld [tilespmem:s29+$0x20]  }
0x12c: {  	v23 =	vld [tilespmem:s29+$0x30]  }
0x12d: {  	v24 =	vld [tilespmem:s29+$0x40]  }
0x12e: {  	v25 =	vld [tilespmem:s29+$0x50]  }
0x12f: {  	v26 =	vld [tilespmem:s29+$0x60]  }
0x130: {  	[tilespmem:v14+s21+$0x0] =	vst.idx.add.f32.msk $0xffff, v13  }
0x131: {  	[tilespmem:v15+s21+$0x0] =	vst.idx.add.f32.msk $0xffff, v3  }
0x132: {  	[tilespmem:v16+s21+$0x0] =	vst.idx.add.f32.msk $0xffff, v4  }
0x133: {  	[tilespmem:v17+s21+$0x0] =	vst.idx.add.f32.msk $0xffff, v5  }
0x134: {  	[tilespmem:v18+s21+$0x0] =	vst.idx.add.f32.msk $0xffff, v6  }
0x135: {  	[tilespmem:v19+s21+$0x0] =	vst.idx.add.f32.msk $0xffff, v9  }
0x136: {  	[tilespmem:v20+s21+$0x0] =	vst.idx.add.f32.msk $0xffff, v10  }
0x137: {  	[tilespmem:v21+s21+$0x0] =	vst.idx.add.f32.msk $0xffff, v11  }
.Ltmp2:
0x138: {  	[tilespmem:v22+s21+$0x0] =	vst.idx.add.f32.msk $0xffff, v12;
	(pc) =	sbr.rel @p0 .LBB2_6-.Ltmp2, $4  }
0x139: {  	[tilespmem:v23+s21+$0x0] =	vst.idx.add.f32.msk $0xffff, v1  }
0x13a: {  	[tilespmem:v24+s21+$0x0] =	vst.idx.add.f32.msk $0xffff, v2  }
0x13b: {  	[tilespmem:v25+s21+$0x0] =	vst.idx.add.f32.msk $0xffff, v7  }
0x13c: {  	s0 =	sadd.s32 $0xF0, s0;
	s31 =	sadd.s32 $0xF0, s31;
	[tilespmem:v26+s21+$0x0] =	vst.idx.add.f32.msk $0xffff, v8  }
0x13d: {  	s0 =	simm.s32 $0x0  }
0x13e: {  	[tilespmem:s17], [sflag:$0x2] =	stream.linear.gather [hbm4b:s10+s0], $0x1EF0, $0x38;
	[tilespmem:$0xFC00] =	vst v63  }
0x13f: {  	_ = 	snop  }
0x140: {  	[tilespmem:s18], [sflag:$0x4] =	stream.linear.gather [hbm4b:s11+s0], $0x1EF0, $0x38;
	[tilespmem:$0xFC00] =	vst v63  }
0x141: {  	_ =	swait.ge [sflag:s19], $0x1EF0  }
0x142: {  	[sflag:s19] =	ssyncset.done $0x0  }
0x143: {  	[sflag:s19] =	ssyncadd.s32 $0xFFFFE110  }
0x144: {  	_ =	swait.ge [sflag:s20], $0x1EF0  }
0x145: {  	[sflag:s20] =	ssyncset.done $0x0  }
0x146: {  	s1 =	simm.s32 $0x70;
	[sflag:s20] =	ssyncadd.s32 $0xFFFFE110  }
0x147: {  	s0 =	sand.u32 $0x1FF0, s0;
	v1 =	vld [tilespmem:s1+$0x70]  }
0x148: {  	v2 =	vld [tilespmem:s0+$0x80]  }
0x149: {  	v3 =	vld [tilespmem:s1+$0xFFFFFFA0]  }
0x14a: {  	v4 =	vld [tilespmem:s1+$0xFFFFFFB0]  }
0x14b: {  	v5 =	vld [tilespmem:s1+$0xFFFFFFC0]  }
0x14c: {  	s29 =	simm.s32 $0x3E70;
	v6 =	vld [tilespmem:s1+$0xFFFFFFD0]  }
0x14d: {  	v7 =	vld [tilespmem:s29+$0x70]  }
0x14e: {  	v8 =	vld [tilespmem:s0+$0x3E80]  }
0x14f: {  	v9 =	vld [tilespmem:s1+$0xFFFFFFE0]  }
0x150: {  	v10 =	vld [tilespmem:s1+$0xFFFFFFF0]  }
0x151: {  	v11 =	vld [tilespmem:s1+$0x0]  }
0x152: {  	v12 =	vld [tilespmem:s1+$0x20]  }
0x153: {  	v62 =	vld [tilespmem:s1+$0x50]  }
0x154: {  	v63 =	vld [tilespmem:s1+$0x60]  }
0x155: {  	v13 =	vld [tilespmem:s1+$0xFFFFFF90]  }
0x156: {  	v14 =	vld [tilespmem:s29+$0xFFFFFF90]  }
0x157: {  	v15 =	vld [tilespmem:s29+$0xFFFFFFA0]  }
0x158: {  	v16 =	vld [tilespmem:s29+$0xFFFFFFB0]  }
0x159: {  	v17 =	vld [tilespmem:s29+$0xFFFFFFC0]  }
0x15a: {  	v18 =	vld [tilespmem:s29+$0xFFFFFFD0]  }
0x15b: {  	v19 =	vld [tilespmem:s29+$0xFFFFFFE0]  }
0x15c: {  	v20 =	vld [tilespmem:s29+$0xFFFFFFF0]  }
0x15d: {  	v21 =	vld [tilespmem:s29+$0x0]  }
0x15e: {  	v22 =	vld [tilespmem:s29+$0x20]  }
0x15f: {  	v23 =	vld [tilespmem:s29+$0x30]  }
0x160: {  	v24 =	vld [tilespmem:s29+$0x40]  }
0x161: {  	v25 =	vld [tilespmem:s29+$0x50]  }
0x162: {  	v26 =	vld [tilespmem:s29+$0x60]  }
0x163: {  	v1 =	vld.idx.msk [tilespmem:v1+s15+$0x0], $0xffff  }
0x164: {  	v2 =	vld.idx.msk [tilespmem:v2+s15+$0x0], $0xffff  }
0x165: {  	v3 =	vld.idx.msk [tilespmem:v3+s15+$0x0], $0xffff  }
0x166: {  	v4 =	vld.idx.msk [tilespmem:v4+s15+$0x0], $0xffff  }
0x167: {  	v5 =	vld.idx.msk [tilespmem:v5+s15+$0x0], $0xffff  }
0x168: {  	v6 =	vld.idx.msk [tilespmem:v6+s15+$0x0], $0xffff  }
0x169: {  	v9 =	vld.idx.msk [tilespmem:v9+s15+$0x0], $0xffff  }
0x16a: {  	v10 =	vld.idx.msk [tilespmem:v10+s15+$0x0], $0xffff  }
0x16b: {  	v11 =	vld.idx.msk [tilespmem:v11+s15+$0x0], $0xffff  }
0x16c: {  	v13 =	vld.idx.msk [tilespmem:v13+s15+$0x0], $0xffff  }
0x16d: {  	v12 =	vld.idx.msk [tilespmem:v12+s15+$0x0], $0xffff  }
0x16e: {  	[tilespmem:v7+s21+$0x0] =	vst.idx.add.f32.msk $0xffff, v1  }
0x16f: {  	[tilespmem:v8+s21+$0x0] =	vst.idx.add.f32.msk $0xffff, v2  }
0x170: {  	v1 =	vld [tilespmem:s1+$0x30]  }
0x171: {  	v2 =	vld [tilespmem:s1+$0x40]  }
0x172: {  	v7 =	vld.idx.msk [tilespmem:v62+s15+$0x0], $0xffff  }
0x173: {  	v8 =	vld.idx.msk [tilespmem:v63+s15+$0x0], $0xffff  }
0x174: {  	[tilespmem:v14+s21+$0x0] =	vst.idx.add.f32.msk $0xffff, v13  }
0x175: {  	[tilespmem:v15+s21+$0x0] =	vst.idx.add.f32.msk $0xffff, v3  }
0x176: {  	[tilespmem:v16+s21+$0x0] =	vst.idx.add.f32.msk $0xffff, v4  }
0x177: {  	[tilespmem:v17+s21+$0x0] =	vst.idx.add.f32.msk $0xffff, v5  }
0x178: {  	[tilespmem:v18+s21+$0x0] =	vst.idx.add.f32.msk $0xffff, v6  }
0x179: {  	[tilespmem:v19+s21+$0x0] =	vst.idx.add.f32.msk $0xffff, v9  }
0x17a: {  	[tilespmem:v20+s21+$0x0] =	vst.idx.add.f32.msk $0xffff, v10  }
0x17b: {  	[tilespmem:v21+s21+$0x0] =	vst.idx.add.f32.msk $0xffff, v11  }
0x17c: {  	v1 =	vld.idx.msk [tilespmem:v1+s15+$0x0], $0xffff  }
0x17d: {  	v2 =	vld.idx.msk [tilespmem:v2+s15+$0x0], $0xffff  }
0x17e: {  	[tilespmem:v22+s21+$0x0] =	vst.idx.add.f32.msk $0xffff, v12  }
0x17f: {  	[tilespmem:v25+s21+$0x0] =	vst.idx.add.f32.msk $0xffff, v7  }
0x180: {  	[tilespmem:v26+s21+$0x0] =	vst.idx.add.f32.msk $0xffff, v8  }
0x181: {  	[tilespmem:v23+s21+$0x0] =	vst.idx.add.f32.msk $0xffff, v1  }
0x182: {  	s30 =	simm.s32 $0x0;
	s31 =	simm.s32 $0x160;
	s0 =	simm.s32 $0xF0;
	[tilespmem:v24+s21+$0x0] =	vst.idx.add.f32.msk $0xffff, v2  }
.LBB2_8:
0x183: {  	s1 =	sand.u32 $0x1FF0, s0;
	v1 =	vld [tilespmem:s31+$0x70];
	s30 =	sadd.s32 $0xF, s30  }
0x184: {  	v2 =	vld [tilespmem:s1+$0x80];
	p0 =	slt.u32 s30, $0x1E0  }
0x185: {  	v3 =	vld [tilespmem:s31+$0xFFFFFFA0]  }
0x186: {  	v4 =	vld [tilespmem:s31+$0xFFFFFFB0]  }
0x187: {  	v5 =	vld [tilespmem:s31+$0xFFFFFFC0]  }
0x188: {  	s29 =	sadd.s32 $0xF0, s29;
	v6 =	vld [tilespmem:s31+$0xFFFFFFD0]  }
0x189: {  	v7 =	vld [tilespmem:s29+$0x70]  }
0x18a: {  	v8 =	vld [tilespmem:s1+$0x3E80]  }
0x18b: {  	v1 =	vld.idx.msk [tilespmem:v1+s15+$0x0], $0xffff  }
0x18c: {  	v2 =	vld.idx.msk [tilespmem:v2+s15+$0x0], $0xffff  }
0x18d: {  	v9 =	vld [tilespmem:s31+$0xFFFFFFE0]  }
0x18e: {  	v10 =	vld [tilespmem:s31+$0xFFFFFFF0]  }
0x18f: {  	v11 =	vld [tilespmem:s31+$0x0]  }
0x190: {  	v12 =	vld [tilespmem:s31+$0x20]  }
0x191: {  	[tilespmem:v7+s21+$0x0] =	vst.idx.add.f32.msk $0xffff, v1  }
0x192: {  	[tilespmem:v8+s21+$0x0] =	vst.idx.add.f32.msk $0xffff, v2  }
0x193: {  	v1 =	vld [tilespmem:s31+$0x30]  }
0x194: {  	v2 =	vld [tilespmem:s31+$0x40]  }
0x195: {  	v7 =	vld [tilespmem:s31+$0x50]  }
0x196: {  	v8 =	vld [tilespmem:s31+$0x60]  }
0x197: {  	v13 =	vld [tilespmem:s31+$0xFFFFFF90]  }
0x198: {  	v3 =	vld.idx.msk [tilespmem:v3+s15+$0x0], $0xffff  }
0x199: {  	v4 =	vld.idx.msk [tilespmem:v4+s15+$0x0], $0xffff  }
0x19a: {  	v5 =	vld.idx.msk [tilespmem:v5+s15+$0x0], $0xffff  }
0x19b: {  	v6 =	vld.idx.msk [tilespmem:v6+s15+$0x0], $0xffff  }
0x19c: {  	v9 =	vld.idx.msk [tilespmem:v9+s15+$0x0], $0xffff  }
0x19d: {  	v10 =	vld.idx.msk [tilespmem:v10+s15+$0x0], $0xffff  }
0x19e: {  	v11 =	vld.idx.msk [tilespmem:v11+s15+$0x0], $0xffff  }
0x19f: {  	v13 =	vld.idx.msk [tilespmem:v13+s15+$0x0], $0xffff  }
0x1a0: {  	v12 =	vld.idx.msk [tilespmem:v12+s15+$0x0], $0xffff  }
0x1a1: {  	v1 =	vld.idx.msk [tilespmem:v1+s15+$0x0], $0xffff  }
0x1a2: {  	v2 =	vld.idx.msk [tilespmem:v2+s15+$0x0], $0xffff  }
0x1a3: {  	v7 =	vld.idx.msk [tilespmem:v7+s15+$0x0], $0xffff  }
0x1a4: {  	v8 =	vld.idx.msk [tilespmem:v8+s15+$0x0], $0xffff  }
0x1a5: {  	v14 =	vld [tilespmem:s29+$0xFFFFFF90]  }
0x1a6: {  	v15 =	vld [tilespmem:s29+$0xFFFFFFA0]  }
0x1a7: {  	v16 =	vld [tilespmem:s29+$0xFFFFFFB0]  }
0x1a8: {  	v17 =	vld [tilespmem:s29+$0xFFFFFFC0]  }
0x1a9: {  	v18 =	vld [tilespmem:s29+$0xFFFFFFD0]  }
0x1aa: {  	v19 =	vld [tilespmem:s29+$0xFFFFFFE0]  }
0x1ab: {  	v20 =	vld [tilespmem:s29+$0xFFFFFFF0]  }
0x1ac: {  	v21 =	vld [tilespmem:s29+$0x0]  }
0x1ad: {  	v22 =	vld [tilespmem:s29+$0x20]  }
0x1ae: {  	v23 =	vld [tilespmem:s29+$0x30]  }
0x1af: {  	v24 =	vld [tilespmem:s29+$0x40]  }
0x1b0: {  	v25 =	vld [tilespmem:s29+$0x50]  }
0x1b1: {  	v26 =	vld [tilespmem:s29+$0x60]  }
0x1b2: {  	[tilespmem:v14+s21+$0x0] =	vst.idx.add.f32.msk $0xffff, v13  }
0x1b3: {  	[tilespmem:v15+s21+$0x0] =	vst.idx.add.f32.msk $0xffff, v3  }
0x1b4: {  	[tilespmem:v16+s21+$0x0] =	vst.idx.add.f32.msk $0xffff, v4  }
0x1b5: {  	[tilespmem:v17+s21+$0x0] =	vst.idx.add.f32.msk $0xffff, v5  }
0x1b6: {  	[tilespmem:v18+s21+$0x0] =	vst.idx.add.f32.msk $0xffff, v6  }
0x1b7: {  	[tilespmem:v19+s21+$0x0] =	vst.idx.add.f32.msk $0xffff, v9  }
0x1b8: {  	[tilespmem:v20+s21+$0x0] =	vst.idx.add.f32.msk $0xffff, v10  }
0x1b9: {  	[tilespmem:v21+s21+$0x0] =	vst.idx.add.f32.msk $0xffff, v11  }
.Ltmp3:
0x1ba: {  	[tilespmem:v22+s21+$0x0] =	vst.idx.add.f32.msk $0xffff, v12;
	(pc) =	sbr.rel @p0 .LBB2_8-.Ltmp3, $4  }
0x1bb: {  	[tilespmem:v23+s21+$0x0] =	vst.idx.add.f32.msk $0xffff, v1  }
0x1bc: {  	[tilespmem:v24+s21+$0x0] =	vst.idx.add.f32.msk $0xffff, v2  }
0x1bd: {  	[tilespmem:v25+s21+$0x0] =	vst.idx.add.f32.msk $0xffff, v7  }
0x1be: {  	s0 =	sadd.s32 $0xF0, s0;
	s31 =	sadd.s32 $0xF0, s31;
	[tilespmem:v26+s21+$0x0] =	vst.idx.add.f32.msk $0xffff, v8  }
0x1bf: {  	_ =	swait.ge [sflag:s22], $0x1EF0  }
0x1c0: {  	[sflag:s22] =	ssyncset.done $0x0  }
0x1c1: {  	[sflag:s22] =	ssyncadd.s32 $0xFFFFE110  }
0x1c2: {  	_ =	swait.ge [sflag:s23], $0x1EF0  }
0x1c3: {  	[sflag:s23] =	ssyncset.done $0x0  }
0x1c4: {  	s0 =	simm.s32 $0x1F70;
	s1 =	simm.s32 $0x0;
	[sflag:s23] =	ssyncadd.s32 $0xFFFFE110  }
0x1c5: {  	s1 =	sand.u32 $0x1FF0, s1;
	v1 =	vld [tilespmem:s0+$0x70]  }
0x1c6: {  	v2 =	vld [tilespmem:s1+$0x1F80]  }
0x1c7: {  	v3 =	vld [tilespmem:s0+$0xFFFFFFA0]  }
0x1c8: {  	v4 =	vld [tilespmem:s0+$0xFFFFFFB0]  }
0x1c9: {  	v5 =	vld [tilespmem:s0+$0xFFFFFFC0]  }
0x1ca: {  	s29 =	simm.s32 $0x5D70;
	v6 =	vld [tilespmem:s0+$0xFFFFFFD0]  }
0x1cb: {  	v7 =	vld [tilespmem:s29+$0x70]  }
0x1cc: {  	v8 =	vld [tilespmem:s1+$0x5D80]  }
0x1cd: {  	v9 =	vld [tilespmem:s0+$0xFFFFFFE0]  }
0x1ce: {  	v10 =	vld [tilespmem:s0+$0xFFFFFFF0]  }
0x1cf: {  	v11 =	vld [tilespmem:s0+$0x0]  }
0x1d0: {  	v12 =	vld [tilespmem:s0+$0x20]  }
0x1d1: {  	v62 =	vld [tilespmem:s0+$0x50]  }
0x1d2: {  	v63 =	vld [tilespmem:s0+$0x60]  }
0x1d3: {  	v13 =	vld [tilespmem:s0+$0xFFFFFF90]  }
0x1d4: {  	v14 =	vld [tilespmem:s29+$0xFFFFFF90]  }
0x1d5: {  	v15 =	vld [tilespmem:s29+$0xFFFFFFA0]  }
0x1d6: {  	v16 =	vld [tilespmem:s29+$0xFFFFFFB0]  }
0x1d7: {  	v17 =	vld [tilespmem:s29+$0xFFFFFFC0]  }
0x1d8: {  	v18 =	vld [tilespmem:s29+$0xFFFFFFD0]  }
0x1d9: {  	v19 =	vld [tilespmem:s29+$0xFFFFFFE0]  }
0x1da: {  	v20 =	vld [tilespmem:s29+$0xFFFFFFF0]  }
0x1db: {  	v21 =	vld [tilespmem:s29+$0x0]  }
0x1dc: {  	v22 =	vld [tilespmem:s29+$0x20]  }
0x1dd: {  	v23 =	vld [tilespmem:s29+$0x30]  }
0x1de: {  	v24 =	vld [tilespmem:s29+$0x40]  }
0x1df: {  	v25 =	vld [tilespmem:s29+$0x50]  }
0x1e0: {  	v26 =	vld [tilespmem:s29+$0x60]  }
0x1e1: {  	v1 =	vld.idx.msk [tilespmem:v1+s15+$0x0], $0xffff  }
0x1e2: {  	v2 =	vld.idx.msk [tilespmem:v2+s15+$0x0], $0xffff  }
0x1e3: {  	v3 =	vld.idx.msk [tilespmem:v3+s15+$0x0], $0xffff  }
0x1e4: {  	v4 =	vld.idx.msk [tilespmem:v4+s15+$0x0], $0xffff  }
0x1e5: {  	v5 =	vld.idx.msk [tilespmem:v5+s15+$0x0], $0xffff  }
0x1e6: {  	v6 =	vld.idx.msk [tilespmem:v6+s15+$0x0], $0xffff  }
0x1e7: {  	v9 =	vld.idx.msk [tilespmem:v9+s15+$0x0], $0xffff  }
0x1e8: {  	v10 =	vld.idx.msk [tilespmem:v10+s15+$0x0], $0xffff  }
0x1e9: {  	v11 =	vld.idx.msk [tilespmem:v11+s15+$0x0], $0xffff  }
0x1ea: {  	v13 =	vld.idx.msk [tilespmem:v13+s15+$0x0], $0xffff  }
0x1eb: {  	v12 =	vld.idx.msk [tilespmem:v12+s15+$0x0], $0xffff  }
0x1ec: {  	[tilespmem:v7+s21+$0x0] =	vst.idx.add.f32.msk $0xffff, v1  }
0x1ed: {  	[tilespmem:v8+s21+$0x0] =	vst.idx.add.f32.msk $0xffff, v2  }
0x1ee: {  	v1 =	vld [tilespmem:s0+$0x30]  }
0x1ef: {  	v2 =	vld [tilespmem:s0+$0x40]  }
0x1f0: {  	v7 =	vld.idx.msk [tilespmem:v62+s15+$0x0], $0xffff  }
0x1f1: {  	v8 =	vld.idx.msk [tilespmem:v63+s15+$0x0], $0xffff  }
0x1f2: {  	[tilespmem:v14+s21+$0x0] =	vst.idx.add.f32.msk $0xffff, v13  }
0x1f3: {  	[tilespmem:v15+s21+$0x0] =	vst.idx.add.f32.msk $0xffff, v3  }
0x1f4: {  	[tilespmem:v16+s21+$0x0] =	vst.idx.add.f32.msk $0xffff, v4  }
0x1f5: {  	[tilespmem:v17+s21+$0x0] =	vst.idx.add.f32.msk $0xffff, v5  }
0x1f6: {  	[tilespmem:v18+s21+$0x0] =	vst.idx.add.f32.msk $0xffff, v6  }
0x1f7: {  	[tilespmem:v19+s21+$0x0] =	vst.idx.add.f32.msk $0xffff, v9  }
0x1f8: {  	[tilespmem:v20+s21+$0x0] =	vst.idx.add.f32.msk $0xffff, v10  }
0x1f9: {  	[tilespmem:v21+s21+$0x0] =	vst.idx.add.f32.msk $0xffff, v11  }
0x1fa: {  	v1 =	vld.idx.msk [tilespmem:v1+s15+$0x0], $0xffff  }
0x1fb: {  	v2 =	vld.idx.msk [tilespmem:v2+s15+$0x0], $0xffff  }
0x1fc: {  	[tilespmem:v22+s21+$0x0] =	vst.idx.add.f32.msk $0xffff, v12  }
0x1fd: {  	[tilespmem:v25+s21+$0x0] =	vst.idx.add.f32.msk $0xffff, v7  }
0x1fe: {  	[tilespmem:v26+s21+$0x0] =	vst.idx.add.f32.msk $0xffff, v8  }
0x1ff: {  	[tilespmem:v23+s21+$0x0] =	vst.idx.add.f32.msk $0xffff, v1  }
0x200: {  	s30 =	simm.s32 $0x0;
	s31 =	simm.s32 $0x2060;
	s0 =	simm.s32 $0xF0;
	[tilespmem:v24+s21+$0x0] =	vst.idx.add.f32.msk $0xffff, v2  }
.LBB2_10:
0x201: {  	s1 =	sand.u32 $0x1FF0, s0;
	v1 =	vld [tilespmem:s31+$0x70];
	s30 =	sadd.s32 $0xF, s30  }
0x202: {  	v2 =	vld [tilespmem:s1+$0x1F80];
	p0 =	slt.u32 s30, $0x1E0  }
0x203: {  	v3 =	vld [tilespmem:s31+$0xFFFFFFA0]  }
0x204: {  	v4 =	vld [tilespmem:s31+$0xFFFFFFB0]  }
0x205: {  	v5 =	vld [tilespmem:s31+$0xFFFFFFC0]  }
0x206: {  	s29 =	sadd.s32 $0xF0, s29;
	v6 =	vld [tilespmem:s31+$0xFFFFFFD0]  }
0x207: {  	v7 =	vld [tilespmem:s29+$0x70]  }
0x208: {  	v8 =	vld [tilespmem:s1+$0x5D80]  }
0x209: {  	v1 =	vld.idx.msk [tilespmem:v1+s15+$0x0], $0xffff  }
0x20a: {  	v2 =	vld.idx.msk [tilespmem:v2+s15+$0x0], $0xffff  }
0x20b: {  	v9 =	vld [tilespmem:s31+$0xFFFFFFE0]  }
0x20c: {  	v10 =	vld [tilespmem:s31+$0xFFFFFFF0]  }
0x20d: {  	v11 =	vld [tilespmem:s31+$0x0]  }
0x20e: {  	v12 =	vld [tilespmem:s31+$0x20]  }
0x20f: {  	[tilespmem:v7+s21+$0x0] =	vst.idx.add.f32.msk $0xffff, v1  }
0x210: {  	[tilespmem:v8+s21+$0x0] =	vst.idx.add.f32.msk $0xffff, v2  }
0x211: {  	v1 =	vld [tilespmem:s31+$0x30]  }
0x212: {  	v2 =	vld [tilespmem:s31+$0x40]  }
0x213: {  	v7 =	vld [tilespmem:s31+$0x50]  }
0x214: {  	v8 =	vld [tilespmem:s31+$0x60]  }
0x215: {  	v13 =	vld [tilespmem:s31+$0xFFFFFF90]  }
0x216: {  	v3 =	vld.idx.msk [tilespmem:v3+s15+$0x0], $0xffff  }
0x217: {  	v4 =	vld.idx.msk [tilespmem:v4+s15+$0x0], $0xffff  }
0x218: {  	v5 =	vld.idx.msk [tilespmem:v5+s15+$0x0], $0xffff  }
0x219: {  	v6 =	vld.idx.msk [tilespmem:v6+s15+$0x0], $0xffff  }
0x21a: {  	v9 =	vld.idx.msk [tilespmem:v9+s15+$0x0], $0xffff  }
0x21b: {  	v10 =	vld.idx.msk [tilespmem:v10+s15+$0x0], $0xffff  }
0x21c: {  	v11 =	vld.idx.msk [tilespmem:v11+s15+$0x0], $0xffff  }
0x21d: {  	v13 =	vld.idx.msk [tilespmem:v13+s15+$0x0], $0xffff  }
0x21e: {  	v12 =	vld.idx.msk [tilespmem:v12+s15+$0x0], $0xffff  }
0x21f: {  	v1 =	vld.idx.msk [tilespmem:v1+s15+$0x0], $0xffff  }
0x220: {  	v2 =	vld.idx.msk [tilespmem:v2+s15+$0x0], $0xffff  }
0x221: {  	v7 =	vld.idx.msk [tilespmem:v7+s15+$0x0], $0xffff  }
0x222: {  	v8 =	vld.idx.msk [tilespmem:v8+s15+$0x0], $0xffff  }
0x223: {  	v14 =	vld [tilespmem:s29+$0xFFFFFF90]  }
0x224: {  	v15 =	vld [tilespmem:s29+$0xFFFFFFA0]  }
0x225: {  	v16 =	vld [tilespmem:s29+$0xFFFFFFB0]  }
0x226: {  	v17 =	vld [tilespmem:s29+$0xFFFFFFC0]  }
0x227: {  	v18 =	vld [tilespmem:s29+$0xFFFFFFD0]  }
0x228: {  	v19 =	vld [tilespmem:s29+$0xFFFFFFE0]  }
0x229: {  	v20 =	vld [tilespmem:s29+$0xFFFFFFF0]  }
0x22a: {  	v21 =	vld [tilespmem:s29+$0x0]  }
0x22b: {  	v22 =	vld [tilespmem:s29+$0x20]  }
0x22c: {  	v23 =	vld [tilespmem:s29+$0x30]  }
0x22d: {  	v24 =	vld [tilespmem:s29+$0x40]  }
0x22e: {  	v25 =	vld [tilespmem:s29+$0x50]  }
0x22f: {  	v26 =	vld [tilespmem:s29+$0x60]  }
0x230: {  	[tilespmem:v14+s21+$0x0] =	vst.idx.add.f32.msk $0xffff, v13  }
0x231: {  	[tilespmem:v15+s21+$0x0] =	vst.idx.add.f32.msk $0xffff, v3  }
0x232: {  	[tilespmem:v16+s21+$0x0] =	vst.idx.add.f32.msk $0xffff, v4  }
0x233: {  	[tilespmem:v17+s21+$0x0] =	vst.idx.add.f32.msk $0xffff, v5  }
0x234: {  	[tilespmem:v18+s21+$0x0] =	vst.idx.add.f32.msk $0xffff, v6  }
0x235: {  	[tilespmem:v19+s21+$0x0] =	vst.idx.add.f32.msk $0xffff, v9  }
0x236: {  	[tilespmem:v20+s21+$0x0] =	vst.idx.add.f32.msk $0xffff, v10  }
0x237: {  	[tilespmem:v21+s21+$0x0] =	vst.idx.add.f32.msk $0xffff, v11  }
.Ltmp4:
0x238: {  	[tilespmem:v22+s21+$0x0] =	vst.idx.add.f32.msk $0xffff, v12;
	(pc) =	sbr.rel @p0 .LBB2_10-.Ltmp4, $4  }
0x239: {  	[tilespmem:v23+s21+$0x0] =	vst.idx.add.f32.msk $0xffff, v1  }
0x23a: {  	[tilespmem:v24+s21+$0x0] =	vst.idx.add.f32.msk $0xffff, v2  }
0x23b: {  	[tilespmem:v25+s21+$0x0] =	vst.idx.add.f32.msk $0xffff, v7  }
0x23c: {  	s0 =	sadd.s32 $0xF0, s0;
	s31 =	sadd.s32 $0xF0, s31;
	[tilespmem:v26+s21+$0x0] =	vst.idx.add.f32.msk $0xffff, v8  }
0x23d: {  	s28 =	sadd.s32 $0x1, s28  }
0x23e: {  	p0 =	sne.s32 s28, s13  }
.Ltmp5:
0x23f: {  	_ = 	snop;
	(pc) =	sbr.rel @p0 .LBB2_1-.Ltmp5, $4  }
0x240: {  	[hbm4b:s12+s24] =	stream.strided.scatter [tilespmem:s21], [sflag:$0x6], $0x4000, s25, s24, $0x38;
	[tilespmem:$0xFC00] =	vst v63  }
0x241: {  	_ =	swait.ge [sflag:s26], $0x4000  }
0x242: {  	[sflag:s26] =	ssyncset.done $0x0  }
0x243: {  	[sflag:s26] =	ssyncadd.s32 $0xFFFFC000  }
0x244: {  	_ =	sfence.sel $0x180000  }
0x245: {  	[bflag:$0x0] =	sbarrier.arrive $0xFFFF  }
0x246: {  	_ =	strace $0x9000004A  }
0x247: {  	s0 =	stileid.u32;
	[bflag:$0x2] =	sbarrier.arrive $0xFFFF  }
0x248: {  	p0 =	sne.s32 s0, $0x0;
	s0 =	rddreg [dreg:$0x1]  }
0x249: {  	s0 =	sadd.s32 @!p0 $0x100000, s0  }
0x24a: {  	[sflag:s0] =	ssyncadd.tile.s32 @!p0 $0x1;
	_ =	shalt  }
.Lfunc_end2:
_tile_overlayer_lowered:
.L_overlay_start_2:
0x24b: {  	(tag) =	ssettag $0x2  }
0x24c: {  	s0 =	rddreg [dreg:$0x0];
	s2 =	stileid.u32  }
0x24d: {  	s1 =	rddreg [dreg:$0x1];
	p0 =	sne.s32 s2, $0x0  }
0x24e: {  	s3 =	rddreg [dreg:$0x2];
	[bflag:$0x3] =	sbarrier.arrive $0xFFFF;
	s2 =	simm.s32 @!p0 $0x1C06  }
0x24f: {  	[timem:s3], [sflag:s2] =	dma.local @!p0 [hbm:s0], s1  }
0x250: {  	s0 =	simm.s32 @!p0 $0x6  }
0x251: {  	_ =	swait.ge @!p0 [sflag:s0], s1  }
0x252: {  	s1 =	ssub.s32 @!p0 $0x0, s1;
	[sflag:s0] =	ssyncset.done @!p0 $0x0  }
0x253: {  	[sflag:s0] =	ssyncadd.s32 @!p0 s1  }
0x254: {  	[bflag:$0x3] =	sbarrier.arrive $0xFFFF  }
0x255: {  	_ =	shalt  }

// kernel: kernel.14.cloned.1.call-start
scs
__scs_entry_jumppad:
0x0: {  	(pc) =	sbr.rel $0x88, $3  }
0x1: {  	(tag) =	ssettag $0x0;
	lr =	simm.s32 $0x1  }
0x2: {  	[smem:$0x3F99] =	sst lr;
	_ =	strace $0xD0000000  }
0x3: {  	_ = 	snop  }
0x4: {  	_ = 	snop  }
0x5: {  	_ = 	snop  }
0x6: {  	_ = 	snop  }
0x7: {  	_ = 	snop  }
__scs_overlays_trampoline_lowered:
0x8: {  	[smem:$0x3FA8] =	sst s0  }
0x9: {  	[smem:$0x3FA9] =	sst s1  }
0xa: {  	[smem:$0x3FAA] =	sst s2  }
0xb: {  	[smem:$0x3FAB] =	sst s3  }
0xc: {  	[smem:$0x3FAC] =	sst s4  }
0xd: {  	[smem:$0x3FAD] =	sst s5  }
0xe: {  	[smem:$0x3FAE] =	sst s6  }
0xf: {  	[smem:$0x3FAF] =	sst s7  }
0x10: {  	[smem:$0x3FB0] =	sst s8  }
0x11: {  	[smem:$0x3FB1] =	sst s9;
	s0 =	simm.s32 @!p0 $0x0  }
0x12: {  	s1 =	sld [smem:$0x3F97];
	s0 =	simm.s32 @p0 $0x1  }
0x13: {  	[smem:$0x3FB2] =	sst s0;
	s0 =	simm.s32 @!p1 $0x0  }
0x14: {  	s2 =	sld [smem:$0x3F96];
	s0 =	simm.s32 @p1 $0x1  }
0x15: {  	[smem:$0x3FB3] =	sst s0;
	s0 =	simm.s32 @!p2 $0x0  }
0x16: {  	s3 =	sld [smem:$0x3FDB];
	s0 =	simm.s32 @p2 $0x1  }
0x17: {  	s4 =	simm.s32 $0x1BF5;
	[smem:$0x3FB5] =	sst s0  }
0x18: {  	s0 =	sld [smem:$0x3F98];
	_ =	swait.ge [sflag:s4], $0x0  }
0x19: {  	s7 =	sld [smem:$0x3F99]  }
0x1a: {  	s8 =	sadd.s32 $0xFFFFE003, lr  }
0x1b: {  	s9 =	sadd.s32 $0xFFFFFEF7, lr;
	s5 =	simm.s32 $0xFFFFFFFF;
	p2 =	slt.u32 s8, $0xFFFFF086  }
0x1c: {  	p1 =	slt.u32 s9, $0xF7A;
	s5 =	simm.s32 @!p2 $0x0  }
0x1d: {  	s5 =	simm.s32 @p1 $0x1;
	p0 =	seq.s32 s7, s2  }
0x1e: {  	s7 =	smul.u32 @!p0 $0xF7A, s2;
	p2 =	seq.s32 @!p0 s5, $0x0  }
0x1f: {  	s9 =	smul.u32 $0xF7A, s1;
	s8 =	simm.s32 @!p0 $0x1BF5;
	p2 =	por !p2, p0  }
0x20: {  	[sflag:s8] =	ssyncset.s32 @!p0 $0xFFFFF086;
	s6 =	sadd.s32 @!p0 s3, s7;
	s7 =	simm.s32 @!p0 $0x108  }
0x21: {  	s3 =	sadd.s32 s3, s9;
	s6 =	sadd.s32 @!p0 $0x88, s6;
	s7 =	simm.s32 @p2 $0x1082  }
0x22: {  	[simem:s7], [sflag:s8] =	dma.local @!p0 [hbm:s6], $0xF7A  }
0x23: {  	s9 =	sor.u32 $0xD0000000, s2;
	s6 =	simm.s32 $0x108;
	_ =	swait.ge @!p0 [sflag:s8], $0x0  }
0x24: {  	s3 =	sadd.s32 $0x88, s3;
	s6 =	simm.s32 @!p1 $0x1082;
	[sflag:s4] =	ssyncset.s32 $0xFFFFF086  }
0x25: {  	[simem:s6], [sflag:s4] =	dma.local [hbm:s3], $0xF7A  }
0x26: {  	[smem:$0x3F99] =	sst s1;
	(tag) =	ssettag s2;
	_ =	strace s9  }
0x27: {  	s1 =	sld [smem:$0x3FA9]  }
0x28: {  	s2 =	sld [smem:$0x3FAA]  }
0x29: {  	s4 =	sld [smem:$0x3FAC]  }
0x2a: {  	p0 =	seq.s32 s5, $0x0;
	s5 =	sld [smem:$0x3FAD]  }
0x2b: {  	s6 =	sld [smem:$0x3FAE]  }
0x2c: {  	s7 =	sld [smem:$0x3FAF]  }
0x2d: {  	s3 =	simm.s32 $0x108;
	s8 =	sld [smem:$0x3FB0]  }
0x2e: {  	s3 =	simm.s32 @!p0 $0x1082;
	s9 =	sld [smem:$0x3FB1]  }
0x2f: {  	lr =	sadd.s32 s0, s3;
	s0 =	sld [smem:$0x3FA8]  }
0x30: {  	s3 =	sld [smem:$0x3FAB]  }
0x31: {  	[smem:$0x3FB4] =	sst s10  }
0x32: {  	s10 =	sld [smem:$0x3FB2];
	_ =	sdelay $0x3  }
0x33: {  	p0 =	seq.s32 s10, $0x1;
	s10 =	sld [smem:$0x3FB4];
	_ =	sdelay $0x3  }
0x34: {  	[smem:$0x3FB4] =	sst s10  }
0x35: {  	s10 =	sld [smem:$0x3FB3];
	_ =	sdelay $0x3  }
0x36: {  	p1 =	seq.s32 s10, $0x1;
	s10 =	sld [smem:$0x3FB4];
	_ =	sdelay $0x3  }
0x37: {  	[smem:$0x3FB4] =	sst s10  }
0x38: {  	s10 =	sld [smem:$0x3FB5]  }
0x39: {  	_ = 	snop;
	(pc) =	sbr.ind lr, $3  }
0x3a: {  	_ = 	snop  }
0x3b: {  	_ = 	snop  }
0x3c: {  	p2 =	seq.s32 s10, $0x1;
	s10 =	sld [smem:$0x3FB4]  }
0x3d: {  	_ =	shalt  }
0x3e: {  	_ =	shalt  }
0x3f: {  	_ =	shalt  }
0x40: {  	_ =	shalt  }
0x41: {  	_ =	shalt  }
0x42: {  	_ =	shalt  }
0x43: {  	_ =	shalt  }
0x44: {  	_ =	shalt  }
0x45: {  	_ =	shalt  }
0x46: {  	_ =	shalt  }
0x47: {  	_ =	shalt  }
0x48: {  	_ =	shalt  }
0x49: {  	_ =	shalt  }
0x4a: {  	_ =	shalt  }
0x4b: {  	_ =	shalt  }
0x4c: {  	_ =	shalt  }
0x4d: {  	_ =	shalt  }
0x4e: {  	_ =	shalt  }
0x4f: {  	_ =	shalt  }
0x50: {  	_ =	shalt  }
0x51: {  	_ =	shalt  }
0x52: {  	_ =	shalt  }
0x53: {  	_ =	shalt  }
0x54: {  	_ =	shalt  }
0x55: {  	_ =	shalt  }
0x56: {  	_ =	shalt  }
0x57: {  	_ =	shalt  }
0x58: {  	_ =	shalt  }
0x59: {  	_ =	shalt  }
0x5a: {  	_ =	shalt  }
0x5b: {  	_ =	shalt  }
0x5c: {  	_ =	shalt  }
0x5d: {  	_ =	shalt  }
0x5e: {  	_ =	shalt  }
0x5f: {  	_ =	shalt  }
0x60: {  	_ =	shalt  }
0x61: {  	_ =	shalt  }
0x62: {  	_ =	shalt  }
0x63: {  	_ =	shalt  }
0x64: {  	_ =	shalt  }
0x65: {  	_ =	shalt  }
0x66: {  	_ =	shalt  }
0x67: {  	_ =	shalt  }
0x68: {  	_ =	shalt  }
0x69: {  	_ =	shalt  }
0x6a: {  	_ =	shalt  }
0x6b: {  	_ =	shalt  }
0x6c: {  	_ =	shalt  }
0x6d: {  	_ =	shalt  }
0x6e: {  	_ =	shalt  }
0x6f: {  	_ =	shalt  }
0x70: {  	_ =	shalt  }
0x71: {  	_ =	shalt  }
0x72: {  	_ =	shalt  }
0x73: {  	_ =	shalt  }
0x74: {  	_ =	shalt  }
0x75: {  	_ =	shalt  }
0x76: {  	_ =	shalt  }
0x77: {  	_ =	shalt  }
0x78: {  	_ =	shalt  }
0x79: {  	_ =	shalt  }
0x7a: {  	_ =	shalt  }
0x7b: {  	_ =	shalt  }
0x7c: {  	_ =	shalt  }
0x7d: {  	_ =	shalt  }
0x7e: {  	_ =	shalt  }
0x7f: {  	_ =	shalt  }
0x80: {  	_ =	shalt  }
0x81: {  	_ =	shalt  }
0x82: {  	_ =	shalt  }
0x83: {  	_ =	shalt  }
0x84: {  	_ =	shalt  }
0x85: {  	_ =	shalt  }
0x86: {  	_ =	shalt  }
0x87: {  	_ =	shalt  }
.Lfunc_end0:
.L_simem_size_0:
called_computation.2_lowered:
.L_overlay_start_0:
0x88: {  	s2 =	sld [smem:$0x3FD9]  }
0x89: {  	s3 =	sld [smem:$0x3FFE];
	_ =	sdelay $0x1  }
0x8a: {  	s1 =	srdreg.scid  }
0x8b: {  	s0 =	sand.u32 $0x1, s1  }
0x8c: {  	s16 =	sshll.u32 s0, $0xA;
	s2 =	sadd.s32 s3, s2  }
0x8d: {  	s2 =	sadd.s32 s2, s16  }
0x8e: {  	[smem:$0x3FC0] =	sst s2  }
0x8f: {  	_ = 	snop  }
0x90: {  	(tm) =	ssettm $0x1  }
0x91: {  	s17 =	sld [smem:$0x3FFB];
	_ =	sdelay $0x3  }
0x92: {  	_ =	strace s17  }
0x93: {  	s2 =	sld [smem:$0x3FFC];
	_ =	sdelay $0x3  }
0x94: {  	_ =	strace s2  }
0x95: {  	s2 =	sld [smem:$0x3FFD];
	_ =	sdelay $0x3  }
0x96: {  	_ =	strace s2  }
0x97: {  	_ =	strace $0x8FFFFFFF  }
0x98: {  	s18 =	sld [smem:$0x3FDB];
	_ =	sdelay $0x1  }
0x99: {  	s19 =	simm.s32 $_scs_section_size  }
0x9a: {  	s4 =	simm.s32 $_size__tile_overlayer_lowered;
	s5 =	simm.s32 $_tile_overlayer_lowered  }
0x9b: {  	s22 =	simm.s32 $0x1BFF;
	s21 =	sshll.u32 s5, $0x1;
	s2 =	sadd.s32 s19, s18  }
0x9c: {  	s6 =	simm.s32 $0x0;
	s20 =	sshll.u32 s4, $0x1;
	s4 =	sadd.s32 s21, s2  }
0x9d: {  	[timem:s6], [sflag:s22] =	dma.local [hbm:s4], s20  }
0x9e: {  	_ =	swait.ge [sflag:s22], s20  }
0x9f: {  	s3 =	ssub.s32 $0x0, s20;
	[sflag:s22] =	ssyncset.done $0x0  }
0xa0: {  	[sflag:s22] =	ssyncadd.s32 s3;
	_ =	sdelay $0x1  }
0xa1: {  	s23 =	simm.s32 $0x1B8B  }
0xa2: {  	_ =	swait.ge [sflag:s23], $0x1  }
0xa3: {  	[sflag:s23] =	ssyncset.done $0x0  }
0xa4: {  	s25 =	simm.s32 $0x1B8E;
	s24 =	sld [smem:$0x3FFE];
	[sflag:s23] =	ssyncadd.s32 $0xFFFFFFFF  }
0xa5: {  	s26 =	simm.s32 $execute0_lowered;
	[smem:$0x3FD2] =	sst s25  }
0xa6: {  	s4 =	sshll.u32 s26, $0x1;
	_ =	strace $0x8000004C;
	[dreg:$0x1] =	wrdreg $0xFFFFFFFF  }
0xa7: {  	s28 =	simm.s32 $_size_execute0_lowered;
	s2 =	sadd.s32 s2, s4;
	[dreg:$0x0] =	wrdreg $0x0  }
0xa8: {  	s4 =	sshll.u32 s28, $0x1;
	[dreg:$0x2] =	wrdreg s2  }
0xa9: {  	[dreg:$0x3] =	wrdreg s4  }
0xaa: {  	[dreg:$0x4] =	wrdreg $0xC0  }
0xab: {  	_ =	task [dreg:s6], $0x5FFFF  }
0xac: {  	[dreg:$0x1] =	wrdreg $0xFFFFFFFF  }
0xad: {  	[dreg:$0x0] =	wrdreg $0x60  }
0xae: {  	[dreg:$0x2] =	wrdreg s24  }
0xaf: {  	[dreg:$0x3] =	wrdreg $0x9  }
0xb0: {  	_ =	task.clear_ibuf [dreg:s6], $0x4FFFF;
	_ =	strace $0x9000004C  }
0xb1: {  	s29 =	simm.s32 $0x9;
	_ =	strace $0x8000004E  }
0xb2: {  	_ =	swait.ge [sflag:s29], $0x1  }
0xb3: {  	[sflag:s29] =	ssyncadd.s32 $0xFFFFFFFF  }
0xb4: {  	_ =	strace $0x9000004E  }
0xb5: {  	_ =	sfence  }
0xb6: {  	s30 =	sld [smem:$0x0];
	_ =	sdelay $0x2  }
0xb7: {  	s31 =	sshll.u32 s1, $0xD;
	s1 =	sshrl.u32 s1, $0x2  }
0xb8: {  	s3 =	sand.u32 $0x4000, s31;
	s1 =	sadd.s32 s1, s30  }
0xb9: {  	s0 =	sor.u32 s3, s0;
	s1 =	sshll.u32 s1, $0x11  }
0xba: {  	s0 =	sor.u32 s1, s0  }
0xbb: {  	s0 =	sadd.s32 $0x8F2B, s0  }
0xbc: {  	[sflag:s0] =	ssyncadd.remote.s32 $0x1  }
0xbd: {  	_ =	sfence.sel $0xFFFF  }
0xbe: {  	[dreg:$0x0] =	wrdreg $0xFFFFFFFF;
	(pc) =	sbr.abs _section_cstart, $3  }
0xbf: {  	[dreg:$0x1] =	wrdreg $0xFFFFFFFF  }
0xc0: {  	_ =	task.clear_ibuf [dreg:s6], $0x2FFFF;
	_ =	strace $0x9FFFFFFF  }
0xc1: {  	(tm) =	ssettm $0x7FFFFFFF  }
tec
execute0_lowered:
.L_overlay_start_1:
0x0: {  	(tag) =	ssettag $0x1  }
0x1: {  	s0 =	rddreg [dreg:$0x0];
	s2 =	simm.s32 $0x0  }
0x2: {  	s1 =	stileid.u32;
	s3 =	srdreg.scid;
	s15 =	simm.s32 $0x7C00  }
0x3: {  	s16 =	simm.s32 $0x5;
	s17 =	simm.s32 $0x1F00;
	s18 =	simm.s32 $0x5D00  }
0x4: {  	s19 =	simm.s32 $0x1;
	s20 =	simm.s32 $0x3;
	s21 =	simm.s32 $0xBC00  }
0x5: {  	s22 =	simm.s32 $0x2;
	s23 =	simm.s32 $0x4;
	s24 =	simm.s32 $0x80  }
0x6: {  	s25 =	simm.s32 $0x400;
	s26 =	simm.s32 $0x6;
	s28 =	simm.s32 $0x0  }
0x7: {  	[smem:$0x7FF] =	sst s2;
	s3 =	sand.u32 $0x1, s3;
	s4 =	sshll.u32 s1, $0x1  }
0x8: {  	s10 =	sadd.s32 $0x22000, s0;
	s11 =	sadd.s32 $0x3000, s0;
	s30 =	sshll.u32 s1, $0xC  }
0x9: {  	_ =	strace $0x8000004D;
	s7 =	sor.u32 s3, s4;
	s5 =	ssub.s32 $0x2, s3  }
0xa: {  	s3 =	sadd.s32 $0x41000, s0;
	s4 =	sand.u32 $0xC000, s30;
	s6 =	smul.u32 $0x7BC0, s7  }
0xb: {  	s8 =	sshrl.u32 s5, $0x1;
	s0 =	sadd.s32 s4, s0;
	s14 =	sshll.u32 s7, $0x4  }
0xc: {  	s13 =	ssub.s32 s5, s8;
	s14 =	sand.u32 $0x70, s14;
	s12 =	sshrl.u32 s6, $0x3  }
0xd: {  	s0 =	sadd.s32 s14, s0;
	s13 =	smax.u32 s13, $0x1;
	s14 =	simm.s32 $0x3E00  }
0xe: {  	s4 =	sadd.s32 s10, s12;
	s5 =	sadd.s32 s11, s12;
	s31 =	sadd.s32 $0x3DE, s12  }
0xf: {  	s9 =	sadd.s32 $0x7BC, s12;
	s12 =	sadd.s32 $0xB9A, s12;
	s6 =	sadd.s32 s10, s31  }
0x10: {  	s7 =	sadd.s32 s11, s31;
	s8 =	sadd.s32 s10, s9;
	s9 =	sadd.s32 s11, s9  }
0x11: {  	v0 =	vimm.f32 $0.0e+00;
	s10 =	sadd.s32 s10, s12;
	s11 =	sadd.s32 s11, s12;
	s12 =	sadd.s32 $0x41800, s0  }
.LBB2_1:
0x12: {  	[tilespmem:s2], [sflag:$0x1] =	stream.linear.gather [hbm4b:s4+s2], $0x1EF0, $0x38;
	[tilespmem:$0xFC00] =	vst v63  }
0x13: {  	_ = 	snop  }
0x14: {  	[tilespmem:s14], [sflag:$0x3] =	stream.linear.gather [hbm4b:s5+s2], $0x1EF0, $0x38;
	[tilespmem:$0xFC00] =	vst v63  }
0x15: {  	s0 =	simm.s32 $0xBC80  }
0x16: {  	[tilespmem:s15], [sflag:$0x5] =	stream.linear.gather [hbm4b:s3+s2], $0x4000, $0x38;
	[tilespmem:$0xFC00] =	vst v63  }
0x17: {  	[tilespmem:s0+$0xFFFFFF80] =	vst v0  }
0x18: {  	[tilespmem:s0+$0x70] =	vst v0  }
0x19: {  	[tilespmem:s0+$0x60] =	vst v0  }
0x1a: {  	[tilespmem:s0+$0x50] =	vst v0  }
0x1b: {  	[tilespmem:s0+$0x40] =	vst v0  }
0x1c: {  	[tilespmem:s0+$0x30] =	vst v0  }
0x1d: {  	[tilespmem:s0+$0x20] =	vst v0  }
0x1e: {  	[tilespmem:s0+$0x10] =	vst v0  }
0x1f: {  	[tilespmem:s0+$0x0] =	vst v0  }
0x20: {  	[tilespmem:s0+$0xFFFFFFF0] =	vst v0  }
0x21: {  	[tilespmem:s0+$0xFFFFFFE0] =	vst v0  }
0x22: {  	[tilespmem:s0+$0xFFFFFFD0] =	vst v0  }
0x23: {  	[tilespmem:s0+$0xFFFFFFC0] =	vst v0  }
0x24: {  	[tilespmem:s0+$0xFFFFFFB0] =	vst v0  }
0x25: {  	s29 =	simm.s32 $0x0;
	[tilespmem:s0+$0xFFFFFFA0] =	vst v0  }
.LBB2_2:
0x26: {  	s29 =	sadd.s32 $0x10, s29;
	[tilespmem:s0+$0xFFFFFF90] =	vst v0;
	s0 =	sadd.s32 $0x100, s0  }
0x27: {  	[tilespmem:s0+$0xFFFFFF80] =	vst v0;
	p0 =	slt.u32 s29, $0x3F0  }
0x28: {  	[tilespmem:s0+$0x70] =	vst v0  }
0x29: {  	[tilespmem:s0+$0x60] =	vst v0  }
0x2a: {  	[tilespmem:s0+$0x50] =	vst v0  }
0x2b: {  	[tilespmem:s0+$0x40] =	vst v0  }
0x2c: {  	[tilespmem:s0+$0x30] =	vst v0  }
0x2d: {  	[tilespmem:s0+$0x20] =	vst v0  }
0x2e: {  	[tilespmem:s0+$0x10] =	vst v0  }
0x2f: {  	[tilespmem:s0+$0x0] =	vst v0  }
0x30: {  	[tilespmem:s0+$0xFFFFFFF0] =	vst v0  }
.Ltmp0:
0x31: {  	[tilespmem:s0+$0xFFFFFFE0] =	vst v0;
	(pc) =	sbr.rel @p0 .LBB2_2-.Ltmp0, $4  }
0x32: {  	[tilespmem:s0+$0xFFFFFFD0] =	vst v0  }
0x33: {  	[tilespmem:s0+$0xFFFFFFC0] =	vst v0  }
0x34: {  	[tilespmem:s0+$0xFFFFFFB0] =	vst v0  }
0x35: {  	[tilespmem:s0+$0xFFFFFFA0] =	vst v0  }
0x36: {  	[tilespmem:s0+$0xFFFFFF90] =	vst v0  }
0x37: {  	_ =	swait.ge [sflag:s16], $0x4000  }
0x38: {  	[sflag:s16] =	ssyncset.done $0x0  }
0x39: {  	s1 =	simm.s32 $0x0;
	[sflag:s16] =	ssyncadd.s32 $0xFFFFC000  }
0x3a: {  	[tilespmem:s17], [sflag:$0x2] =	stream.linear.gather [hbm4b:s6+s1], $0x1EF0, $0x38;
	[tilespmem:$0xFC00] =	vst v63  }
0x3b: {  	_ = 	snop  }
0x3c: {  	[tilespmem:s18], [sflag:$0x4] =	stream.linear.gather [hbm4b:s7+s1], $0x1EF0, $0x38;
	[tilespmem:$0xFC00] =	vst v63  }
0x3d: {  	_ =	swait.ge [sflag:s19], $0x1EF0  }
0x3e: {  	[sflag:s19] =	ssyncset.done $0x0  }
0x3f: {  	[sflag:s19] =	ssyncadd.s32 $0xFFFFE110  }
0x40: {  	_ =	swait.ge [sflag:s20], $0x1EF0  }
0x41: {  	[sflag:s20] =	ssyncset.done $0x0  }
0x42: {  	s30 =	simm.s32 $0x70;
	[sflag:s20] =	ssyncadd.s32 $0xFFFFE110  }
0x43: {  	s0 =	sand.u32 $0x1FF0, s1;
	v1 =	vld [tilespmem:s30+$0x70]  }
0x44: {  	v2 =	vld [tilespmem:s0+$0x80]  }
0x45: {  	v3 =	vld [tilespmem:s30+$0xFFFFFFA0]  }
0x46: {  	v4 =	vld [tilespmem:s30+$0xFFFFFFB0]  }
0x47: {  	v5 =	vld [tilespmem:s30+$0xFFFFFFC0]  }
0x48: {  	s29 =	simm.s32 $0x3E70;
	v6 =	vld [tilespmem:s30+$0xFFFFFFD0]  }
0x49: {  	v7 =	vld [tilespmem:s29+$0x70]  }
0x4a: {  	v8 =	vld [tilespmem:s0+$0x3E80]  }
0x4b: {  	v9 =	vld [tilespmem:s30+$0xFFFFFFE0]  }
0x4c: {  	v10 =	vld [tilespmem:s30+$0xFFFFFFF0]  }
0x4d: {  	v11 =	vld [tilespmem:s30+$0x0]  }
0x4e: {  	v12 =	vld [tilespmem:s30+$0x20]  }
0x4f: {  	v62 =	vld [tilespmem:s30+$0x50]  }
0x50: {  	v63 =	vld [tilespmem:s30+$0x60]  }
0x51: {  	v13 =	vld [tilespmem:s30+$0xFFFFFF90]  }
0x52: {  	v14 =	vld [tilespmem:s29+$0xFFFFFF90]  }
0x53: {  	v15 =	vld [tilespmem:s29+$0xFFFFFFA0]  }
0x54: {  	v16 =	vld [tilespmem:s29+$0xFFFFFFB0]  }
0x55: {  	v17 =	vld [tilespmem:s29+$0xFFFFFFC0]  }
0x56: {  	v18 =	vld [tilespmem:s29+$0xFFFFFFD0]  }
0x57: {  	v19 =	vld [tilespmem:s29+$0xFFFFFFE0]  }
0x58: {  	v20 =	vld [tilespmem:s29+$0xFFFFFFF0]  }
0x59: {  	v21 =	vld [tilespmem:s29+$0x0]  }
0x5a: {  	v22 =	vld [tilespmem:s29+$0x20]  }
0x5b: {  	v23 =	vld [tilespmem:s29+$0x30]  }
0x5c: {  	v24 =	vld [tilespmem:s29+$0x40]  }
0x5d: {  	v25 =	vld [tilespmem:s29+$0x50]  }
0x5e: {  	v26 =	vld [tilespmem:s29+$0x60]  }
0x5f: {  	v1 =	vld.idx.msk [tilespmem:v1+s15+$0x0], $0xffff  }
0x60: {  	v2 =	vld.idx.msk [tilespmem:v2+s15+$0x0], $0xffff  }
0x61: {  	v3 =	vld.idx.msk [tilespmem:v3+s15+$0x0], $0xffff  }
0x62: {  	v4 =	vld.idx.msk [tilespmem:v4+s15+$0x0], $0xffff  }
0x63: {  	v5 =	vld.idx.msk [tilespmem:v5+s15+$0x0], $0xffff  }
0x64: {  	v6 =	vld.idx.msk [tilespmem:v6+s15+$0x0], $0xffff  }
0x65: {  	v9 =	vld.idx.msk [tilespmem:v9+s15+$0x0], $0xffff  }
0x66: {  	v10 =	vld.idx.msk [tilespmem:v10+s15+$0x0], $0xffff  }
0x67: {  	v11 =	vld.idx.msk [tilespmem:v11+s15+$0x0], $0xffff  }
0x68: {  	v13 =	vld.idx.msk [tilespmem:v13+s15+$0x0], $0xffff  }
0x69: {  	v12 =	vld.idx.msk [tilespmem:v12+s15+$0x0], $0xffff  }
0x6a: {  	[tilespmem:v7+s21+$0x0] =	vst.idx.add.f32.msk $0xffff, v1  }
0x6b: {  	[tilespmem:v8+s21+$0x0] =	vst.idx.add.f32.msk $0xffff, v2  }
0x6c: {  	v1 =	vld [tilespmem:s30+$0x30]  }
0x6d: {  	v2 =	vld [tilespmem:s30+$0x40]  }
0x6e: {  	v7 =	vld.idx.msk [tilespmem:v62+s15+$0x0], $0xffff  }
0x6f: {  	v8 =	vld.idx.msk [tilespmem:v63+s15+$0x0], $0xffff  }
0x70: {  	[tilespmem:v14+s21+$0x0] =	vst.idx.add.f32.msk $0xffff, v13  }
0x71: {  	[tilespmem:v15+s21+$0x0] =	vst.idx.add.f32.msk $0xffff, v3  }
0x72: {  	[tilespmem:v16+s21+$0x0] =	vst.idx.add.f32.msk $0xffff, v4  }
0x73: {  	[tilespmem:v17+s21+$0x0] =	vst.idx.add.f32.msk $0xffff, v5  }
0x74: {  	[tilespmem:v18+s21+$0x0] =	vst.idx.add.f32.msk $0xffff, v6  }
0x75: {  	[tilespmem:v19+s21+$0x0] =	vst.idx.add.f32.msk $0xffff, v9  }
0x76: {  	[tilespmem:v20+s21+$0x0] =	vst.idx.add.f32.msk $0xffff, v10  }
0x77: {  	[tilespmem:v21+s21+$0x0] =	vst.idx.add.f32.msk $0xffff, v11  }
0x78: {  	v1 =	vld.idx.msk [tilespmem:v1+s15+$0x0], $0xffff  }
0x79: {  	v2 =	vld.idx.msk [tilespmem:v2+s15+$0x0], $0xffff  }
0x7a: {  	[tilespmem:v22+s21+$0x0] =	vst.idx.add.f32.msk $0xffff, v12  }
0x7b: {  	[tilespmem:v25+s21+$0x0] =	vst.idx.add.f32.msk $0xffff, v7  }
0x7c: {  	[tilespmem:v26+s21+$0x0] =	vst.idx.add.f32.msk $0xffff, v8  }
0x7d: {  	[tilespmem:v23+s21+$0x0] =	vst.idx.add.f32.msk $0xffff, v1  }
0x7e: {  	s31 =	simm.s32 $0x160;
	s0 =	simm.s32 $0xF0;
	s30 =	simm.s32 $0x0;
	[tilespmem:v24+s21+$0x0] =	vst.idx.add.f32.msk $0xffff, v2  }
.LBB2_4:
0x7f: {  	s1 =	sand.u32 $0x1FF0, s0;
	v1 =	vld [tilespmem:s31+$0x70];
	s30 =	sadd.s32 $0xF, s30  }
0x80: {  	v2 =	vld [tilespmem:s1+$0x80];
	p0 =	slt.u32 s30, $0x1E0  }
0x81: {  	v3 =	vld [tilespmem:s31+$0xFFFFFFA0]  }
0x82: {  	v4 =	vld [tilespmem:s31+$0xFFFFFFB0]  }
0x83: {  	v5 =	vld [tilespmem:s31+$0xFFFFFFC0]  }
0x84: {  	s29 =	sadd.s32 $0xF0, s29;
	v6 =	vld [tilespmem:s31+$0xFFFFFFD0]  }
0x85: {  	v7 =	vld [tilespmem:s29+$0x70]  }
0x86: {  	v8 =	vld [tilespmem:s1+$0x3E80]  }
0x87: {  	v1 =	vld.idx.msk [tilespmem:v1+s15+$0x0], $0xffff  }
0x88: {  	v2 =	vld.idx.msk [tilespmem:v2+s15+$0x0], $0xffff  }
0x89: {  	v9 =	vld [tilespmem:s31+$0xFFFFFFE0]  }
0x8a: {  	v10 =	vld [tilespmem:s31+$0xFFFFFFF0]  }
0x8b: {  	v11 =	vld [tilespmem:s31+$0x0]  }
0x8c: {  	v12 =	vld [tilespmem:s31+$0x20]  }
0x8d: {  	[tilespmem:v7+s21+$0x0] =	vst.idx.add.f32.msk $0xffff, v1  }
0x8e: {  	[tilespmem:v8+s21+$0x0] =	vst.idx.add.f32.msk $0xffff, v2  }
0x8f: {  	v1 =	vld [tilespmem:s31+$0x30]  }
0x90: {  	v2 =	vld [tilespmem:s31+$0x40]  }
0x91: {  	v7 =	vld [tilespmem:s31+$0x50]  }
0x92: {  	v8 =	vld [tilespmem:s31+$0x60]  }
0x93: {  	v13 =	vld [tilespmem:s31+$0xFFFFFF90]  }
0x94: {  	v3 =	vld.idx.msk [tilespmem:v3+s15+$0x0], $0xffff  }
0x95: {  	v4 =	vld.idx.msk [tilespmem:v4+s15+$0x0], $0xffff  }
0x96: {  	v5 =	vld.idx.msk [tilespmem:v5+s15+$0x0], $0xffff  }
0x97: {  	v6 =	vld.idx.msk [tilespmem:v6+s15+$0x0], $0xffff  }
0x98: {  	v9 =	vld.idx.msk [tilespmem:v9+s15+$0x0], $0xffff  }
0x99: {  	v10 =	vld.idx.msk [tilespmem:v10+s15+$0x0], $0xffff  }
0x9a: {  	v11 =	vld.idx.msk [tilespmem:v11+s15+$0x0], $0xffff  }
0x9b: {  	v13 =	vld.idx.msk [tilespmem:v13+s15+$0x0], $0xffff  }
0x9c: {  	v12 =	vld.idx.msk [tilespmem:v12+s15+$0x0], $0xffff  }
0x9d: {  	v1 =	vld.idx.msk [tilespmem:v1+s15+$0x0], $0xffff  }
0x9e: {  	v2 =	vld.idx.msk [tilespmem:v2+s15+$0x0], $0xffff  }
0x9f: {  	v7 =	vld.idx.msk [tilespmem:v7+s15+$0x0], $0xffff  }
0xa0: {  	v8 =	vld.idx.msk [tilespmem:v8+s15+$0x0], $0xffff  }
0xa1: {  	v14 =	vld [tilespmem:s29+$0xFFFFFF90]  }
0xa2: {  	v15 =	vld [tilespmem:s29+$0xFFFFFFA0]  }
0xa3: {  	v16 =	vld [tilespmem:s29+$0xFFFFFFB0]  }
0xa4: {  	v17 =	vld [tilespmem:s29+$0xFFFFFFC0]  }
0xa5: {  	v18 =	vld [tilespmem:s29+$0xFFFFFFD0]  }
0xa6: {  	v19 =	vld [tilespmem:s29+$0xFFFFFFE0]  }
0xa7: {  	v20 =	vld [tilespmem:s29+$0xFFFFFFF0]  }
0xa8: {  	v21 =	vld [tilespmem:s29+$0x0]  }
0xa9: {  	v22 =	vld [tilespmem:s29+$0x20]  }
0xaa: {  	v23 =	vld [tilespmem:s29+$0x30]  }
0xab: {  	v24 =	vld [tilespmem:s29+$0x40]  }
0xac: {  	v25 =	vld [tilespmem:s29+$0x50]  }
0xad: {  	v26 =	vld [tilespmem:s29+$0x60]  }
0xae: {  	[tilespmem:v14+s21+$0x0] =	vst.idx.add.f32.msk $0xffff, v13  }
0xaf: {  	[tilespmem:v15+s21+$0x0] =	vst.idx.add.f32.msk $0xffff, v3  }
0xb0: {  	[tilespmem:v16+s21+$0x0] =	vst.idx.add.f32.msk $0xffff, v4  }
0xb1: {  	[tilespmem:v17+s21+$0x0] =	vst.idx.add.f32.msk $0xffff, v5  }
0xb2: {  	[tilespmem:v18+s21+$0x0] =	vst.idx.add.f32.msk $0xffff, v6  }
0xb3: {  	[tilespmem:v19+s21+$0x0] =	vst.idx.add.f32.msk $0xffff, v9  }
0xb4: {  	[tilespmem:v20+s21+$0x0] =	vst.idx.add.f32.msk $0xffff, v10  }
0xb5: {  	[tilespmem:v21+s21+$0x0] =	vst.idx.add.f32.msk $0xffff, v11  }
.Ltmp1:
0xb6: {  	[tilespmem:v22+s21+$0x0] =	vst.idx.add.f32.msk $0xffff, v12;
	(pc) =	sbr.rel @p0 .LBB2_4-.Ltmp1, $4  }
0xb7: {  	[tilespmem:v23+s21+$0x0] =	vst.idx.add.f32.msk $0xffff, v1  }
0xb8: {  	[tilespmem:v24+s21+$0x0] =	vst.idx.add.f32.msk $0xffff, v2  }
0xb9: {  	[tilespmem:v25+s21+$0x0] =	vst.idx.add.f32.msk $0xffff, v7  }
0xba: {  	s0 =	sadd.s32 $0xF0, s0;
	s31 =	sadd.s32 $0xF0, s31;
	[tilespmem:v26+s21+$0x0] =	vst.idx.add.f32.msk $0xffff, v8  }
0xbb: {  	s0 =	simm.s32 $0x0  }
0xbc: {  	[tilespmem:s0], [sflag:$0x1] =	stream.linear.gather [hbm4b:s8+s0], $0x1EF0, $0x38;
	[tilespmem:$0xFC00] =	vst v63  }
0xbd: {  	_ = 	snop  }
0xbe: {  	[tilespmem:s14], [sflag:$0x3] =	stream.linear.gather [hbm4b:s9+s0], $0x1EF0, $0x38;
	[tilespmem:$0xFC00] =	vst v63  }
0xbf: {  	_ =	swait.ge [sflag:s22], $0x1EF0  }
0xc0: {  	[sflag:s22] =	ssyncset.done $0x0  }
0xc1: {  	[sflag:s22] =	ssyncadd.s32 $0xFFFFE110  }
0xc2: {  	_ =	swait.ge [sflag:s23], $0x1EF0  }
0xc3: {  	[sflag:s23] =	ssyncset.done $0x0  }
0xc4: {  	s1 =	simm.s32 $0x1F70;
	[sflag:s23] =	ssyncadd.s32 $0xFFFFE110  }
0xc5: {  	s0 =	sand.u32 $0x1FF0, s0;
	v1 =	vld [tilespmem:s1+$0x70]  }
0xc6: {  	v2 =	vld [tilespmem:s0+$0x1F80]  }
0xc7: {  	v3 =	vld [tilespmem:s1+$0xFFFFFFA0]  }
0xc8: {  	v4 =	vld [tilespmem:s1+$0xFFFFFFB0]  }
0xc9: {  	v5 =	vld [tilespmem:s1+$0xFFFFFFC0]  }
0xca: {  	s29 =	simm.s32 $0x5D70;
	v6 =	vld [tilespmem:s1+$0xFFFFFFD0]  }
0xcb: {  	v7 =	vld [tilespmem:s29+$0x70]  }
0xcc: {  	v8 =	vld [tilespmem:s0+$0x5D80]  }
0xcd: {  	v9 =	vld [tilespmem:s1+$0xFFFFFFE0]  }
0xce: {  	v10 =	vld [tilespmem:s1+$0xFFFFFFF0]  }
0xcf: {  	v11 =	vld [tilespmem:s1+$0x0]  }
0xd0: {  	v12 =	vld [tilespmem:s1+$0x20]  }
0xd1: {  	v62 =	vld [tilespmem:s1+$0x50]  }
0xd2: {  	v63 =	vld [tilespmem:s1+$0x60]  }
0xd3: {  	v13 =	vld [tilespmem:s1+$0xFFFFFF90]  }
0xd4: {  	v14 =	vld [tilespmem:s29+$0xFFFFFF90]  }
0xd5: {  	v15 =	vld [tilespmem:s29+$0xFFFFFFA0]  }
0xd6: {  	v16 =	vld [tilespmem:s29+$0xFFFFFFB0]  }
0xd7: {  	v17 =	vld [tilespmem:s29+$0xFFFFFFC0]  }
0xd8: {  	v18 =	vld [tilespmem:s29+$0xFFFFFFD0]  }
0xd9: {  	v19 =	vld [tilespmem:s29+$0xFFFFFFE0]  }
0xda: {  	v20 =	vld [tilespmem:s29+$0xFFFFFFF0]  }
0xdb: {  	v21 =	vld [tilespmem:s29+$0x0]  }
0xdc: {  	v22 =	vld [tilespmem:s29+$0x20]  }
0xdd: {  	v23 =	vld [tilespmem:s29+$0x30]  }
0xde: {  	v24 =	vld [tilespmem:s29+$0x40]  }
0xdf: {  	v25 =	vld [tilespmem:s29+$0x50]  }
0xe0: {  	v26 =	vld [tilespmem:s29+$0x60]  }
0xe1: {  	v1 =	vld.idx.msk [tilespmem:v1+s15+$0x0], $0xffff  }
0xe2: {  	v2 =	vld.idx.msk [tilespmem:v2+s15+$0x0], $0xffff  }
0xe3: {  	v3 =	vld.idx.msk [tilespmem:v3+s15+$0x0], $0xffff  }
0xe4: {  	v4 =	vld.idx.msk [tilespmem:v4+s15+$0x0], $0xffff  }
0xe5: {  	v5 =	vld.idx.msk [tilespmem:v5+s15+$0x0], $0xffff  }
0xe6: {  	v6 =	vld.idx.msk [tilespmem:v6+s15+$0x0], $0xffff  }
0xe7: {  	v9 =	vld.idx.msk [tilespmem:v9+s15+$0x0], $0xffff  }
0xe8: {  	v10 =	vld.idx.msk [tilespmem:v10+s15+$0x0], $0xffff  }
0xe9: {  	v11 =	vld.idx.msk [tilespmem:v11+s15+$0x0], $0xffff  }
0xea: {  	v13 =	vld.idx.msk [tilespmem:v13+s15+$0x0], $0xffff  }
0xeb: {  	v12 =	vld.idx.msk [tilespmem:v12+s15+$0x0], $0xffff  }
0xec: {  	[tilespmem:v7+s21+$0x0] =	vst.idx.add.f32.msk $0xffff, v1  }
0xed: {  	[tilespmem:v8+s21+$0x0] =	vst.idx.add.f32.msk $0xffff, v2  }
0xee: {  	v1 =	vld [tilespmem:s1+$0x30]  }
0xef: {  	v2 =	vld [tilespmem:s1+$0x40]  }
0xf0: {  	v7 =	vld.idx.msk [tilespmem:v62+s15+$0x0], $0xffff  }
0xf1: {  	v8 =	vld.idx.msk [tilespmem:v63+s15+$0x0], $0xffff  }
0xf2: {  	[tilespmem:v14+s21+$0x0] =	vst.idx.add.f32.msk $0xffff, v13  }
0xf3: {  	[tilespmem:v15+s21+$0x0] =	vst.idx.add.f32.msk $0xffff, v3  }
0xf4: {  	[tilespmem:v16+s21+$0x0] =	vst.idx.add.f32.msk $0xffff, v4  }
0xf5: {  	[tilespmem:v17+s21+$0x0] =	vst.idx.add.f32.msk $0xffff, v5  }
0xf6: {  	[tilespmem:v18+s21+$0x0] =	vst.idx.add.f32.msk $0xffff, v6  }
0xf7: {  	[tilespmem:v19+s21+$0x0] =	vst.idx.add.f32.msk $0xffff, v9  }
0xf8: {  	[tilespmem:v20+s21+$0x0] =	vst.idx.add.f32.msk $0xffff, v10  }
0xf9: {  	[tilespmem:v21+s21+$0x0] =	vst.idx.add.f32.msk $0xffff, v11  }
0xfa: {  	v1 =	vld.idx.msk [tilespmem:v1+s15+$0x0], $0xffff  }
0xfb: {  	v2 =	vld.idx.msk [tilespmem:v2+s15+$0x0], $0xffff  }
0xfc: {  	[tilespmem:v22+s21+$0x0] =	vst.idx.add.f32.msk $0xffff, v12  }
0xfd: {  	[tilespmem:v25+s21+$0x0] =	vst.idx.add.f32.msk $0xffff, v7  }
0xfe: {  	[tilespmem:v26+s21+$0x0] =	vst.idx.add.f32.msk $0xffff, v8  }
0xff: {  	[tilespmem:v23+s21+$0x0] =	vst.idx.add.f32.msk $0xffff, v1  }
0x100: {  	s30 =	simm.s32 $0x0;
	s31 =	simm.s32 $0x2060;
	s0 =	simm.s32 $0xF0;
	[tilespmem:v24+s21+$0x0] =	vst.idx.add.f32.msk $0xffff, v2  }
.LBB2_6:
0x101: {  	s1 =	sand.u32 $0x1FF0, s0;
	v1 =	vld [tilespmem:s31+$0x70];
	s30 =	sadd.s32 $0xF, s30  }
0x102: {  	v2 =	vld [tilespmem:s1+$0x1F80];
	p0 =	slt.u32 s30, $0x1E0  }
0x103: {  	v3 =	vld [tilespmem:s31+$0xFFFFFFA0]  }
0x104: {  	v4 =	vld [tilespmem:s31+$0xFFFFFFB0]  }
0x105: {  	v5 =	vld [tilespmem:s31+$0xFFFFFFC0]  }
0x106: {  	s29 =	sadd.s32 $0xF0, s29;
	v6 =	vld [tilespmem:s31+$0xFFFFFFD0]  }
0x107: {  	v7 =	vld [tilespmem:s29+$0x70]  }
0x108: {  	v8 =	vld [tilespmem:s1+$0x5D80]  }
0x109: {  	v1 =	vld.idx.msk [tilespmem:v1+s15+$0x0], $0xffff  }
0x10a: {  	v2 =	vld.idx.msk [tilespmem:v2+s15+$0x0], $0xffff  }
0x10b: {  	v9 =	vld [tilespmem:s31+$0xFFFFFFE0]  }
0x10c: {  	v10 =	vld [tilespmem:s31+$0xFFFFFFF0]  }
0x10d: {  	v11 =	vld [tilespmem:s31+$0x0]  }
0x10e: {  	v12 =	vld [tilespmem:s31+$0x20]  }
0x10f: {  	[tilespmem:v7+s21+$0x0] =	vst.idx.add.f32.msk $0xffff, v1  }
0x110: {  	[tilespmem:v8+s21+$0x0] =	vst.idx.add.f32.msk $0xffff, v2  }
0x111: {  	v1 =	vld [tilespmem:s31+$0x30]  }
0x112: {  	v2 =	vld [tilespmem:s31+$0x40]  }
0x113: {  	v7 =	vld [tilespmem:s31+$0x50]  }
0x114: {  	v8 =	vld [tilespmem:s31+$0x60]  }
0x115: {  	v13 =	vld [tilespmem:s31+$0xFFFFFF90]  }
0x116: {  	v3 =	vld.idx.msk [tilespmem:v3+s15+$0x0], $0xffff  }
0x117: {  	v4 =	vld.idx.msk [tilespmem:v4+s15+$0x0], $0xffff  }
0x118: {  	v5 =	vld.idx.msk [tilespmem:v5+s15+$0x0], $0xffff  }
0x119: {  	v6 =	vld.idx.msk [tilespmem:v6+s15+$0x0], $0xffff  }
0x11a: {  	v9 =	vld.idx.msk [tilespmem:v9+s15+$0x0], $0xffff  }
0x11b: {  	v10 =	vld.idx.msk [tilespmem:v10+s15+$0x0], $0xffff  }
0x11c: {  	v11 =	vld.idx.msk [tilespmem:v11+s15+$0x0], $0xffff  }
0x11d: {  	v13 =	vld.idx.msk [tilespmem:v13+s15+$0x0], $0xffff  }
0x11e: {  	v12 =	vld.idx.msk [tilespmem:v12+s15+$0x0], $0xffff  }
0x11f: {  	v1 =	vld.idx.msk [tilespmem:v1+s15+$0x0], $0xffff  }
0x120: {  	v2 =	vld.idx.msk [tilespmem:v2+s15+$0x0], $0xffff  }
0x121: {  	v7 =	vld.idx.msk [tilespmem:v7+s15+$0x0], $0xffff  }
0x122: {  	v8 =	vld.idx.msk [tilespmem:v8+s15+$0x0], $0xffff  }
0x123: {  	v14 =	vld [tilespmem:s29+$0xFFFFFF90]  }
0x124: {  	v15 =	vld [tilespmem:s29+$0xFFFFFFA0]  }
0x125: {  	v16 =	vld [tilespmem:s29+$0xFFFFFFB0]  }
0x126: {  	v17 =	vld [tilespmem:s29+$0xFFFFFFC0]  }
0x127: {  	v18 =	vld [tilespmem:s29+$0xFFFFFFD0]  }
0x128: {  	v19 =	vld [tilespmem:s29+$0xFFFFFFE0]  }
0x129: {  	v20 =	vld [tilespmem:s29+$0xFFFFFFF0]  }
0x12a: {  	v21 =	vld [tilespmem:s29+$0x0]  }
0x12b: {  	v22 =	vld [tilespmem:s29+$0x20]  }
0x12c: {  	v23 =	vld [tilespmem:s29+$0x30]  }
0x12d: {  	v24 =	vld [tilespmem:s29+$0x40]  }
0x12e: {  	v25 =	vld [tilespmem:s29+$0x50]  }
0x12f: {  	v26 =	vld [tilespmem:s29+$0x60]  }
0x130: {  	[tilespmem:v14+s21+$0x0] =	vst.idx.add.f32.msk $0xffff, v13  }
0x131: {  	[tilespmem:v15+s21+$0x0] =	vst.idx.add.f32.msk $0xffff, v3  }
0x132: {  	[tilespmem:v16+s21+$0x0] =	vst.idx.add.f32.msk $0xffff, v4  }
0x133: {  	[tilespmem:v17+s21+$0x0] =	vst.idx.add.f32.msk $0xffff, v5  }
0x134: {  	[tilespmem:v18+s21+$0x0] =	vst.idx.add.f32.msk $0xffff, v6  }
0x135: {  	[tilespmem:v19+s21+$0x0] =	vst.idx.add.f32.msk $0xffff, v9  }
0x136: {  	[tilespmem:v20+s21+$0x0] =	vst.idx.add.f32.msk $0xffff, v10  }
0x137: {  	[tilespmem:v21+s21+$0x0] =	vst.idx.add.f32.msk $0xffff, v11  }
.Ltmp2:
0x138: {  	[tilespmem:v22+s21+$0x0] =	vst.idx.add.f32.msk $0xffff, v12;
	(pc) =	sbr.rel @p0 .LBB2_6-.Ltmp2, $4  }
0x139: {  	[tilespmem:v23+s21+$0x0] =	vst.idx.add.f32.msk $0xffff, v1  }
0x13a: {  	[tilespmem:v24+s21+$0x0] =	vst.idx.add.f32.msk $0xffff, v2  }
0x13b: {  	[tilespmem:v25+s21+$0x0] =	vst.idx.add.f32.msk $0xffff, v7  }
0x13c: {  	s0 =	sadd.s32 $0xF0, s0;
	s31 =	sadd.s32 $0xF0, s31;
	[tilespmem:v26+s21+$0x0] =	vst.idx.add.f32.msk $0xffff, v8  }
0x13d: {  	s0 =	simm.s32 $0x0  }
0x13e: {  	[tilespmem:s17], [sflag:$0x2] =	stream.linear.gather [hbm4b:s10+s0], $0x1EF0, $0x38;
	[tilespmem:$0xFC00] =	vst v63  }
0x13f: {  	_ = 	snop  }
0x140: {  	[tilespmem:s18], [sflag:$0x4] =	stream.linear.gather [hbm4b:s11+s0], $0x1EF0, $0x38;
	[tilespmem:$0xFC00] =	vst v63  }
0x141: {  	_ =	swait.ge [sflag:s19], $0x1EF0  }
0x142: {  	[sflag:s19] =	ssyncset.done $0x0  }
0x143: {  	[sflag:s19] =	ssyncadd.s32 $0xFFFFE110  }
0x144: {  	_ =	swait.ge [sflag:s20], $0x1EF0  }
0x145: {  	[sflag:s20] =	ssyncset.done $0x0  }
0x146: {  	s1 =	simm.s32 $0x70;
	[sflag:s20] =	ssyncadd.s32 $0xFFFFE110  }
0x147: {  	s0 =	sand.u32 $0x1FF0, s0;
	v1 =	vld [tilespmem:s1+$0x70]  }
0x148: {  	v2 =	vld [tilespmem:s0+$0x80]  }
0x149: {  	v3 =	vld [tilespmem:s1+$0xFFFFFFA0]  }
0x14a: {  	v4 =	vld [tilespmem:s1+$0xFFFFFFB0]  }
0x14b: {  	v5 =	vld [tilespmem:s1+$0xFFFFFFC0]  }
0x14c: {  	s29 =	simm.s32 $0x3E70;
	v6 =	vld [tilespmem:s1+$0xFFFFFFD0]  }
0x14d: {  	v7 =	vld [tilespmem:s29+$0x70]  }
0x14e: {  	v8 =	vld [tilespmem:s0+$0x3E80]  }
0x14f: {  	v9 =	vld [tilespmem:s1+$0xFFFFFFE0]  }
0x150: {  	v10 =	vld [tilespmem:s1+$0xFFFFFFF0]  }
0x151: {  	v11 =	vld [tilespmem:s1+$0x0]  }
0x152: {  	v12 =	vld [tilespmem:s1+$0x20]  }
0x153: {  	v62 =	vld [tilespmem:s1+$0x50]  }
0x154: {  	v63 =	vld [tilespmem:s1+$0x60]  }
0x155: {  	v13 =	vld [tilespmem:s1+$0xFFFFFF90]  }
0x156: {  	v14 =	vld [tilespmem:s29+$0xFFFFFF90]  }
0x157: {  	v15 =	vld [tilespmem:s29+$0xFFFFFFA0]  }
0x158: {  	v16 =	vld [tilespmem:s29+$0xFFFFFFB0]  }
0x159: {  	v17 =	vld [tilespmem:s29+$0xFFFFFFC0]  }
0x15a: {  	v18 =	vld [tilespmem:s29+$0xFFFFFFD0]  }
0x15b: {  	v19 =	vld [tilespmem:s29+$0xFFFFFFE0]  }
0x15c: {  	v20 =	vld [tilespmem:s29+$0xFFFFFFF0]  }
0x15d: {  	v21 =	vld [tilespmem:s29+$0x0]  }
0x15e: {  	v22 =	vld [tilespmem:s29+$0x20]  }
0x15f: {  	v23 =	vld [tilespmem:s29+$0x30]  }
0x160: {  	v24 =	vld [tilespmem:s29+$0x40]  }
0x161: {  	v25 =	vld [tilespmem:s29+$0x50]  }
0x162: {  	v26 =	vld [tilespmem:s29+$0x60]  }
0x163: {  	v1 =	vld.idx.msk [tilespmem:v1+s15+$0x0], $0xffff  }
0x164: {  	v2 =	vld.idx.msk [tilespmem:v2+s15+$0x0], $0xffff  }
0x165: {  	v3 =	vld.idx.msk [tilespmem:v3+s15+$0x0], $0xffff  }
0x166: {  	v4 =	vld.idx.msk [tilespmem:v4+s15+$0x0], $0xffff  }
0x167: {  	v5 =	vld.idx.msk [tilespmem:v5+s15+$0x0], $0xffff  }
0x168: {  	v6 =	vld.idx.msk [tilespmem:v6+s15+$0x0], $0xffff  }
0x169: {  	v9 =	vld.idx.msk [tilespmem:v9+s15+$0x0], $0xffff  }
0x16a: {  	v10 =	vld.idx.msk [tilespmem:v10+s15+$0x0], $0xffff  }
0x16b: {  	v11 =	vld.idx.msk [tilespmem:v11+s15+$0x0], $0xffff  }
0x16c: {  	v13 =	vld.idx.msk [tilespmem:v13+s15+$0x0], $0xffff  }
0x16d: {  	v12 =	vld.idx.msk [tilespmem:v12+s15+$0x0], $0xffff  }
0x16e: {  	[tilespmem:v7+s21+$0x0] =	vst.idx.add.f32.msk $0xffff, v1  }
0x16f: {  	[tilespmem:v8+s21+$0x0] =	vst.idx.add.f32.msk $0xffff, v2  }
0x170: {  	v1 =	vld [tilespmem:s1+$0x30]  }
0x171: {  	v2 =	vld [tilespmem:s1+$0x40]  }
0x172: {  	v7 =	vld.idx.msk [tilespmem:v62+s15+$0x0], $0xffff  }
0x173: {  	v8 =	vld.idx.msk [tilespmem:v63+s15+$0x0], $0xffff  }
0x174: {  	[tilespmem:v14+s21+$0x0] =	vst.idx.add.f32.msk $0xffff, v13  }
0x175: {  	[tilespmem:v15+s21+$0x0] =	vst.idx.add.f32.msk $0xffff, v3  }
0x176: {  	[tilespmem:v16+s21+$0x0] =	vst.idx.add.f32.msk $0xffff, v4  }
0x177: {  	[tilespmem:v17+s21+$0x0] =	vst.idx.add.f32.msk $0xffff, v5  }
0x178: {  	[tilespmem:v18+s21+$0x0] =	vst.idx.add.f32.msk $0xffff, v6  }
0x179: {  	[tilespmem:v19+s21+$0x0] =	vst.idx.add.f32.msk $0xffff, v9  }
0x17a: {  	[tilespmem:v20+s21+$0x0] =	vst.idx.add.f32.msk $0xffff, v10  }
0x17b: {  	[tilespmem:v21+s21+$0x0] =	vst.idx.add.f32.msk $0xffff, v11  }
0x17c: {  	v1 =	vld.idx.msk [tilespmem:v1+s15+$0x0], $0xffff  }
0x17d: {  	v2 =	vld.idx.msk [tilespmem:v2+s15+$0x0], $0xffff  }
0x17e: {  	[tilespmem:v22+s21+$0x0] =	vst.idx.add.f32.msk $0xffff, v12  }
0x17f: {  	[tilespmem:v25+s21+$0x0] =	vst.idx.add.f32.msk $0xffff, v7  }
0x180: {  	[tilespmem:v26+s21+$0x0] =	vst.idx.add.f32.msk $0xffff, v8  }
0x181: {  	[tilespmem:v23+s21+$0x0] =	vst.idx.add.f32.msk $0xffff, v1  }
0x182: {  	s30 =	simm.s32 $0x0;
	s31 =	simm.s32 $0x160;
	s0 =	simm.s32 $0xF0;
	[tilespmem:v24+s21+$0x0] =	vst.idx.add.f32.msk $0xffff, v2  }
.LBB2_8:
0x183: {  	s1 =	sand.u32 $0x1FF0, s0;
	v1 =	vld [tilespmem:s31+$0x70];
	s30 =	sadd.s32 $0xF, s30  }
0x184: {  	v2 =	vld [tilespmem:s1+$0x80];
	p0 =	slt.u32 s30, $0x1E0  }
0x185: {  	v3 =	vld [tilespmem:s31+$0xFFFFFFA0]  }
0x186: {  	v4 =	vld [tilespmem:s31+$0xFFFFFFB0]  }
0x187: {  	v5 =	vld [tilespmem:s31+$0xFFFFFFC0]  }
0x188: {  	s29 =	sadd.s32 $0xF0, s29;
	v6 =	vld [tilespmem:s31+$0xFFFFFFD0]  }
0x189: {  	v7 =	vld [tilespmem:s29+$0x70]  }
0x18a: {  	v8 =	vld [tilespmem:s1+$0x3E80]  }
0x18b: {  	v1 =	vld.idx.msk [tilespmem:v1+s15+$0x0], $0xffff  }
0x18c: {  	v2 =	vld.idx.msk [tilespmem:v2+s15+$0x0], $0xffff  }
0x18d: {  	v9 =	vld [tilespmem:s31+$0xFFFFFFE0]  }
0x18e: {  	v10 =	vld [tilespmem:s31+$0xFFFFFFF0]  }
0x18f: {  	v11 =	vld [tilespmem:s31+$0x0]  }
0x190: {  	v12 =	vld [tilespmem:s31+$0x20]  }
0x191: {  	[tilespmem:v7+s21+$0x0] =	vst.idx.add.f32.msk $0xffff, v1  }
0x192: {  	[tilespmem:v8+s21+$0x0] =	vst.idx.add.f32.msk $0xffff, v2  }
0x193: {  	v1 =	vld [tilespmem:s31+$0x30]  }
0x194: {  	v2 =	vld [tilespmem:s31+$0x40]  }
0x195: {  	v7 =	vld [tilespmem:s31+$0x50]  }
0x196: {  	v8 =	vld [tilespmem:s31+$0x60]  }
0x197: {  	v13 =	vld [tilespmem:s31+$0xFFFFFF90]  }
0x198: {  	v3 =	vld.idx.msk [tilespmem:v3+s15+$0x0], $0xffff  }
0x199: {  	v4 =	vld.idx.msk [tilespmem:v4+s15+$0x0], $0xffff  }
0x19a: {  	v5 =	vld.idx.msk [tilespmem:v5+s15+$0x0], $0xffff  }
0x19b: {  	v6 =	vld.idx.msk [tilespmem:v6+s15+$0x0], $0xffff  }
0x19c: {  	v9 =	vld.idx.msk [tilespmem:v9+s15+$0x0], $0xffff  }
0x19d: {  	v10 =	vld.idx.msk [tilespmem:v10+s15+$0x0], $0xffff  }
0x19e: {  	v11 =	vld.idx.msk [tilespmem:v11+s15+$0x0], $0xffff  }
0x19f: {  	v13 =	vld.idx.msk [tilespmem:v13+s15+$0x0], $0xffff  }
0x1a0: {  	v12 =	vld.idx.msk [tilespmem:v12+s15+$0x0], $0xffff  }
0x1a1: {  	v1 =	vld.idx.msk [tilespmem:v1+s15+$0x0], $0xffff  }
0x1a2: {  	v2 =	vld.idx.msk [tilespmem:v2+s15+$0x0], $0xffff  }
0x1a3: {  	v7 =	vld.idx.msk [tilespmem:v7+s15+$0x0], $0xffff  }
0x1a4: {  	v8 =	vld.idx.msk [tilespmem:v8+s15+$0x0], $0xffff  }
0x1a5: {  	v14 =	vld [tilespmem:s29+$0xFFFFFF90]  }
0x1a6: {  	v15 =	vld [tilespmem:s29+$0xFFFFFFA0]  }
0x1a7: {  	v16 =	vld [tilespmem:s29+$0xFFFFFFB0]  }
0x1a8: {  	v17 =	vld [tilespmem:s29+$0xFFFFFFC0]  }
0x1a9: {  	v18 =	vld [tilespmem:s29+$0xFFFFFFD0]  }
0x1aa: {  	v19 =	vld [tilespmem:s29+$0xFFFFFFE0]  }
0x1ab: {  	v20 =	vld [tilespmem:s29+$0xFFFFFFF0]  }
0x1ac: {  	v21 =	vld [tilespmem:s29+$0x0]  }
0x1ad: {  	v22 =	vld [tilespmem:s29+$0x20]  }
0x1ae: {  	v23 =	vld [tilespmem:s29+$0x30]  }
0x1af: {  	v24 =	vld [tilespmem:s29+$0x40]  }
0x1b0: {  	v25 =	vld [tilespmem:s29+$0x50]  }
0x1b1: {  	v26 =	vld [tilespmem:s29+$0x60]  }
0x1b2: {  	[tilespmem:v14+s21+$0x0] =	vst.idx.add.f32.msk $0xffff, v13  }
0x1b3: {  	[tilespmem:v15+s21+$0x0] =	vst.idx.add.f32.msk $0xffff, v3  }
0x1b4: {  	[tilespmem:v16+s21+$0x0] =	vst.idx.add.f32.msk $0xffff, v4  }
0x1b5: {  	[tilespmem:v17+s21+$0x0] =	vst.idx.add.f32.msk $0xffff, v5  }
0x1b6: {  	[tilespmem:v18+s21+$0x0] =	vst.idx.add.f32.msk $0xffff, v6  }
0x1b7: {  	[tilespmem:v19+s21+$0x0] =	vst.idx.add.f32.msk $0xffff, v9  }
0x1b8: {  	[tilespmem:v20+s21+$0x0] =	vst.idx.add.f32.msk $0xffff, v10  }
0x1b9: {  	[tilespmem:v21+s21+$0x0] =	vst.idx.add.f32.msk $0xffff, v11  }
.Ltmp3:
0x1ba: {  	[tilespmem:v22+s21+$0x0] =	vst.idx.add.f32.msk $0xffff, v12;
	(pc) =	sbr.rel @p0 .LBB2_8-.Ltmp3, $4  }
0x1bb: {  	[tilespmem:v23+s21+$0x0] =	vst.idx.add.f32.msk $0xffff, v1  }
0x1bc: {  	[tilespmem:v24+s21+$0x0] =	vst.idx.add.f32.msk $0xffff, v2  }
0x1bd: {  	[tilespmem:v25+s21+$0x0] =	vst.idx.add.f32.msk $0xffff, v7  }
0x1be: {  	s0 =	sadd.s32 $0xF0, s0;
	s31 =	sadd.s32 $0xF0, s31;
	[tilespmem:v26+s21+$0x0] =	vst.idx.add.f32.msk $0xffff, v8  }
0x1bf: {  	_ =	swait.ge [sflag:s22], $0x1EF0  }
0x1c0: {  	[sflag:s22] =	ssyncset.done $0x0  }
0x1c1: {  	[sflag:s22] =	ssyncadd.s32 $0xFFFFE110  }
0x1c2: {  	_ =	swait.ge [sflag:s23], $0x1EF0  }
0x1c3: {  	[sflag:s23] =	ssyncset.done $0x0  }
0x1c4: {  	s0 =	simm.s32 $0x1F70;
	s1 =	simm.s32 $0x0;
	[sflag:s23] =	ssyncadd.s32 $0xFFFFE110  }
0x1c5: {  	s1 =	sand.u32 $0x1FF0, s1;
	v1 =	vld [tilespmem:s0+$0x70]  }
0x1c6: {  	v2 =	vld [tilespmem:s1+$0x1F80]  }
0x1c7: {  	v3 =	vld [tilespmem:s0+$0xFFFFFFA0]  }
0x1c8: {  	v4 =	vld [tilespmem:s0+$0xFFFFFFB0]  }
0x1c9: {  	v5 =	vld [tilespmem:s0+$0xFFFFFFC0]  }
0x1ca: {  	s29 =	simm.s32 $0x5D70;
	v6 =	vld [tilespmem:s0+$0xFFFFFFD0]  }
0x1cb: {  	v7 =	vld [tilespmem:s29+$0x70]  }
0x1cc: {  	v8 =	vld [tilespmem:s1+$0x5D80]  }
0x1cd: {  	v9 =	vld [tilespmem:s0+$0xFFFFFFE0]  }
0x1ce: {  	v10 =	vld [tilespmem:s0+$0xFFFFFFF0]  }
0x1cf: {  	v11 =	vld [tilespmem:s0+$0x0]  }
0x1d0: {  	v12 =	vld [tilespmem:s0+$0x20]  }
0x1d1: {  	v62 =	vld [tilespmem:s0+$0x50]  }
0x1d2: {  	v63 =	vld [tilespmem:s0+$0x60]  }
0x1d3: {  	v13 =	vld [tilespmem:s0+$0xFFFFFF90]  }
0x1d4: {  	v14 =	vld [tilespmem:s29+$0xFFFFFF90]  }
0x1d5: {  	v15 =	vld [tilespmem:s29+$0xFFFFFFA0]  }
0x1d6: {  	v16 =	vld [tilespmem:s29+$0xFFFFFFB0]  }
0x1d7: {  	v17 =	vld [tilespmem:s29+$0xFFFFFFC0]  }
0x1d8: {  	v18 =	vld [tilespmem:s29+$0xFFFFFFD0]  }
0x1d9: {  	v19 =	vld [tilespmem:s29+$0xFFFFFFE0]  }
0x1da: {  	v20 =	vld [tilespmem:s29+$0xFFFFFFF0]  }
0x1db: {  	v21 =	vld [tilespmem:s29+$0x0]  }
0x1dc: {  	v22 =	vld [tilespmem:s29+$0x20]  }
0x1dd: {  	v23 =	vld [tilespmem:s29+$0x30]  }
0x1de: {  	v24 =	vld [tilespmem:s29+$0x40]  }
0x1df: {  	v25 =	vld [tilespmem:s29+$0x50]  }
0x1e0: {  	v26 =	vld [tilespmem:s29+$0x60]  }
0x1e1: {  	v1 =	vld.idx.msk [tilespmem:v1+s15+$0x0], $0xffff  }
0x1e2: {  	v2 =	vld.idx.msk [tilespmem:v2+s15+$0x0], $0xffff  }
0x1e3: {  	v3 =	vld.idx.msk [tilespmem:v3+s15+$0x0], $0xffff  }
0x1e4: {  	v4 =	vld.idx.msk [tilespmem:v4+s15+$0x0], $0xffff  }
0x1e5: {  	v5 =	vld.idx.msk [tilespmem:v5+s15+$0x0], $0xffff  }
0x1e6: {  	v6 =	vld.idx.msk [tilespmem:v6+s15+$0x0], $0xffff  }
0x1e7: {  	v9 =	vld.idx.msk [tilespmem:v9+s15+$0x0], $0xffff  }
0x1e8: {  	v10 =	vld.idx.msk [tilespmem:v10+s15+$0x0], $0xffff  }
0x1e9: {  	v11 =	vld.idx.msk [tilespmem:v11+s15+$0x0], $0xffff  }
0x1ea: {  	v13 =	vld.idx.msk [tilespmem:v13+s15+$0x0], $0xffff  }
0x1eb: {  	v12 =	vld.idx.msk [tilespmem:v12+s15+$0x0], $0xffff  }
0x1ec: {  	[tilespmem:v7+s21+$0x0] =	vst.idx.add.f32.msk $0xffff, v1  }
0x1ed: {  	[tilespmem:v8+s21+$0x0] =	vst.idx.add.f32.msk $0xffff, v2  }
0x1ee: {  	v1 =	vld [tilespmem:s0+$0x30]  }
0x1ef: {  	v2 =	vld [tilespmem:s0+$0x40]  }
0x1f0: {  	v7 =	vld.idx.msk [tilespmem:v62+s15+$0x0], $0xffff  }
0x1f1: {  	v8 =	vld.idx.msk [tilespmem:v63+s15+$0x0], $0xffff  }
0x1f2: {  	[tilespmem:v14+s21+$0x0] =	vst.idx.add.f32.msk $0xffff, v13  }
0x1f3: {  	[tilespmem:v15+s21+$0x0] =	vst.idx.add.f32.msk $0xffff, v3  }
0x1f4: {  	[tilespmem:v16+s21+$0x0] =	vst.idx.add.f32.msk $0xffff, v4  }
0x1f5: {  	[tilespmem:v17+s21+$0x0] =	vst.idx.add.f32.msk $0xffff, v5  }
0x1f6: {  	[tilespmem:v18+s21+$0x0] =	vst.idx.add.f32.msk $0xffff, v6  }
0x1f7: {  	[tilespmem:v19+s21+$0x0] =	vst.idx.add.f32.msk $0xffff, v9  }
0x1f8: {  	[tilespmem:v20+s21+$0x0] =	vst.idx.add.f32.msk $0xffff, v10  }
0x1f9: {  	[tilespmem:v21+s21+$0x0] =	vst.idx.add.f32.msk $0xffff, v11  }
0x1fa: {  	v1 =	vld.idx.msk [tilespmem:v1+s15+$0x0], $0xffff  }
0x1fb: {  	v2 =	vld.idx.msk [tilespmem:v2+s15+$0x0], $0xffff  }
0x1fc: {  	[tilespmem:v22+s21+$0x0] =	vst.idx.add.f32.msk $0xffff, v12  }
0x1fd: {  	[tilespmem:v25+s21+$0x0] =	vst.idx.add.f32.msk $0xffff, v7  }
0x1fe: {  	[tilespmem:v26+s21+$0x0] =	vst.idx.add.f32.msk $0xffff, v8  }
0x1ff: {  	[tilespmem:v23+s21+$0x0] =	vst.idx.add.f32.msk $0xffff, v1  }
0x200: {  	s30 =	simm.s32 $0x0;
	s31 =	simm.s32 $0x2060;
	s0 =	simm.s32 $0xF0;
	[tilespmem:v24+s21+$0x0] =	vst.idx.add.f32.msk $0xffff, v2  }
.LBB2_10:
0x201: {  	s1 =	sand.u32 $0x1FF0, s0;
	v1 =	vld [tilespmem:s31+$0x70];
	s30 =	sadd.s32 $0xF, s30  }
0x202: {  	v2 =	vld [tilespmem:s1+$0x1F80];
	p0 =	slt.u32 s30, $0x1E0  }
0x203: {  	v3 =	vld [tilespmem:s31+$0xFFFFFFA0]  }
0x204: {  	v4 =	vld [tilespmem:s31+$0xFFFFFFB0]  }
0x205: {  	v5 =	vld [tilespmem:s31+$0xFFFFFFC0]  }
0x206: {  	s29 =	sadd.s32 $0xF0, s29;
	v6 =	vld [tilespmem:s31+$0xFFFFFFD0]  }
0x207: {  	v7 =	vld [tilespmem:s29+$0x70]  }
0x208: {  	v8 =	vld [tilespmem:s1+$0x5D80]  }
0x209: {  	v1 =	vld.idx.msk [tilespmem:v1+s15+$0x0], $0xffff  }
0x20a: {  	v2 =	vld.idx.msk [tilespmem:v2+s15+$0x0], $0xffff  }
0x20b: {  	v9 =	vld [tilespmem:s31+$0xFFFFFFE0]  }
0x20c: {  	v10 =	vld [tilespmem:s31+$0xFFFFFFF0]  }
0x20d: {  	v11 =	vld [tilespmem:s31+$0x0]  }
0x20e: {  	v12 =	vld [tilespmem:s31+$0x20]  }
0x20f: {  	[tilespmem:v7+s21+$0x0] =	vst.idx.add.f32.msk $0xffff, v1  }
0x210: {  	[tilespmem:v8+s21+$0x0] =	vst.idx.add.f32.msk $0xffff, v2  }
0x211: {  	v1 =	vld [tilespmem:s31+$0x30]  }
0x212: {  	v2 =	vld [tilespmem:s31+$0x40]  }
0x213: {  	v7 =	vld [tilespmem:s31+$0x50]  }
0x214: {  	v8 =	vld [tilespmem:s31+$0x60]  }
0x215: {  	v13 =	vld [tilespmem:s31+$0xFFFFFF90]  }
0x216: {  	v3 =	vld.idx.msk [tilespmem:v3+s15+$0x0], $0xffff  }
0x217: {  	v4 =	vld.idx.msk [tilespmem:v4+s15+$0x0], $0xffff  }
0x218: {  	v5 =	vld.idx.msk [tilespmem:v5+s15+$0x0], $0xffff  }
0x219: {  	v6 =	vld.idx.msk [tilespmem:v6+s15+$0x0], $0xffff  }
0x21a: {  	v9 =	vld.idx.msk [tilespmem:v9+s15+$0x0], $0xffff  }
0x21b: {  	v10 =	vld.idx.msk [tilespmem:v10+s15+$0x0], $0xffff  }
0x21c: {  	v11 =	vld.idx.msk [tilespmem:v11+s15+$0x0], $0xffff  }
0x21d: {  	v13 =	vld.idx.msk [tilespmem:v13+s15+$0x0], $0xffff  }
0x21e: {  	v12 =	vld.idx.msk [tilespmem:v12+s15+$0x0], $0xffff  }
0x21f: {  	v1 =	vld.idx.msk [tilespmem:v1+s15+$0x0], $0xffff  }
0x220: {  	v2 =	vld.idx.msk [tilespmem:v2+s15+$0x0], $0xffff  }
0x221: {  	v7 =	vld.idx.msk [tilespmem:v7+s15+$0x0], $0xffff  }
0x222: {  	v8 =	vld.idx.msk [tilespmem:v8+s15+$0x0], $0xffff  }
0x223: {  	v14 =	vld [tilespmem:s29+$0xFFFFFF90]  }
0x224: {  	v15 =	vld [tilespmem:s29+$0xFFFFFFA0]  }
0x225: {  	v16 =	vld [tilespmem:s29+$0xFFFFFFB0]  }
0x226: {  	v17 =	vld [tilespmem:s29+$0xFFFFFFC0]  }
0x227: {  	v18 =	vld [tilespmem:s29+$0xFFFFFFD0]  }
0x228: {  	v19 =	vld [tilespmem:s29+$0xFFFFFFE0]  }
0x229: {  	v20 =	vld [tilespmem:s29+$0xFFFFFFF0]  }
0x22a: {  	v21 =	vld [tilespmem:s29+$0x0]  }
0x22b: {  	v22 =	vld [tilespmem:s29+$0x20]  }
0x22c: {  	v23 =	vld [tilespmem:s29+$0x30]  }
0x22d: {  	v24 =	vld [tilespmem:s29+$0x40]  }
0x22e: {  	v25 =	vld [tilespmem:s29+$0x50]  }
0x22f: {  	v26 =	vld [tilespmem:s29+$0x60]  }
0x230: {  	[tilespmem:v14+s21+$0x0] =	vst.idx.add.f32.msk $0xffff, v13  }
0x231: {  	[tilespmem:v15+s21+$0x0] =	vst.idx.add.f32.msk $0xffff, v3  }
0x232: {  	[tilespmem:v16+s21+$0x0] =	vst.idx.add.f32.msk $0xffff, v4  }
0x233: {  	[tilespmem:v17+s21+$0x0] =	vst.idx.add.f32.msk $0xffff, v5  }
0x234: {  	[tilespmem:v18+s21+$0x0] =	vst.idx.add.f32.msk $0xffff, v6  }
0x235: {  	[tilespmem:v19+s21+$0x0] =	vst.idx.add.f32.msk $0xffff, v9  }
0x236: {  	[tilespmem:v20+s21+$0x0] =	vst.idx.add.f32.msk $0xffff, v10  }
0x237: {  	[tilespmem:v21+s21+$0x0] =	vst.idx.add.f32.msk $0xffff, v11  }
.Ltmp4:
0x238: {  	[tilespmem:v22+s21+$0x0] =	vst.idx.add.f32.msk $0xffff, v12;
	(pc) =	sbr.rel @p0 .LBB2_10-.Ltmp4, $4  }
0x239: {  	[tilespmem:v23+s21+$0x0] =	vst.idx.add.f32.msk $0xffff, v1  }
0x23a: {  	[tilespmem:v24+s21+$0x0] =	vst.idx.add.f32.msk $0xffff, v2  }
0x23b: {  	[tilespmem:v25+s21+$0x0] =	vst.idx.add.f32.msk $0xffff, v7  }
0x23c: {  	s0 =	sadd.s32 $0xF0, s0;
	s31 =	sadd.s32 $0xF0, s31;
	[tilespmem:v26+s21+$0x0] =	vst.idx.add.f32.msk $0xffff, v8  }
0x23d: {  	s28 =	sadd.s32 $0x1, s28  }
0x23e: {  	p0 =	sne.s32 s28, s13  }
.Ltmp5:
0x23f: {  	_ = 	snop;
	(pc) =	sbr.rel @p0 .LBB2_1-.Ltmp5, $4  }
0x240: {  	[hbm4b:s12+s24] =	stream.strided.scatter [tilespmem:s21], [sflag:$0x6], $0x4000, s25, s24, $0x38;
	[tilespmem:$0xFC00] =	vst v63  }
0x241: {  	_ =	swait.ge [sflag:s26], $0x4000  }
0x242: {  	[sflag:s26] =	ssyncset.done $0x0  }
0x243: {  	[sflag:s26] =	ssyncadd.s32 $0xFFFFC000  }
0x244: {  	_ =	sfence.sel $0x180000  }
0x245: {  	[bflag:$0x0] =	sbarrier.arrive $0xFFFF  }
0x246: {  	_ =	strace $0x9000004D  }
0x247: {  	s0 =	stileid.u32;
	[bflag:$0x2] =	sbarrier.arrive $0xFFFF  }
0x248: {  	p0 =	sne.s32 s0, $0x0;
	s0 =	rddreg [dreg:$0x1]  }
0x249: {  	s0 =	sadd.s32 @!p0 $0x100000, s0  }
0x24a: {  	[sflag:s0] =	ssyncadd.tile.s32 @!p0 $0x1;
	_ =	shalt  }
.Lfunc_end2:
_tile_overlayer_lowered:
.L_overlay_start_2:
0x24b: {  	(tag) =	ssettag $0x2  }
0x24c: {  	s0 =	rddreg [dreg:$0x0];
	s2 =	stileid.u32  }
0x24d: {  	s1 =	rddreg [dreg:$0x1];
	p0 =	sne.s32 s2, $0x0  }
0x24e: {  	s3 =	rddreg [dreg:$0x2];
	[bflag:$0x3] =	sbarrier.arrive $0xFFFF;
	s2 =	simm.s32 @!p0 $0x1C06  }
0x24f: {  	[timem:s3], [sflag:s2] =	dma.local @!p0 [hbm:s0], s1  }
0x250: {  	s0 =	simm.s32 @!p0 $0x6  }
0x251: {  	_ =	swait.ge @!p0 [sflag:s0], s1  }
0x252: {  	s1 =	ssub.s32 @!p0 $0x0, s1;
	[sflag:s0] =	ssyncset.done @!p0 $0x0  }
0x253: {  	[sflag:s0] =	ssyncadd.s32 @!p0 s1  }
0x254: {  	[bflag:$0x3] =	sbarrier.arrive $0xFFFF  }
0x255: {  	_ =	shalt  }

// kernel: kernel.8.cloned.1.call-start
scs
__scs_entry_jumppad:
0x0: {  	(pc) =	sbr.rel $0x88, $3  }
0x1: {  	(tag) =	ssettag $0x0;
	lr =	simm.s32 $0x1  }
0x2: {  	[smem:$0x3F99] =	sst lr;
	_ =	strace $0xD0000000  }
0x3: {  	_ = 	snop  }
0x4: {  	_ = 	snop  }
0x5: {  	_ = 	snop  }
0x6: {  	_ = 	snop  }
0x7: {  	_ = 	snop  }
__scs_overlays_trampoline_lowered:
0x8: {  	[smem:$0x3FA8] =	sst s0  }
0x9: {  	[smem:$0x3FA9] =	sst s1  }
0xa: {  	[smem:$0x3FAA] =	sst s2  }
0xb: {  	[smem:$0x3FAB] =	sst s3  }
0xc: {  	[smem:$0x3FAC] =	sst s4  }
0xd: {  	[smem:$0x3FAD] =	sst s5  }
0xe: {  	[smem:$0x3FAE] =	sst s6  }
0xf: {  	[smem:$0x3FAF] =	sst s7  }
0x10: {  	[smem:$0x3FB0] =	sst s8  }
0x11: {  	[smem:$0x3FB1] =	sst s9;
	s0 =	simm.s32 @!p0 $0x0  }
0x12: {  	s1 =	sld [smem:$0x3F97];
	s0 =	simm.s32 @p0 $0x1  }
0x13: {  	[smem:$0x3FB2] =	sst s0;
	s0 =	simm.s32 @!p1 $0x0  }
0x14: {  	s2 =	sld [smem:$0x3F96];
	s0 =	simm.s32 @p1 $0x1  }
0x15: {  	[smem:$0x3FB3] =	sst s0;
	s0 =	simm.s32 @!p2 $0x0  }
0x16: {  	s3 =	sld [smem:$0x3FDB];
	s0 =	simm.s32 @p2 $0x1  }
0x17: {  	s4 =	simm.s32 $0x1BF5;
	[smem:$0x3FB5] =	sst s0  }
0x18: {  	s0 =	sld [smem:$0x3F98];
	_ =	swait.ge [sflag:s4], $0x0  }
0x19: {  	s7 =	sld [smem:$0x3F99]  }
0x1a: {  	s8 =	sadd.s32 $0xFFFFE003, lr  }
0x1b: {  	s9 =	sadd.s32 $0xFFFFFEF7, lr;
	s5 =	simm.s32 $0xFFFFFFFF;
	p2 =	slt.u32 s8, $0xFFFFF086  }
0x1c: {  	p1 =	slt.u32 s9, $0xF7A;
	s5 =	simm.s32 @!p2 $0x0  }
0x1d: {  	s5 =	simm.s32 @p1 $0x1;
	p0 =	seq.s32 s7, s2  }
0x1e: {  	s7 =	smul.u32 @!p0 $0xF7A, s2;
	p2 =	seq.s32 @!p0 s5, $0x0  }
0x1f: {  	s9 =	smul.u32 $0xF7A, s1;
	s8 =	simm.s32 @!p0 $0x1BF5;
	p2 =	por !p2, p0  }
0x20: {  	[sflag:s8] =	ssyncset.s32 @!p0 $0xFFFFF086;
	s6 =	sadd.s32 @!p0 s3, s7;
	s7 =	simm.s32 @!p0 $0x108  }
0x21: {  	s3 =	sadd.s32 s3, s9;
	s6 =	sadd.s32 @!p0 $0x88, s6;
	s7 =	simm.s32 @p2 $0x1082  }
0x22: {  	[simem:s7], [sflag:s8] =	dma.local @!p0 [hbm:s6], $0xF7A  }
0x23: {  	s9 =	sor.u32 $0xD0000000, s2;
	s6 =	simm.s32 $0x108;
	_ =	swait.ge @!p0 [sflag:s8], $0x0  }
0x24: {  	s3 =	sadd.s32 $0x88, s3;
	s6 =	simm.s32 @!p1 $0x1082;
	[sflag:s4] =	ssyncset.s32 $0xFFFFF086  }
0x25: {  	[simem:s6], [sflag:s4] =	dma.local [hbm:s3], $0xF7A  }
0x26: {  	[smem:$0x3F99] =	sst s1;
	(tag) =	ssettag s2;
	_ =	strace s9  }
0x27: {  	s1 =	sld [smem:$0x3FA9]  }
0x28: {  	s2 =	sld [smem:$0x3FAA]  }
0x29: {  	s4 =	sld [smem:$0x3FAC]  }
0x2a: {  	p0 =	seq.s32 s5, $0x0;
	s5 =	sld [smem:$0x3FAD]  }
0x2b: {  	s6 =	sld [smem:$0x3FAE]  }
0x2c: {  	s7 =	sld [smem:$0x3FAF]  }
0x2d: {  	s3 =	simm.s32 $0x108;
	s8 =	sld [smem:$0x3FB0]  }
0x2e: {  	s3 =	simm.s32 @!p0 $0x1082;
	s9 =	sld [smem:$0x3FB1]  }
0x2f: {  	lr =	sadd.s32 s0, s3;
	s0 =	sld [smem:$0x3FA8]  }
0x30: {  	s3 =	sld [smem:$0x3FAB]  }
0x31: {  	[smem:$0x3FB4] =	sst s10  }
0x32: {  	s10 =	sld [smem:$0x3FB2];
	_ =	sdelay $0x3  }
0x33: {  	p0 =	seq.s32 s10, $0x1;
	s10 =	sld [smem:$0x3FB4];
	_ =	sdelay $0x3  }
0x34: {  	[smem:$0x3FB4] =	sst s10  }
0x35: {  	s10 =	sld [smem:$0x3FB3];
	_ =	sdelay $0x3  }
0x36: {  	p1 =	seq.s32 s10, $0x1;
	s10 =	sld [smem:$0x3FB4];
	_ =	sdelay $0x3  }
0x37: {  	[smem:$0x3FB4] =	sst s10  }
0x38: {  	s10 =	sld [smem:$0x3FB5]  }
0x39: {  	_ = 	snop;
	(pc) =	sbr.ind lr, $3  }
0x3a: {  	_ = 	snop  }
0x3b: {  	_ = 	snop  }
0x3c: {  	p2 =	seq.s32 s10, $0x1;
	s10 =	sld [smem:$0x3FB4]  }
0x3d: {  	_ =	shalt  }
0x3e: {  	_ =	shalt  }
0x3f: {  	_ =	shalt  }
0x40: {  	_ =	shalt  }
0x41: {  	_ =	shalt  }
0x42: {  	_ =	shalt  }
0x43: {  	_ =	shalt  }
0x44: {  	_ =	shalt  }
0x45: {  	_ =	shalt  }
0x46: {  	_ =	shalt  }
0x47: {  	_ =	shalt  }
0x48: {  	_ =	shalt  }
0x49: {  	_ =	shalt  }
0x4a: {  	_ =	shalt  }
0x4b: {  	_ =	shalt  }
0x4c: {  	_ =	shalt  }
0x4d: {  	_ =	shalt  }
0x4e: {  	_ =	shalt  }
0x4f: {  	_ =	shalt  }
0x50: {  	_ =	shalt  }
0x51: {  	_ =	shalt  }
0x52: {  	_ =	shalt  }
0x53: {  	_ =	shalt  }
0x54: {  	_ =	shalt  }
0x55: {  	_ =	shalt  }
0x56: {  	_ =	shalt  }
0x57: {  	_ =	shalt  }
0x58: {  	_ =	shalt  }
0x59: {  	_ =	shalt  }
0x5a: {  	_ =	shalt  }
0x5b: {  	_ =	shalt  }
0x5c: {  	_ =	shalt  }
0x5d: {  	_ =	shalt  }
0x5e: {  	_ =	shalt  }
0x5f: {  	_ =	shalt  }
0x60: {  	_ =	shalt  }
0x61: {  	_ =	shalt  }
0x62: {  	_ =	shalt  }
0x63: {  	_ =	shalt  }
0x64: {  	_ =	shalt  }
0x65: {  	_ =	shalt  }
0x66: {  	_ =	shalt  }
0x67: {  	_ =	shalt  }
0x68: {  	_ =	shalt  }
0x69: {  	_ =	shalt  }
0x6a: {  	_ =	shalt  }
0x6b: {  	_ =	shalt  }
0x6c: {  	_ =	shalt  }
0x6d: {  	_ =	shalt  }
0x6e: {  	_ =	shalt  }
0x6f: {  	_ =	shalt  }
0x70: {  	_ =	shalt  }
0x71: {  	_ =	shalt  }
0x72: {  	_ =	shalt  }
0x73: {  	_ =	shalt  }
0x74: {  	_ =	shalt  }
0x75: {  	_ =	shalt  }
0x76: {  	_ =	shalt  }
0x77: {  	_ =	shalt  }
0x78: {  	_ =	shalt  }
0x79: {  	_ =	shalt  }
0x7a: {  	_ =	shalt  }
0x7b: {  	_ =	shalt  }
0x7c: {  	_ =	shalt  }
0x7d: {  	_ =	shalt  }
0x7e: {  	_ =	shalt  }
0x7f: {  	_ =	shalt  }
0x80: {  	_ =	shalt  }
0x81: {  	_ =	shalt  }
0x82: {  	_ =	shalt  }
0x83: {  	_ =	shalt  }
0x84: {  	_ =	shalt  }
0x85: {  	_ =	shalt  }
0x86: {  	_ =	shalt  }
0x87: {  	_ =	shalt  }
.Lfunc_end0:
.L_simem_size_0:
called_computation_lowered:
.L_overlay_start_0:
0x88: {  	s2 =	sld [smem:$0x3FD9]  }
0x89: {  	s3 =	sld [smem:$0x3FFE];
	_ =	sdelay $0x1  }
0x8a: {  	s1 =	srdreg.scid  }
0x8b: {  	s0 =	sand.u32 $0x1, s1  }
0x8c: {  	s16 =	sshll.u32 s0, $0xA;
	s2 =	sadd.s32 s3, s2  }
0x8d: {  	s2 =	sadd.s32 s2, s16  }
0x8e: {  	[smem:$0x3FC0] =	sst s2  }
0x8f: {  	_ = 	snop  }
0x90: {  	(tm) =	ssettm $0x1  }
0x91: {  	s17 =	sld [smem:$0x3FFB];
	_ =	sdelay $0x3  }
0x92: {  	_ =	strace s17  }
0x93: {  	s2 =	sld [smem:$0x3FFC];
	_ =	sdelay $0x3  }
0x94: {  	_ =	strace s2  }
0x95: {  	s2 =	sld [smem:$0x3FFD];
	_ =	sdelay $0x3  }
0x96: {  	_ =	strace s2  }
0x97: {  	_ =	strace $0x8FFFFFFF  }
0x98: {  	s18 =	sld [smem:$0x3FDB];
	_ =	sdelay $0x1  }
0x99: {  	s19 =	simm.s32 $_scs_section_size  }
0x9a: {  	s4 =	simm.s32 $_size__tile_overlayer_lowered;
	s5 =	simm.s32 $_tile_overlayer_lowered  }
0x9b: {  	s22 =	simm.s32 $0x1BFF;
	s21 =	sshll.u32 s5, $0x1;
	s2 =	sadd.s32 s19, s18  }
0x9c: {  	s6 =	simm.s32 $0x0;
	s20 =	sshll.u32 s4, $0x1;
	s4 =	sadd.s32 s21, s2  }
0x9d: {  	[timem:s6], [sflag:s22] =	dma.local [hbm:s4], s20  }
0x9e: {  	_ =	swait.ge [sflag:s22], s20  }
0x9f: {  	s3 =	ssub.s32 $0x0, s20;
	[sflag:s22] =	ssyncset.done $0x0  }
0xa0: {  	[sflag:s22] =	ssyncadd.s32 s3;
	_ =	sdelay $0x1  }
0xa1: {  	s23 =	simm.s32 $0x1B8B  }
0xa2: {  	_ =	swait.ge [sflag:s23], $0x1  }
0xa3: {  	[sflag:s23] =	ssyncset.done $0x0  }
0xa4: {  	s25 =	simm.s32 $0x1B8E;
	s24 =	sld [smem:$0x3FFE];
	[sflag:s23] =	ssyncadd.s32 $0xFFFFFFFF  }
0xa5: {  	s26 =	simm.s32 $execute0_lowered;
	[smem:$0x3FD2] =	sst s25  }
0xa6: {  	s4 =	sshll.u32 s26, $0x1;
	_ =	strace $0x80000046;
	[dreg:$0x1] =	wrdreg $0xFFFFFFFF  }
0xa7: {  	s28 =	simm.s32 $_size_execute0_lowered;
	s2 =	sadd.s32 s2, s4;
	[dreg:$0x0] =	wrdreg $0x0  }
0xa8: {  	s4 =	sshll.u32 s28, $0x1;
	[dreg:$0x2] =	wrdreg s2  }
0xa9: {  	[dreg:$0x3] =	wrdreg s4  }
0xaa: {  	[dreg:$0x4] =	wrdreg $0xC0  }
0xab: {  	_ =	task [dreg:s6], $0x5FFFF  }
0xac: {  	[dreg:$0x1] =	wrdreg $0xFFFFFFFF  }
0xad: {  	[dreg:$0x0] =	wrdreg $0x60  }
0xae: {  	[dreg:$0x2] =	wrdreg s24  }
0xaf: {  	[dreg:$0x3] =	wrdreg $0x9  }
0xb0: {  	_ =	task.clear_ibuf [dreg:s6], $0x4FFFF;
	_ =	strace $0x90000046  }
0xb1: {  	s29 =	simm.s32 $0x9;
	_ =	strace $0x80000048  }
0xb2: {  	_ =	swait.ge [sflag:s29], $0x1  }
0xb3: {  	[sflag:s29] =	ssyncadd.s32 $0xFFFFFFFF  }
0xb4: {  	_ =	strace $0x90000048  }
0xb5: {  	_ =	sfence  }
0xb6: {  	s30 =	sld [smem:$0x0];
	_ =	sdelay $0x2  }
0xb7: {  	s31 =	sshll.u32 s1, $0xD;
	s1 =	sshrl.u32 s1, $0x2  }
0xb8: {  	s3 =	sand.u32 $0x4000, s31;
	s1 =	sadd.s32 s1, s30  }
0xb9: {  	s0 =	sor.u32 s3, s0;
	s1 =	sshll.u32 s1, $0x11  }
0xba: {  	s0 =	sor.u32 s1, s0  }
0xbb: {  	s0 =	sadd.s32 $0x8F2B, s0  }
0xbc: {  	[sflag:s0] =	ssyncadd.remote.s32 $0x1  }
0xbd: {  	_ =	sfence.sel $0xFFFF  }
0xbe: {  	[dreg:$0x0] =	wrdreg $0xFFFFFFFF;
	(pc) =	sbr.abs _section_cstart, $3  }
0xbf: {  	[dreg:$0x1] =	wrdreg $0xFFFFFFFF  }
0xc0: {  	_ =	task.clear_ibuf [dreg:s6], $0x2FFFF;
	_ =	strace $0x9FFFFFFF  }
0xc1: {  	(tm) =	ssettm $0x7FFFFFFF  }
tec
execute0_lowered:
.L_overlay_start_1:
0x0: {  	(tag) =	ssettag $0x1  }
0x1: {  	s3 =	rddreg [dreg:$0x0]  }
0x2: {  	s0 =	rddreg [dreg:$0x1];
	s4 =	srdreg.scid  }
0x3: {  	s1 =	stileid.u32;
	s2 =	simm.s32 $0x0;
	s15 =	simm.s32 $0x1F00  }
0x4: {  	s16 =	simm.s32 $0x5D00;
	s17 =	simm.s32 $0x1;
	s18 =	simm.s32 $0x3  }
0x5: {  	s19 =	simm.s32 $0x7C00;
	s20 =	simm.s32 $0xBC00;
	s21 =	simm.s32 $0x2  }
0x6: {  	s22 =	simm.s32 $0x4;
	s23 =	simm.s32 $0x80;
	s24 =	simm.s32 $0x400  }
0x7: {  	s25 =	simm.s32 $0x0;
	s4 =	sand.u32 $0x1, s4;
	s5 =	sshll.u32 s1, $0x1  }
0x8: {  	[smem:$0x7FF] =	sst s2;
	s6 =	sshll.u32 s1, $0xC;
	s9 =	sadd.s32 $0x22000, s3  }
0x9: {  	s10 =	sadd.s32 $0x3000, s3;
	s5 =	sor.u32 s4, s5;
	s4 =	ssub.s32 $0x2, s4  }
0xa: {  	s7 =	sshll.u32 s5, $0x4;
	s5 =	smul.u32 $0x7BC0, s5;
	s30 =	sshrl.u32 s4, $0x1  }
0xb: {  	_ =	strace $0x80000047;
	s6 =	sor.u32 s6, s7;
	s13 =	ssub.s32 s4, s30  }
0xc: {  	s6 =	sand.u32 $0xC070, s6;
	s8 =	sshrl.u32 s5, $0x3;
	s13 =	smax.u32 s13, $0x1  }
0xd: {  	s12 =	sadd.s32 s6, s3;
	s3 =	sadd.s32 s9, s8;
	s31 =	sadd.s32 $0x3DE, s8  }
0xe: {  	s4 =	sadd.s32 s10, s8;
	s11 =	sadd.s32 $0x7BC, s8;
	s14 =	sadd.s32 $0xB9A, s8  }
0xf: {  	s5 =	sadd.s32 s9, s31;
	s6 =	sadd.s32 s10, s31;
	s7 =	sadd.s32 s9, s11  }
0x10: {  	s8 =	sadd.s32 s10, s11;
	s9 =	sadd.s32 s9, s14;
	s10 =	sadd.s32 s10, s14  }
0x11: {  	v0 =	vimm.f32 $0.0e+00;
	v1 =	vimm.f32 $1.000000000e+00;
	s11 =	sadd.s32 $0x41000, s12;
	s12 =	sadd.s32 $0x51000, s12;
	s14 =	simm.s32 $0x3E00  }
.LBB2_1:
0x12: {  	[tilespmem:s2], [sflag:$0x1] =	stream.linear.gather [hbm4b:s3+s2], $0x1EF0, $0x38;
	[tilespmem:$0xFC00] =	vst v63  }
0x13: {  	s28 =	simm.s32 $0x7C80  }
0x14: {  	[tilespmem:s14], [sflag:$0x3] =	stream.linear.gather [hbm4b:s4+s2], $0x1EF0, $0x38;
	[tilespmem:$0xFC00] =	vst v63  }
0x15: {  	[tilespmem:s28+$0xFFFFFF80] =	vst v0  }
0x16: {  	[tilespmem:s28+$0x70] =	vst v0  }
0x17: {  	[tilespmem:s28+$0x60] =	vst v0  }
0x18: {  	[tilespmem:s28+$0x50] =	vst v0  }
0x19: {  	[tilespmem:s28+$0x40] =	vst v0  }
0x1a: {  	[tilespmem:s28+$0x30] =	vst v0  }
0x1b: {  	[tilespmem:s28+$0x20] =	vst v0  }
0x1c: {  	[tilespmem:s28+$0x10] =	vst v0  }
0x1d: {  	[tilespmem:s28+$0x0] =	vst v0  }
0x1e: {  	[tilespmem:s28+$0xFFFFFFF0] =	vst v0  }
0x1f: {  	[tilespmem:s28+$0xFFFFFFE0] =	vst v0  }
0x20: {  	[tilespmem:s28+$0xFFFFFFD0] =	vst v0  }
0x21: {  	[tilespmem:s28+$0xFFFFFFC0] =	vst v0  }
0x22: {  	[tilespmem:s28+$0xFFFFFFB0] =	vst v0  }
0x23: {  	s29 =	simm.s32 $0x0;
	[tilespmem:s28+$0xFFFFFFA0] =	vst v0  }
.LBB2_2:
0x24: {  	s29 =	sadd.s32 $0x10, s29;
	[tilespmem:s28+$0xFFFFFF90] =	vst v0;
	s28 =	sadd.s32 $0x100, s28;
	s26 =	simm.s32 $0xBC80  }
0x25: {  	[tilespmem:s28+$0xFFFFFF80] =	vst v0;
	p0 =	slt.u32 s29, $0x3F0  }
0x26: {  	[tilespmem:s28+$0x70] =	vst v0  }
0x27: {  	[tilespmem:s28+$0x60] =	vst v0  }
0x28: {  	[tilespmem:s28+$0x50] =	vst v0  }
0x29: {  	[tilespmem:s28+$0x40] =	vst v0  }
0x2a: {  	[tilespmem:s28+$0x30] =	vst v0  }
0x2b: {  	[tilespmem:s28+$0x20] =	vst v0  }
0x2c: {  	[tilespmem:s28+$0x10] =	vst v0  }
0x2d: {  	[tilespmem:s28+$0x0] =	vst v0  }
0x2e: {  	[tilespmem:s28+$0xFFFFFFF0] =	vst v0  }
.Ltmp0:
0x2f: {  	[tilespmem:s28+$0xFFFFFFE0] =	vst v0;
	(pc) =	sbr.rel @p0 .LBB2_2-.Ltmp0, $4  }
0x30: {  	[tilespmem:s28+$0xFFFFFFD0] =	vst v0  }
0x31: {  	[tilespmem:s28+$0xFFFFFFC0] =	vst v0  }
0x32: {  	[tilespmem:s28+$0xFFFFFFB0] =	vst v0  }
0x33: {  	[tilespmem:s28+$0xFFFFFFA0] =	vst v0  }
0x34: {  	[tilespmem:s28+$0xFFFFFF90] =	vst v0  }
0x35: {  	[tilespmem:s26+$0xFFFFFF80] =	vst v0  }
0x36: {  	[tilespmem:s26+$0x70] =	vst v0  }
0x37: {  	[tilespmem:s26+$0x60] =	vst v0  }
0x38: {  	[tilespmem:s26+$0x50] =	vst v0  }
0x39: {  	[tilespmem:s26+$0x40] =	vst v0  }
0x3a: {  	[tilespmem:s26+$0x30] =	vst v0  }
0x3b: {  	[tilespmem:s26+$0x20] =	vst v0  }
0x3c: {  	[tilespmem:s26+$0x10] =	vst v0  }
0x3d: {  	[tilespmem:s26+$0x0] =	vst v0  }
0x3e: {  	[tilespmem:s26+$0xFFFFFFF0] =	vst v0  }
0x3f: {  	[tilespmem:s26+$0xFFFFFFE0] =	vst v0  }
0x40: {  	[tilespmem:s26+$0xFFFFFFD0] =	vst v0  }
0x41: {  	[tilespmem:s26+$0xFFFFFFC0] =	vst v0  }
0x42: {  	[tilespmem:s26+$0xFFFFFFB0] =	vst v0  }
0x43: {  	s28 =	simm.s32 $0x0;
	[tilespmem:s26+$0xFFFFFFA0] =	vst v0  }
.LBB2_4:
0x44: {  	s28 =	sadd.s32 $0x10, s28;
	[tilespmem:s26+$0xFFFFFF90] =	vst v0;
	s26 =	sadd.s32 $0x100, s26  }
0x45: {  	[tilespmem:s26+$0xFFFFFF80] =	vst v0;
	p0 =	slt.u32 s28, $0x3F0  }
0x46: {  	[tilespmem:s26+$0x70] =	vst v0  }
0x47: {  	[tilespmem:s26+$0x60] =	vst v0  }
0x48: {  	[tilespmem:s26+$0x50] =	vst v0  }
0x49: {  	[tilespmem:s26+$0x40] =	vst v0  }
0x4a: {  	[tilespmem:s26+$0x30] =	vst v0  }
0x4b: {  	[tilespmem:s26+$0x20] =	vst v0  }
0x4c: {  	[tilespmem:s26+$0x10] =	vst v0  }
0x4d: {  	[tilespmem:s26+$0x0] =	vst v0  }
0x4e: {  	[tilespmem:s26+$0xFFFFFFF0] =	vst v0  }
.Ltmp1:
0x4f: {  	[tilespmem:s26+$0xFFFFFFE0] =	vst v0;
	(pc) =	sbr.rel @p0 .LBB2_4-.Ltmp1, $4  }
0x50: {  	[tilespmem:s26+$0xFFFFFFD0] =	vst v0  }
0x51: {  	[tilespmem:s26+$0xFFFFFFC0] =	vst v0  }
0x52: {  	[tilespmem:s26+$0xFFFFFFB0] =	vst v0  }
0x53: {  	[tilespmem:s26+$0xFFFFFFA0] =	vst v0  }
0x54: {  	[tilespmem:s26+$0xFFFFFF90] =	vst v0;
	s26 =	simm.s32 $0x0  }
0x55: {  	[tilespmem:s15], [sflag:$0x2] =	stream.linear.gather [hbm4b:s5+s26], $0x1EF0, $0x38;
	[tilespmem:$0xFC00] =	vst v63  }
0x56: {  	_ = 	snop  }
0x57: {  	[tilespmem:s16], [sflag:$0x4] =	stream.linear.gather [hbm4b:s6+s26], $0x1EF0, $0x38;
	[tilespmem:$0xFC00] =	vst v63  }
0x58: {  	_ =	swait.ge [sflag:s17], $0x1EF0  }
0x59: {  	[sflag:s17] =	ssyncset.done $0x0  }
0x5a: {  	[sflag:s17] =	ssyncadd.s32 $0xFFFFE110  }
0x5b: {  	_ =	swait.ge [sflag:s18], $0x1EF0  }
0x5c: {  	[sflag:s18] =	ssyncset.done $0x0  }
0x5d: {  	s29 =	simm.s32 $0x70;
	[sflag:s18] =	ssyncadd.s32 $0xFFFFE110  }
0x5e: {  	s28 =	simm.s32 $0x3E70;
	v2 =	vld [tilespmem:s29+$0x70]  }
0x5f: {  	s30 =	sand.u32 $0x1FF0, s26;
	v3 =	vld [tilespmem:s28+$0x70]  }
0x60: {  	v4 =	vld [tilespmem:s30+$0x80]  }
0x61: {  	v5 =	vld [tilespmem:s30+$0x3E80]  }
0x62: {  	v6 =	vld [tilespmem:s28+$0xFFFFFF90]  }
0x63: {  	v7 =	vld [tilespmem:s29+$0xFFFFFFA0]  }
0x64: {  	v8 =	vld [tilespmem:s28+$0xFFFFFFA0]  }
0x65: {  	v9 =	vld [tilespmem:s29+$0xFFFFFFB0]  }
0x66: {  	v62 =	vld [tilespmem:s28+$0xFFFFFFC0]  }
0x67: {  	v63 =	vld [tilespmem:s29+$0xFFFFFFD0]  }
0x68: {  	v10 =	vld [tilespmem:s28+$0xFFFFFFD0]  }
0x69: {  	v11 =	vld [tilespmem:s29+$0xFFFFFFE0]  }
0x6a: {  	v12 =	vld [tilespmem:s28+$0xFFFFFFE0]  }
0x6b: {  	v13 =	vld [tilespmem:s29+$0xFFFFFFF0]  }
0x6c: {  	v14 =	vld [tilespmem:s28+$0xFFFFFFF0]  }
0x6d: {  	v15 =	vld [tilespmem:s29+$0x0]  }
0x6e: {  	v16 =	vld [tilespmem:s28+$0x0]  }
0x6f: {  	v17 =	vld [tilespmem:s29+$0x20]  }
0x70: {  	v18 =	vld [tilespmem:s28+$0x20]  }
0x71: {  	v19 =	vld [tilespmem:s29+$0x30]  }
0x72: {  	v20 =	vld [tilespmem:s28+$0x30]  }
0x73: {  	v21 =	vld [tilespmem:s29+$0x40]  }
0x74: {  	v22 =	vld [tilespmem:s28+$0x40]  }
0x75: {  	v23 =	vld [tilespmem:s29+$0x50]  }
0x76: {  	v24 =	vld [tilespmem:s28+$0x50]  }
0x77: {  	v25 =	vld [tilespmem:s29+$0x60]  }
0x78: {  	v27 =	vld [tilespmem:s29+$0xFFFFFF90]  }
0x79: {  	v26 =	vld [tilespmem:s28+$0x60]  }
0x7a: {  	[tilespmem:v2+s19+$0x0] =	vst.idx.add.f32.msk $0xffff, v1  }
0x7b: {  	[tilespmem:v4+s19+$0x0] =	vst.idx.add.f32.msk $0xffff, v1  }
0x7c: {  	v2 =	vld [tilespmem:s28+$0xFFFFFFB0]  }
0x7d: {  	[tilespmem:v7+s19+$0x0] =	vst.idx.add.f32.msk $0xffff, v1  }
0x7e: {  	[tilespmem:v9+s19+$0x0] =	vst.idx.add.f32.msk $0xffff, v1  }
0x7f: {  	[tilespmem:v63+s19+$0x0] =	vst.idx.add.f32.msk $0xffff, v1  }
0x80: {  	[tilespmem:v27+s19+$0x0] =	vst.idx.add.f32.msk $0xffff, v1  }
0x81: {  	[tilespmem:v11+s19+$0x0] =	vst.idx.add.f32.msk $0xffff, v1  }
0x82: {  	[tilespmem:v13+s19+$0x0] =	vst.idx.add.f32.msk $0xffff, v1  }
0x83: {  	[tilespmem:v15+s19+$0x0] =	vst.idx.add.f32.msk $0xffff, v1  }
0x84: {  	[tilespmem:v17+s19+$0x0] =	vst.idx.add.f32.msk $0xffff, v1  }
0x85: {  	[tilespmem:v19+s19+$0x0] =	vst.idx.add.f32.msk $0xffff, v1  }
0x86: {  	[tilespmem:v21+s19+$0x0] =	vst.idx.add.f32.msk $0xffff, v1  }
0x87: {  	[tilespmem:v23+s19+$0x0] =	vst.idx.add.f32.msk $0xffff, v1  }
0x88: {  	[tilespmem:v25+s19+$0x0] =	vst.idx.add.f32.msk $0xffff, v1  }
0x89: {  	[tilespmem:v3+s20+$0x0] =	vst.idx.add.f32.msk $0xffff, v1  }
0x8a: {  	[tilespmem:v5+s20+$0x0] =	vst.idx.add.f32.msk $0xffff, v1  }
0x8b: {  	v3 =	vld [tilespmem:s29+$0xFFFFFFC0]  }
0x8c: {  	[tilespmem:v8+s20+$0x0] =	vst.idx.add.f32.msk $0xffff, v1  }
0x8d: {  	[tilespmem:v6+s20+$0x0] =	vst.idx.add.f32.msk $0xffff, v1  }
0x8e: {  	[tilespmem:v10+s20+$0x0] =	vst.idx.add.f32.msk $0xffff, v1  }
0x8f: {  	[tilespmem:v12+s20+$0x0] =	vst.idx.add.f32.msk $0xffff, v1  }
0x90: {  	[tilespmem:v14+s20+$0x0] =	vst.idx.add.f32.msk $0xffff, v1  }
0x91: {  	[tilespmem:v16+s20+$0x0] =	vst.idx.add.f32.msk $0xffff, v1  }
0x92: {  	[tilespmem:v18+s20+$0x0] =	vst.idx.add.f32.msk $0xffff, v1  }
0x93: {  	[tilespmem:v20+s20+$0x0] =	vst.idx.add.f32.msk $0xffff, v1  }
0x94: {  	[tilespmem:v22+s20+$0x0] =	vst.idx.add.f32.msk $0xffff, v1  }
0x95: {  	[tilespmem:v24+s20+$0x0] =	vst.idx.add.f32.msk $0xffff, v1  }
0x96: {  	[tilespmem:v26+s20+$0x0] =	vst.idx.add.f32.msk $0xffff, v1  }
0x97: {  	[tilespmem:v2+s20+$0x0] =	vst.idx.add.f32.msk $0xffff, v1  }
0x98: {  	[tilespmem:v3+s19+$0x0] =	vst.idx.add.f32.msk $0xffff, v1  }
0x99: {  	s30 =	simm.s32 $0x160;
	s29 =	simm.s32 $0x0;
	[tilespmem:v62+s20+$0x0] =	vst.idx.add.f32.msk $0xffff, v1  }
.LBB2_6:
0x9a: {  	v2 =	vld [tilespmem:s30+$0x70];
	s28 =	sadd.s32 $0xF0, s28;
	s26 =	sadd.s32 $0xF0, s26  }
0x9b: {  	s31 =	sand.u32 $0x1FF0, s26;
	v3 =	vld [tilespmem:s28+$0x70]  }
0x9c: {  	s29 =	sadd.s32 $0xF, s29;
	v4 =	vld [tilespmem:s31+$0x80]  }
0x9d: {  	p0 =	slt.u32 s29, $0x1E0;
	v5 =	vld [tilespmem:s31+$0x3E80]  }
0x9e: {  	v6 =	vld [tilespmem:s28+$0xFFFFFF90]  }
0x9f: {  	v7 =	vld [tilespmem:s30+$0xFFFFFFA0]  }
0xa0: {  	v8 =	vld [tilespmem:s28+$0xFFFFFFA0]  }
0xa1: {  	v9 =	vld [tilespmem:s30+$0xFFFFFFB0]  }
0xa2: {  	[tilespmem:v2+s19+$0x0] =	vst.idx.add.f32.msk $0xffff, v1  }
0xa3: {  	[tilespmem:v3+s20+$0x0] =	vst.idx.add.f32.msk $0xffff, v1  }
0xa4: {  	[tilespmem:v4+s19+$0x0] =	vst.idx.add.f32.msk $0xffff, v1  }
0xa5: {  	[tilespmem:v5+s20+$0x0] =	vst.idx.add.f32.msk $0xffff, v1  }
0xa6: {  	v2 =	vld [tilespmem:s28+$0xFFFFFFB0]  }
0xa7: {  	v3 =	vld [tilespmem:s30+$0xFFFFFFC0]  }
0xa8: {  	v4 =	vld [tilespmem:s28+$0xFFFFFFC0]  }
0xa9: {  	v5 =	vld [tilespmem:s30+$0xFFFFFFD0]  }
0xaa: {  	v10 =	vld [tilespmem:s28+$0xFFFFFFD0]  }
0xab: {  	v11 =	vld [tilespmem:s30+$0xFFFFFFE0]  }
0xac: {  	v12 =	vld [tilespmem:s28+$0xFFFFFFE0]  }
0xad: {  	v13 =	vld [tilespmem:s30+$0xFFFFFFF0]  }
0xae: {  	v14 =	vld [tilespmem:s28+$0xFFFFFFF0]  }
0xaf: {  	v15 =	vld [tilespmem:s30+$0x0]  }
0xb0: {  	v16 =	vld [tilespmem:s28+$0x0]  }
0xb1: {  	v17 =	vld [tilespmem:s30+$0x20]  }
0xb2: {  	v18 =	vld [tilespmem:s28+$0x20]  }
0xb3: {  	v19 =	vld [tilespmem:s30+$0x30]  }
0xb4: {  	v20 =	vld [tilespmem:s28+$0x30]  }
0xb5: {  	v21 =	vld [tilespmem:s30+$0x40]  }
0xb6: {  	v22 =	vld [tilespmem:s28+$0x40]  }
0xb7: {  	v23 =	vld [tilespmem:s30+$0x50]  }
0xb8: {  	v24 =	vld [tilespmem:s28+$0x50]  }
0xb9: {  	v25 =	vld [tilespmem:s30+$0x60]  }
0xba: {  	v26 =	vld [tilespmem:s28+$0x60]  }
0xbb: {  	v27 =	vld [tilespmem:s30+$0xFFFFFF90]  }
0xbc: {  	[tilespmem:v7+s19+$0x0] =	vst.idx.add.f32.msk $0xffff, v1  }
0xbd: {  	[tilespmem:v8+s20+$0x0] =	vst.idx.add.f32.msk $0xffff, v1  }
0xbe: {  	[tilespmem:v9+s19+$0x0] =	vst.idx.add.f32.msk $0xffff, v1  }
0xbf: {  	[tilespmem:v2+s20+$0x0] =	vst.idx.add.f32.msk $0xffff, v1  }
0xc0: {  	[tilespmem:v3+s19+$0x0] =	vst.idx.add.f32.msk $0xffff, v1  }
0xc1: {  	[tilespmem:v4+s20+$0x0] =	vst.idx.add.f32.msk $0xffff, v1  }
0xc2: {  	[tilespmem:v5+s19+$0x0] =	vst.idx.add.f32.msk $0xffff, v1  }
0xc3: {  	[tilespmem:v27+s19+$0x0] =	vst.idx.add.f32.msk $0xffff, v1  }
0xc4: {  	[tilespmem:v6+s20+$0x0] =	vst.idx.add.f32.msk $0xffff, v1  }
0xc5: {  	[tilespmem:v10+s20+$0x0] =	vst.idx.add.f32.msk $0xffff, v1  }
0xc6: {  	[tilespmem:v11+s19+$0x0] =	vst.idx.add.f32.msk $0xffff, v1  }
0xc7: {  	[tilespmem:v12+s20+$0x0] =	vst.idx.add.f32.msk $0xffff, v1  }
0xc8: {  	[tilespmem:v13+s19+$0x0] =	vst.idx.add.f32.msk $0xffff, v1  }
0xc9: {  	[tilespmem:v14+s20+$0x0] =	vst.idx.add.f32.msk $0xffff, v1  }
0xca: {  	[tilespmem:v15+s19+$0x0] =	vst.idx.add.f32.msk $0xffff, v1  }
0xcb: {  	[tilespmem:v16+s20+$0x0] =	vst.idx.add.f32.msk $0xffff, v1  }
0xcc: {  	[tilespmem:v17+s19+$0x0] =	vst.idx.add.f32.msk $0xffff, v1  }
0xcd: {  	[tilespmem:v18+s20+$0x0] =	vst.idx.add.f32.msk $0xffff, v1  }
0xce: {  	[tilespmem:v19+s19+$0x0] =	vst.idx.add.f32.msk $0xffff, v1  }
0xcf: {  	[tilespmem:v20+s20+$0x0] =	vst.idx.add.f32.msk $0xffff, v1  }
0xd0: {  	[tilespmem:v21+s19+$0x0] =	vst.idx.add.f32.msk $0xffff, v1  }
.Ltmp2:
0xd1: {  	[tilespmem:v22+s20+$0x0] =	vst.idx.add.f32.msk $0xffff, v1;
	(pc) =	sbr.rel @p0 .LBB2_6-.Ltmp2, $4  }
0xd2: {  	[tilespmem:v23+s19+$0x0] =	vst.idx.add.f32.msk $0xffff, v1  }
0xd3: {  	[tilespmem:v24+s20+$0x0] =	vst.idx.add.f32.msk $0xffff, v1  }
0xd4: {  	[tilespmem:v25+s19+$0x0] =	vst.idx.add.f32.msk $0xffff, v1  }
0xd5: {  	s30 =	sadd.s32 $0xF0, s30;
	[tilespmem:v26+s20+$0x0] =	vst.idx.add.f32.msk $0xffff, v1  }
0xd6: {  	s26 =	simm.s32 $0x0  }
0xd7: {  	[tilespmem:s26], [sflag:$0x1] =	stream.linear.gather [hbm4b:s7+s26], $0x1EF0, $0x38;
	[tilespmem:$0xFC00] =	vst v63  }
0xd8: {  	_ = 	snop  }
0xd9: {  	[tilespmem:s14], [sflag:$0x3] =	stream.linear.gather [hbm4b:s8+s26], $0x1EF0, $0x38;
	[tilespmem:$0xFC00] =	vst v63  }
0xda: {  	_ =	swait.ge [sflag:s21], $0x1EF0  }
0xdb: {  	[sflag:s21] =	ssyncset.done $0x0  }
0xdc: {  	[sflag:s21] =	ssyncadd.s32 $0xFFFFE110  }
0xdd: {  	_ =	swait.ge [sflag:s22], $0x1EF0  }
0xde: {  	[sflag:s22] =	ssyncset.done $0x0  }
0xdf: {  	s29 =	simm.s32 $0x1F70;
	[sflag:s22] =	ssyncadd.s32 $0xFFFFE110  }
0xe0: {  	s28 =	simm.s32 $0x5D70;
	v2 =	vld [tilespmem:s29+$0x70]  }
0xe1: {  	s30 =	sand.u32 $0x1FF0, s26;
	v3 =	vld [tilespmem:s28+$0x70]  }
0xe2: {  	v4 =	vld [tilespmem:s30+$0x1F80]  }
0xe3: {  	v5 =	vld [tilespmem:s30+$0x5D80]  }
0xe4: {  	v6 =	vld [tilespmem:s28+$0xFFFFFF90]  }
0xe5: {  	v7 =	vld [tilespmem:s29+$0xFFFFFFA0]  }
0xe6: {  	v8 =	vld [tilespmem:s28+$0xFFFFFFA0]  }
0xe7: {  	v9 =	vld [tilespmem:s29+$0xFFFFFFB0]  }
0xe8: {  	v62 =	vld [tilespmem:s28+$0xFFFFFFC0]  }
0xe9: {  	v63 =	vld [tilespmem:s29+$0xFFFFFFD0]  }
0xea: {  	v10 =	vld [tilespmem:s28+$0xFFFFFFD0]  }
0xeb: {  	v11 =	vld [tilespmem:s29+$0xFFFFFFE0]  }
0xec: {  	v12 =	vld [tilespmem:s28+$0xFFFFFFE0]  }
0xed: {  	v13 =	vld [tilespmem:s29+$0xFFFFFFF0]  }
0xee: {  	v14 =	vld [tilespmem:s28+$0xFFFFFFF0]  }
0xef: {  	v15 =	vld [tilespmem:s29+$0x0]  }
0xf0: {  	v16 =	vld [tilespmem:s28+$0x0]  }
0xf1: {  	v17 =	vld [tilespmem:s29+$0x20]  }
0xf2: {  	v18 =	vld [tilespmem:s28+$0x20]  }
0xf3: {  	v19 =	vld [tilespmem:s29+$0x30]  }
0xf4: {  	v20 =	vld [tilespmem:s28+$0x30]  }
0xf5: {  	v21 =	vld [tilespmem:s29+$0x40]  }
0xf6: {  	v22 =	vld [tilespmem:s28+$0x40]  }
0xf7: {  	v23 =	vld [tilespmem:s29+$0x50]  }
0xf8: {  	v24 =	vld [tilespmem:s28+$0x50]  }
0xf9: {  	v25 =	vld [tilespmem:s29+$0x60]  }
0xfa: {  	v27 =	vld [tilespmem:s29+$0xFFFFFF90]  }
0xfb: {  	v26 =	vld [tilespmem:s28+$0x60]  }
0xfc: {  	[tilespmem:v2+s19+$0x0] =	vst.idx.add.f32.msk $0xffff, v1  }
0xfd: {  	[tilespmem:v4+s19+$0x0] =	vst.idx.add.f32.msk $0xffff, v1  }
0xfe: {  	v2 =	vld [tilespmem:s28+$0xFFFFFFB0]  }
0xff: {  	[tilespmem:v7+s19+$0x0] =	vst.idx.add.f32.msk $0xffff, v1  }
0x100: {  	[tilespmem:v9+s19+$0x0] =	vst.idx.add.f32.msk $0xffff, v1  }
0x101: {  	[tilespmem:v63+s19+$0x0] =	vst.idx.add.f32.msk $0xffff, v1  }
0x102: {  	[tilespmem:v27+s19+$0x0] =	vst.idx.add.f32.msk $0xffff, v1  }
0x103: {  	[tilespmem:v11+s19+$0x0] =	vst.idx.add.f32.msk $0xffff, v1  }
0x104: {  	[tilespmem:v13+s19+$0x0] =	vst.idx.add.f32.msk $0xffff, v1  }
0x105: {  	[tilespmem:v15+s19+$0x0] =	vst.idx.add.f32.msk $0xffff, v1  }
0x106: {  	[tilespmem:v17+s19+$0x0] =	vst.idx.add.f32.msk $0xffff, v1  }
0x107: {  	[tilespmem:v19+s19+$0x0] =	vst.idx.add.f32.msk $0xffff, v1  }
0x108: {  	[tilespmem:v21+s19+$0x0] =	vst.idx.add.f32.msk $0xffff, v1  }
0x109: {  	[tilespmem:v23+s19+$0x0] =	vst.idx.add.f32.msk $0xffff, v1  }
0x10a: {  	[tilespmem:v25+s19+$0x0] =	vst.idx.add.f32.msk $0xffff, v1  }
0x10b: {  	[tilespmem:v3+s20+$0x0] =	vst.idx.add.f32.msk $0xffff, v1  }
0x10c: {  	[tilespmem:v5+s20+$0x0] =	vst.idx.add.f32.msk $0xffff, v1  }
0x10d: {  	v3 =	vld [tilespmem:s29+$0xFFFFFFC0]  }
0x10e: {  	[tilespmem:v8+s20+$0x0] =	vst.idx.add.f32.msk $0xffff, v1  }
0x10f: {  	[tilespmem:v6+s20+$0x0] =	vst.idx.add.f32.msk $0xffff, v1  }
0x110: {  	[tilespmem:v10+s20+$0x0] =	vst.idx.add.f32.msk $0xffff, v1  }
0x111: {  	[tilespmem:v12+s20+$0x0] =	vst.idx.add.f32.msk $0xffff, v1  }
0x112: {  	[tilespmem:v14+s20+$0x0] =	vst.idx.add.f32.msk $0xffff, v1  }
0x113: {  	[tilespmem:v16+s20+$0x0] =	vst.idx.add.f32.msk $0xffff, v1  }
0x114: {  	[tilespmem:v18+s20+$0x0] =	vst.idx.add.f32.msk $0xffff, v1  }
0x115: {  	[tilespmem:v20+s20+$0x0] =	vst.idx.add.f32.msk $0xffff, v1  }
0x116: {  	[tilespmem:v22+s20+$0x0] =	vst.idx.add.f32.msk $0xffff, v1  }
0x117: {  	[tilespmem:v24+s20+$0x0] =	vst.idx.add.f32.msk $0xffff, v1  }
0x118: {  	[tilespmem:v26+s20+$0x0] =	vst.idx.add.f32.msk $0xffff, v1  }
0x119: {  	[tilespmem:v2+s20+$0x0] =	vst.idx.add.f32.msk $0xffff, v1  }
0x11a: {  	[tilespmem:v3+s19+$0x0] =	vst.idx.add.f32.msk $0xffff, v1  }
0x11b: {  	s30 =	simm.s32 $0x2060;
	s29 =	simm.s32 $0x0;
	[tilespmem:v62+s20+$0x0] =	vst.idx.add.f32.msk $0xffff, v1  }
.LBB2_8:
0x11c: {  	v2 =	vld [tilespmem:s30+$0x70];
	s28 =	sadd.s32 $0xF0, s28;
	s26 =	sadd.s32 $0xF0, s26  }
0x11d: {  	s31 =	sand.u32 $0x1FF0, s26;
	v3 =	vld [tilespmem:s28+$0x70]  }
0x11e: {  	s29 =	sadd.s32 $0xF, s29;
	v4 =	vld [tilespmem:s31+$0x1F80]  }
0x11f: {  	p0 =	slt.u32 s29, $0x1E0;
	v5 =	vld [tilespmem:s31+$0x5D80]  }
0x120: {  	v6 =	vld [tilespmem:s28+$0xFFFFFF90]  }
0x121: {  	v7 =	vld [tilespmem:s30+$0xFFFFFFA0]  }
0x122: {  	v8 =	vld [tilespmem:s28+$0xFFFFFFA0]  }
0x123: {  	v9 =	vld [tilespmem:s30+$0xFFFFFFB0]  }
0x124: {  	[tilespmem:v2+s19+$0x0] =	vst.idx.add.f32.msk $0xffff, v1  }
0x125: {  	[tilespmem:v3+s20+$0x0] =	vst.idx.add.f32.msk $0xffff, v1  }
0x126: {  	[tilespmem:v4+s19+$0x0] =	vst.idx.add.f32.msk $0xffff, v1  }
0x127: {  	[tilespmem:v5+s20+$0x0] =	vst.idx.add.f32.msk $0xffff, v1  }
0x128: {  	v2 =	vld [tilespmem:s28+$0xFFFFFFB0]  }
0x129: {  	v3 =	vld [tilespmem:s30+$0xFFFFFFC0]  }
0x12a: {  	v4 =	vld [tilespmem:s28+$0xFFFFFFC0]  }
0x12b: {  	v5 =	vld [tilespmem:s30+$0xFFFFFFD0]  }
0x12c: {  	v10 =	vld [tilespmem:s28+$0xFFFFFFD0]  }
0x12d: {  	v11 =	vld [tilespmem:s30+$0xFFFFFFE0]  }
0x12e: {  	v12 =	vld [tilespmem:s28+$0xFFFFFFE0]  }
0x12f: {  	v13 =	vld [tilespmem:s30+$0xFFFFFFF0]  }
0x130: {  	v14 =	vld [tilespmem:s28+$0xFFFFFFF0]  }
0x131: {  	v15 =	vld [tilespmem:s30+$0x0]  }
0x132: {  	v16 =	vld [tilespmem:s28+$0x0]  }
0x133: {  	v17 =	vld [tilespmem:s30+$0x20]  }
0x134: {  	v18 =	vld [tilespmem:s28+$0x20]  }
0x135: {  	v19 =	vld [tilespmem:s30+$0x30]  }
0x136: {  	v20 =	vld [tilespmem:s28+$0x30]  }
0x137: {  	v21 =	vld [tilespmem:s30+$0x40]  }
0x138: {  	v22 =	vld [tilespmem:s28+$0x40]  }
0x139: {  	v23 =	vld [tilespmem:s30+$0x50]  }
0x13a: {  	v24 =	vld [tilespmem:s28+$0x50]  }
0x13b: {  	v25 =	vld [tilespmem:s30+$0x60]  }
0x13c: {  	v26 =	vld [tilespmem:s28+$0x60]  }
0x13d: {  	v27 =	vld [tilespmem:s30+$0xFFFFFF90]  }
0x13e: {  	[tilespmem:v7+s19+$0x0] =	vst.idx.add.f32.msk $0xffff, v1  }
0x13f: {  	[tilespmem:v8+s20+$0x0] =	vst.idx.add.f32.msk $0xffff, v1  }
0x140: {  	[tilespmem:v9+s19+$0x0] =	vst.idx.add.f32.msk $0xffff, v1  }
0x141: {  	[tilespmem:v2+s20+$0x0] =	vst.idx.add.f32.msk $0xffff, v1  }
0x142: {  	[tilespmem:v3+s19+$0x0] =	vst.idx.add.f32.msk $0xffff, v1  }
0x143: {  	[tilespmem:v4+s20+$0x0] =	vst.idx.add.f32.msk $0xffff, v1  }
0x144: {  	[tilespmem:v5+s19+$0x0] =	vst.idx.add.f32.msk $0xffff, v1  }
0x145: {  	[tilespmem:v27+s19+$0x0] =	vst.idx.add.f32.msk $0xffff, v1  }
0x146: {  	[tilespmem:v6+s20+$0x0] =	vst.idx.add.f32.msk $0xffff, v1  }
0x147: {  	[tilespmem:v10+s20+$0x0] =	vst.idx.add.f32.msk $0xffff, v1  }
0x148: {  	[tilespmem:v11+s19+$0x0] =	vst.idx.add.f32.msk $0xffff, v1  }
0x149: {  	[tilespmem:v12+s20+$0x0] =	vst.idx.add.f32.msk $0xffff, v1  }
0x14a: {  	[tilespmem:v13+s19+$0x0] =	vst.idx.add.f32.msk $0xffff, v1  }
0x14b: {  	[tilespmem:v14+s20+$0x0] =	vst.idx.add.f32.msk $0xffff, v1  }
0x14c: {  	[tilespmem:v15+s19+$0x0] =	vst.idx.add.f32.msk $0xffff, v1  }
0x14d: {  	[tilespmem:v16+s20+$0x0] =	vst.idx.add.f32.msk $0xffff, v1  }
0x14e: {  	[tilespmem:v17+s19+$0x0] =	vst.idx.add.f32.msk $0xffff, v1  }
0x14f: {  	[tilespmem:v18+s20+$0x0] =	vst.idx.add.f32.msk $0xffff, v1  }
0x150: {  	[tilespmem:v19+s19+$0x0] =	vst.idx.add.f32.msk $0xffff, v1  }
0x151: {  	[tilespmem:v20+s20+$0x0] =	vst.idx.add.f32.msk $0xffff, v1  }
0x152: {  	[tilespmem:v21+s19+$0x0] =	vst.idx.add.f32.msk $0xffff, v1  }
.Ltmp3:
0x153: {  	[tilespmem:v22+s20+$0x0] =	vst.idx.add.f32.msk $0xffff, v1;
	(pc) =	sbr.rel @p0 .LBB2_8-.Ltmp3, $4  }
0x154: {  	[tilespmem:v23+s19+$0x0] =	vst.idx.add.f32.msk $0xffff, v1  }
0x155: {  	[tilespmem:v24+s20+$0x0] =	vst.idx.add.f32.msk $0xffff, v1  }
0x156: {  	[tilespmem:v25+s19+$0x0] =	vst.idx.add.f32.msk $0xffff, v1  }
0x157: {  	s30 =	sadd.s32 $0xF0, s30;
	[tilespmem:v26+s20+$0x0] =	vst.idx.add.f32.msk $0xffff, v1  }
0x158: {  	s26 =	simm.s32 $0x0  }
0x159: {  	[tilespmem:s15], [sflag:$0x2] =	stream.linear.gather [hbm4b:s9+s26], $0x1EF0, $0x38;
	[tilespmem:$0xFC00] =	vst v63  }
0x15a: {  	_ = 	snop  }
0x15b: {  	[tilespmem:s16], [sflag:$0x4] =	stream.linear.gather [hbm4b:s10+s26], $0x1EF0, $0x38;
	[tilespmem:$0xFC00] =	vst v63  }
0x15c: {  	_ =	swait.ge [sflag:s17], $0x1EF0  }
0x15d: {  	[sflag:s17] =	ssyncset.done $0x0  }
0x15e: {  	[sflag:s17] =	ssyncadd.s32 $0xFFFFE110  }
0x15f: {  	_ =	swait.ge [sflag:s18], $0x1EF0  }
0x160: {  	[sflag:s18] =	ssyncset.done $0x0  }
0x161: {  	s29 =	simm.s32 $0x70;
	[sflag:s18] =	ssyncadd.s32 $0xFFFFE110  }
0x162: {  	s28 =	simm.s32 $0x3E70;
	v2 =	vld [tilespmem:s29+$0x70]  }
0x163: {  	s30 =	sand.u32 $0x1FF0, s26;
	v3 =	vld [tilespmem:s28+$0x70]  }
0x164: {  	v4 =	vld [tilespmem:s30+$0x80]  }
0x165: {  	v5 =	vld [tilespmem:s30+$0x3E80]  }
0x166: {  	v6 =	vld [tilespmem:s28+$0xFFFFFF90]  }
0x167: {  	v7 =	vld [tilespmem:s29+$0xFFFFFFA0]  }
0x168: {  	v8 =	vld [tilespmem:s28+$0xFFFFFFA0]  }
0x169: {  	v9 =	vld [tilespmem:s29+$0xFFFFFFB0]  }
0x16a: {  	v62 =	vld [tilespmem:s28+$0xFFFFFFC0]  }
0x16b: {  	v63 =	vld [tilespmem:s29+$0xFFFFFFD0]  }
0x16c: {  	v10 =	vld [tilespmem:s28+$0xFFFFFFD0]  }
0x16d: {  	v11 =	vld [tilespmem:s29+$0xFFFFFFE0]  }
0x16e: {  	v12 =	vld [tilespmem:s28+$0xFFFFFFE0]  }
0x16f: {  	v13 =	vld [tilespmem:s29+$0xFFFFFFF0]  }
0x170: {  	v14 =	vld [tilespmem:s28+$0xFFFFFFF0]  }
0x171: {  	v15 =	vld [tilespmem:s29+$0x0]  }
0x172: {  	v16 =	vld [tilespmem:s28+$0x0]  }
0x173: {  	v17 =	vld [tilespmem:s29+$0x20]  }
0x174: {  	v18 =	vld [tilespmem:s28+$0x20]  }
0x175: {  	v19 =	vld [tilespmem:s29+$0x30]  }
0x176: {  	v20 =	vld [tilespmem:s28+$0x30]  }
0x177: {  	v21 =	vld [tilespmem:s29+$0x40]  }
0x178: {  	v22 =	vld [tilespmem:s28+$0x40]  }
0x179: {  	v23 =	vld [tilespmem:s29+$0x50]  }
0x17a: {  	v24 =	vld [tilespmem:s28+$0x50]  }
0x17b: {  	v25 =	vld [tilespmem:s29+$0x60]  }
0x17c: {  	v27 =	vld [tilespmem:s29+$0xFFFFFF90]  }
0x17d: {  	v26 =	vld [tilespmem:s28+$0x60]  }
0x17e: {  	[tilespmem:v2+s19+$0x0] =	vst.idx.add.f32.msk $0xffff, v1  }
0x17f: {  	[tilespmem:v4+s19+$0x0] =	vst.idx.add.f32.msk $0xffff, v1  }
0x180: {  	v2 =	vld [tilespmem:s28+$0xFFFFFFB0]  }
0x181: {  	[tilespmem:v7+s19+$0x0] =	vst.idx.add.f32.msk $0xffff, v1  }
0x182: {  	[tilespmem:v9+s19+$0x0] =	vst.idx.add.f32.msk $0xffff, v1  }
0x183: {  	[tilespmem:v63+s19+$0x0] =	vst.idx.add.f32.msk $0xffff, v1  }
0x184: {  	[tilespmem:v27+s19+$0x0] =	vst.idx.add.f32.msk $0xffff, v1  }
0x185: {  	[tilespmem:v11+s19+$0x0] =	vst.idx.add.f32.msk $0xffff, v1  }
0x186: {  	[tilespmem:v13+s19+$0x0] =	vst.idx.add.f32.msk $0xffff, v1  }
0x187: {  	[tilespmem:v15+s19+$0x0] =	vst.idx.add.f32.msk $0xffff, v1  }
0x188: {  	[tilespmem:v17+s19+$0x0] =	vst.idx.add.f32.msk $0xffff, v1  }
0x189: {  	[tilespmem:v19+s19+$0x0] =	vst.idx.add.f32.msk $0xffff, v1  }
0x18a: {  	[tilespmem:v21+s19+$0x0] =	vst.idx.add.f32.msk $0xffff, v1  }
0x18b: {  	[tilespmem:v23+s19+$0x0] =	vst.idx.add.f32.msk $0xffff, v1  }
0x18c: {  	[tilespmem:v25+s19+$0x0] =	vst.idx.add.f32.msk $0xffff, v1  }
0x18d: {  	[tilespmem:v3+s20+$0x0] =	vst.idx.add.f32.msk $0xffff, v1  }
0x18e: {  	[tilespmem:v5+s20+$0x0] =	vst.idx.add.f32.msk $0xffff, v1  }
0x18f: {  	v3 =	vld [tilespmem:s29+$0xFFFFFFC0]  }
0x190: {  	[tilespmem:v8+s20+$0x0] =	vst.idx.add.f32.msk $0xffff, v1  }
0x191: {  	[tilespmem:v6+s20+$0x0] =	vst.idx.add.f32.msk $0xffff, v1  }
0x192: {  	[tilespmem:v10+s20+$0x0] =	vst.idx.add.f32.msk $0xffff, v1  }
0x193: {  	[tilespmem:v12+s20+$0x0] =	vst.idx.add.f32.msk $0xffff, v1  }
0x194: {  	[tilespmem:v14+s20+$0x0] =	vst.idx.add.f32.msk $0xffff, v1  }
0x195: {  	[tilespmem:v16+s20+$0x0] =	vst.idx.add.f32.msk $0xffff, v1  }
0x196: {  	[tilespmem:v18+s20+$0x0] =	vst.idx.add.f32.msk $0xffff, v1  }
0x197: {  	[tilespmem:v20+s20+$0x0] =	vst.idx.add.f32.msk $0xffff, v1  }
0x198: {  	[tilespmem:v22+s20+$0x0] =	vst.idx.add.f32.msk $0xffff, v1  }
0x199: {  	[tilespmem:v24+s20+$0x0] =	vst.idx.add.f32.msk $0xffff, v1  }
0x19a: {  	[tilespmem:v26+s20+$0x0] =	vst.idx.add.f32.msk $0xffff, v1  }
0x19b: {  	[tilespmem:v2+s20+$0x0] =	vst.idx.add.f32.msk $0xffff, v1  }
0x19c: {  	[tilespmem:v3+s19+$0x0] =	vst.idx.add.f32.msk $0xffff, v1  }
0x19d: {  	s30 =	simm.s32 $0x160;
	s29 =	simm.s32 $0x0;
	[tilespmem:v62+s20+$0x0] =	vst.idx.add.f32.msk $0xffff, v1  }
.LBB2_10:
0x19e: {  	v2 =	vld [tilespmem:s30+$0x70];
	s28 =	sadd.s32 $0xF0, s28;
	s26 =	sadd.s32 $0xF0, s26  }
0x19f: {  	s31 =	sand.u32 $0x1FF0, s26;
	v3 =	vld [tilespmem:s28+$0x70]  }
0x1a0: {  	s29 =	sadd.s32 $0xF, s29;
	v4 =	vld [tilespmem:s31+$0x80]  }
0x1a1: {  	p0 =	slt.u32 s29, $0x1E0;
	v5 =	vld [tilespmem:s31+$0x3E80]  }
0x1a2: {  	v6 =	vld [tilespmem:s28+$0xFFFFFF90]  }
0x1a3: {  	v7 =	vld [tilespmem:s30+$0xFFFFFFA0]  }
0x1a4: {  	v8 =	vld [tilespmem:s28+$0xFFFFFFA0]  }
0x1a5: {  	v9 =	vld [tilespmem:s30+$0xFFFFFFB0]  }
0x1a6: {  	[tilespmem:v2+s19+$0x0] =	vst.idx.add.f32.msk $0xffff, v1  }
0x1a7: {  	[tilespmem:v3+s20+$0x0] =	vst.idx.add.f32.msk $0xffff, v1  }
0x1a8: {  	[tilespmem:v4+s19+$0x0] =	vst.idx.add.f32.msk $0xffff, v1  }
0x1a9: {  	[tilespmem:v5+s20+$0x0] =	vst.idx.add.f32.msk $0xffff, v1  }
0x1aa: {  	v2 =	vld [tilespmem:s28+$0xFFFFFFB0]  }
0x1ab: {  	v3 =	vld [tilespmem:s30+$0xFFFFFFC0]  }
0x1ac: {  	v4 =	vld [tilespmem:s28+$0xFFFFFFC0]  }
0x1ad: {  	v5 =	vld [tilespmem:s30+$0xFFFFFFD0]  }
0x1ae: {  	v10 =	vld [tilespmem:s28+$0xFFFFFFD0]  }
0x1af: {  	v11 =	vld [tilespmem:s30+$0xFFFFFFE0]  }
0x1b0: {  	v12 =	vld [tilespmem:s28+$0xFFFFFFE0]  }
0x1b1: {  	v13 =	vld [tilespmem:s30+$0xFFFFFFF0]  }
0x1b2: {  	v14 =	vld [tilespmem:s28+$0xFFFFFFF0]  }
0x1b3: {  	v15 =	vld [tilespmem:s30+$0x0]  }
0x1b4: {  	v16 =	vld [tilespmem:s28+$0x0]  }
0x1b5: {  	v17 =	vld [tilespmem:s30+$0x20]  }
0x1b6: {  	v18 =	vld [tilespmem:s28+$0x20]  }
0x1b7: {  	v19 =	vld [tilespmem:s30+$0x30]  }
0x1b8: {  	v20 =	vld [tilespmem:s28+$0x30]  }
0x1b9: {  	v21 =	vld [tilespmem:s30+$0x40]  }
0x1ba: {  	v22 =	vld [tilespmem:s28+$0x40]  }
0x1bb: {  	v23 =	vld [tilespmem:s30+$0x50]  }
0x1bc: {  	v24 =	vld [tilespmem:s28+$0x50]  }
0x1bd: {  	v25 =	vld [tilespmem:s30+$0x60]  }
0x1be: {  	v26 =	vld [tilespmem:s28+$0x60]  }
0x1bf: {  	v27 =	vld [tilespmem:s30+$0xFFFFFF90]  }
0x1c0: {  	[tilespmem:v7+s19+$0x0] =	vst.idx.add.f32.msk $0xffff, v1  }
0x1c1: {  	[tilespmem:v8+s20+$0x0] =	vst.idx.add.f32.msk $0xffff, v1  }
0x1c2: {  	[tilespmem:v9+s19+$0x0] =	vst.idx.add.f32.msk $0xffff, v1  }
0x1c3: {  	[tilespmem:v2+s20+$0x0] =	vst.idx.add.f32.msk $0xffff, v1  }
0x1c4: {  	[tilespmem:v3+s19+$0x0] =	vst.idx.add.f32.msk $0xffff, v1  }
0x1c5: {  	[tilespmem:v4+s20+$0x0] =	vst.idx.add.f32.msk $0xffff, v1  }
0x1c6: {  	[tilespmem:v5+s19+$0x0] =	vst.idx.add.f32.msk $0xffff, v1  }
0x1c7: {  	[tilespmem:v27+s19+$0x0] =	vst.idx.add.f32.msk $0xffff, v1  }
0x1c8: {  	[tilespmem:v6+s20+$0x0] =	vst.idx.add.f32.msk $0xffff, v1  }
0x1c9: {  	[tilespmem:v10+s20+$0x0] =	vst.idx.add.f32.msk $0xffff, v1  }
0x1ca: {  	[tilespmem:v11+s19+$0x0] =	vst.idx.add.f32.msk $0xffff, v1  }
0x1cb: {  	[tilespmem:v12+s20+$0x0] =	vst.idx.add.f32.msk $0xffff, v1  }
0x1cc: {  	[tilespmem:v13+s19+$0x0] =	vst.idx.add.f32.msk $0xffff, v1  }
0x1cd: {  	[tilespmem:v14+s20+$0x0] =	vst.idx.add.f32.msk $0xffff, v1  }
0x1ce: {  	[tilespmem:v15+s19+$0x0] =	vst.idx.add.f32.msk $0xffff, v1  }
0x1cf: {  	[tilespmem:v16+s20+$0x0] =	vst.idx.add.f32.msk $0xffff, v1  }
0x1d0: {  	[tilespmem:v17+s19+$0x0] =	vst.idx.add.f32.msk $0xffff, v1  }
0x1d1: {  	[tilespmem:v18+s20+$0x0] =	vst.idx.add.f32.msk $0xffff, v1  }
0x1d2: {  	[tilespmem:v19+s19+$0x0] =	vst.idx.add.f32.msk $0xffff, v1  }
0x1d3: {  	[tilespmem:v20+s20+$0x0] =	vst.idx.add.f32.msk $0xffff, v1  }
0x1d4: {  	[tilespmem:v21+s19+$0x0] =	vst.idx.add.f32.msk $0xffff, v1  }
.Ltmp4:
0x1d5: {  	[tilespmem:v22+s20+$0x0] =	vst.idx.add.f32.msk $0xffff, v1;
	(pc) =	sbr.rel @p0 .LBB2_10-.Ltmp4, $4  }
0x1d6: {  	[tilespmem:v23+s19+$0x0] =	vst.idx.add.f32.msk $0xffff, v1  }
0x1d7: {  	[tilespmem:v24+s20+$0x0] =	vst.idx.add.f32.msk $0xffff, v1  }
0x1d8: {  	[tilespmem:v25+s19+$0x0] =	vst.idx.add.f32.msk $0xffff, v1  }
0x1d9: {  	s30 =	sadd.s32 $0xF0, s30;
	[tilespmem:v26+s20+$0x0] =	vst.idx.add.f32.msk $0xffff, v1  }
0x1da: {  	_ =	swait.ge [sflag:s21], $0x1EF0  }
0x1db: {  	[sflag:s21] =	ssyncset.done $0x0  }
0x1dc: {  	[sflag:s21] =	ssyncadd.s32 $0xFFFFE110  }
0x1dd: {  	_ =	swait.ge [sflag:s22], $0x1EF0  }
0x1de: {  	[sflag:s22] =	ssyncset.done $0x0  }
0x1df: {  	s29 =	simm.s32 $0x1F70;
	[sflag:s22] =	ssyncadd.s32 $0xFFFFE110  }
0x1e0: {  	s26 =	simm.s32 $0x5D70;
	s28 =	simm.s32 $0x0;
	v2 =	vld [tilespmem:s29+$0x70]  }
0x1e1: {  	s30 =	sand.u32 $0x1FF0, s28;
	v3 =	vld [tilespmem:s26+$0x70]  }
0x1e2: {  	v4 =	vld [tilespmem:s30+$0x1F80]  }
0x1e3: {  	v5 =	vld [tilespmem:s30+$0x5D80]  }
0x1e4: {  	v6 =	vld [tilespmem:s26+$0xFFFFFF90]  }
0x1e5: {  	v7 =	vld [tilespmem:s29+$0xFFFFFFA0]  }
0x1e6: {  	v8 =	vld [tilespmem:s26+$0xFFFFFFA0]  }
0x1e7: {  	v9 =	vld [tilespmem:s29+$0xFFFFFFB0]  }
0x1e8: {  	v62 =	vld [tilespmem:s26+$0xFFFFFFC0]  }
0x1e9: {  	v63 =	vld [tilespmem:s29+$0xFFFFFFD0]  }
0x1ea: {  	v10 =	vld [tilespmem:s26+$0xFFFFFFD0]  }
0x1eb: {  	v11 =	vld [tilespmem:s29+$0xFFFFFFE0]  }
0x1ec: {  	v12 =	vld [tilespmem:s26+$0xFFFFFFE0]  }
0x1ed: {  	v13 =	vld [tilespmem:s29+$0xFFFFFFF0]  }
0x1ee: {  	v14 =	vld [tilespmem:s26+$0xFFFFFFF0]  }
0x1ef: {  	v15 =	vld [tilespmem:s29+$0x0]  }
0x1f0: {  	v16 =	vld [tilespmem:s26+$0x0]  }
0x1f1: {  	v17 =	vld [tilespmem:s29+$0x20]  }
0x1f2: {  	v18 =	vld [tilespmem:s26+$0x20]  }
0x1f3: {  	v19 =	vld [tilespmem:s29+$0x30]  }
0x1f4: {  	v20 =	vld [tilespmem:s26+$0x30]  }
0x1f5: {  	v21 =	vld [tilespmem:s29+$0x40]  }
0x1f6: {  	v22 =	vld [tilespmem:s26+$0x40]  }
0x1f7: {  	v23 =	vld [tilespmem:s29+$0x50]  }
0x1f8: {  	v24 =	vld [tilespmem:s26+$0x50]  }
0x1f9: {  	v25 =	vld [tilespmem:s29+$0x60]  }
0x1fa: {  	v27 =	vld [tilespmem:s29+$0xFFFFFF90]  }
0x1fb: {  	v26 =	vld [tilespmem:s26+$0x60]  }
0x1fc: {  	[tilespmem:v2+s19+$0x0] =	vst.idx.add.f32.msk $0xffff, v1  }
0x1fd: {  	[tilespmem:v4+s19+$0x0] =	vst.idx.add.f32.msk $0xffff, v1  }
0x1fe: {  	v2 =	vld [tilespmem:s26+$0xFFFFFFB0]  }
0x1ff: {  	[tilespmem:v7+s19+$0x0] =	vst.idx.add.f32.msk $0xffff, v1  }
0x200: {  	[tilespmem:v9+s19+$0x0] =	vst.idx.add.f32.msk $0xffff, v1  }
0x201: {  	[tilespmem:v63+s19+$0x0] =	vst.idx.add.f32.msk $0xffff, v1  }
0x202: {  	[tilespmem:v27+s19+$0x0] =	vst.idx.add.f32.msk $0xffff, v1  }
0x203: {  	[tilespmem:v11+s19+$0x0] =	vst.idx.add.f32.msk $0xffff, v1  }
0x204: {  	[tilespmem:v13+s19+$0x0] =	vst.idx.add.f32.msk $0xffff, v1  }
0x205: {  	[tilespmem:v15+s19+$0x0] =	vst.idx.add.f32.msk $0xffff, v1  }
0x206: {  	[tilespmem:v17+s19+$0x0] =	vst.idx.add.f32.msk $0xffff, v1  }
0x207: {  	[tilespmem:v19+s19+$0x0] =	vst.idx.add.f32.msk $0xffff, v1  }
0x208: {  	[tilespmem:v21+s19+$0x0] =	vst.idx.add.f32.msk $0xffff, v1  }
0x209: {  	[tilespmem:v23+s19+$0x0] =	vst.idx.add.f32.msk $0xffff, v1  }
0x20a: {  	[tilespmem:v25+s19+$0x0] =	vst.idx.add.f32.msk $0xffff, v1  }
0x20b: {  	[tilespmem:v3+s20+$0x0] =	vst.idx.add.f32.msk $0xffff, v1  }
0x20c: {  	[tilespmem:v5+s20+$0x0] =	vst.idx.add.f32.msk $0xffff, v1  }
0x20d: {  	v3 =	vld [tilespmem:s29+$0xFFFFFFC0]  }
0x20e: {  	[tilespmem:v8+s20+$0x0] =	vst.idx.add.f32.msk $0xffff, v1  }
0x20f: {  	[tilespmem:v6+s20+$0x0] =	vst.idx.add.f32.msk $0xffff, v1  }
0x210: {  	[tilespmem:v10+s20+$0x0] =	vst.idx.add.f32.msk $0xffff, v1  }
0x211: {  	[tilespmem:v12+s20+$0x0] =	vst.idx.add.f32.msk $0xffff, v1  }
0x212: {  	[tilespmem:v14+s20+$0x0] =	vst.idx.add.f32.msk $0xffff, v1  }
0x213: {  	[tilespmem:v16+s20+$0x0] =	vst.idx.add.f32.msk $0xffff, v1  }
0x214: {  	[tilespmem:v18+s20+$0x0] =	vst.idx.add.f32.msk $0xffff, v1  }
0x215: {  	[tilespmem:v20+s20+$0x0] =	vst.idx.add.f32.msk $0xffff, v1  }
0x216: {  	[tilespmem:v22+s20+$0x0] =	vst.idx.add.f32.msk $0xffff, v1  }
0x217: {  	[tilespmem:v24+s20+$0x0] =	vst.idx.add.f32.msk $0xffff, v1  }
0x218: {  	[tilespmem:v26+s20+$0x0] =	vst.idx.add.f32.msk $0xffff, v1  }
0x219: {  	[tilespmem:v2+s20+$0x0] =	vst.idx.add.f32.msk $0xffff, v1  }
0x21a: {  	[tilespmem:v3+s19+$0x0] =	vst.idx.add.f32.msk $0xffff, v1  }
0x21b: {  	s30 =	simm.s32 $0x2060;
	s29 =	simm.s32 $0x0;
	[tilespmem:v62+s20+$0x0] =	vst.idx.add.f32.msk $0xffff, v1  }
.LBB2_12:
0x21c: {  	v2 =	vld [tilespmem:s30+$0x70];
	s26 =	sadd.s32 $0xF0, s26;
	s28 =	sadd.s32 $0xF0, s28  }
0x21d: {  	s31 =	sand.u32 $0x1FF0, s28;
	v3 =	vld [tilespmem:s26+$0x70]  }
0x21e: {  	s29 =	sadd.s32 $0xF, s29;
	v4 =	vld [tilespmem:s31+$0x1F80]  }
0x21f: {  	p0 =	slt.u32 s29, $0x1E0;
	v5 =	vld [tilespmem:s31+$0x5D80]  }
0x220: {  	v6 =	vld [tilespmem:s26+$0xFFFFFF90]  }
0x221: {  	v7 =	vld [tilespmem:s30+$0xFFFFFFA0]  }
0x222: {  	v8 =	vld [tilespmem:s26+$0xFFFFFFA0]  }
0x223: {  	v9 =	vld [tilespmem:s30+$0xFFFFFFB0]  }
0x224: {  	[tilespmem:v2+s19+$0x0] =	vst.idx.add.f32.msk $0xffff, v1  }
0x225: {  	[tilespmem:v3+s20+$0x0] =	vst.idx.add.f32.msk $0xffff, v1  }
0x226: {  	[tilespmem:v4+s19+$0x0] =	vst.idx.add.f32.msk $0xffff, v1  }
0x227: {  	[tilespmem:v5+s20+$0x0] =	vst.idx.add.f32.msk $0xffff, v1  }
0x228: {  	v2 =	vld [tilespmem:s26+$0xFFFFFFB0]  }
0x229: {  	v3 =	vld [tilespmem:s30+$0xFFFFFFC0]  }
0x22a: {  	v4 =	vld [tilespmem:s26+$0xFFFFFFC0]  }
0x22b: {  	v5 =	vld [tilespmem:s30+$0xFFFFFFD0]  }
0x22c: {  	v10 =	vld [tilespmem:s26+$0xFFFFFFD0]  }
0x22d: {  	v11 =	vld [tilespmem:s30+$0xFFFFFFE0]  }
0x22e: {  	v12 =	vld [tilespmem:s26+$0xFFFFFFE0]  }
0x22f: {  	v13 =	vld [tilespmem:s30+$0xFFFFFFF0]  }
0x230: {  	v14 =	vld [tilespmem:s26+$0xFFFFFFF0]  }
0x231: {  	v15 =	vld [tilespmem:s30+$0x0]  }
0x232: {  	v16 =	vld [tilespmem:s26+$0x0]  }
0x233: {  	v17 =	vld [tilespmem:s30+$0x20]  }
0x234: {  	v18 =	vld [tilespmem:s26+$0x20]  }
0x235: {  	v19 =	vld [tilespmem:s30+$0x30]  }
0x236: {  	v20 =	vld [tilespmem:s26+$0x30]  }
0x237: {  	v21 =	vld [tilespmem:s30+$0x40]  }
0x238: {  	v22 =	vld [tilespmem:s26+$0x40]  }
0x239: {  	v23 =	vld [tilespmem:s30+$0x50]  }
0x23a: {  	v24 =	vld [tilespmem:s26+$0x50]  }
0x23b: {  	v25 =	vld [tilespmem:s30+$0x60]  }
0x23c: {  	v26 =	vld [tilespmem:s26+$0x60]  }
0x23d: {  	v27 =	vld [tilespmem:s30+$0xFFFFFF90]  }
0x23e: {  	[tilespmem:v7+s19+$0x0] =	vst.idx.add.f32.msk $0xffff, v1  }
0x23f: {  	[tilespmem:v8+s20+$0x0] =	vst.idx.add.f32.msk $0xffff, v1  }
0x240: {  	[tilespmem:v9+s19+$0x0] =	vst.idx.add.f32.msk $0xffff, v1  }
0x241: {  	[tilespmem:v2+s20+$0x0] =	vst.idx.add.f32.msk $0xffff, v1  }
0x242: {  	[tilespmem:v3+s19+$0x0] =	vst.idx.add.f32.msk $0xffff, v1  }
0x243: {  	[tilespmem:v4+s20+$0x0] =	vst.idx.add.f32.msk $0xffff, v1  }
0x244: {  	[tilespmem:v5+s19+$0x0] =	vst.idx.add.f32.msk $0xffff, v1  }
0x245: {  	[tilespmem:v27+s19+$0x0] =	vst.idx.add.f32.msk $0xffff, v1  }
0x246: {  	[tilespmem:v6+s20+$0x0] =	vst.idx.add.f32.msk $0xffff, v1  }
0x247: {  	[tilespmem:v10+s20+$0x0] =	vst.idx.add.f32.msk $0xffff, v1  }
0x248: {  	[tilespmem:v11+s19+$0x0] =	vst.idx.add.f32.msk $0xffff, v1  }
0x249: {  	[tilespmem:v12+s20+$0x0] =	vst.idx.add.f32.msk $0xffff, v1  }
0x24a: {  	[tilespmem:v13+s19+$0x0] =	vst.idx.add.f32.msk $0xffff, v1  }
0x24b: {  	[tilespmem:v14+s20+$0x0] =	vst.idx.add.f32.msk $0xffff, v1  }
0x24c: {  	[tilespmem:v15+s19+$0x0] =	vst.idx.add.f32.msk $0xffff, v1  }
0x24d: {  	[tilespmem:v16+s20+$0x0] =	vst.idx.add.f32.msk $0xffff, v1  }
0x24e: {  	[tilespmem:v17+s19+$0x0] =	vst.idx.add.f32.msk $0xffff, v1  }
0x24f: {  	[tilespmem:v18+s20+$0x0] =	vst.idx.add.f32.msk $0xffff, v1  }
0x250: {  	[tilespmem:v19+s19+$0x0] =	vst.idx.add.f32.msk $0xffff, v1  }
0x251: {  	[tilespmem:v20+s20+$0x0] =	vst.idx.add.f32.msk $0xffff, v1  }
0x252: {  	[tilespmem:v21+s19+$0x0] =	vst.idx.add.f32.msk $0xffff, v1  }
.Ltmp5:
0x253: {  	[tilespmem:v22+s20+$0x0] =	vst.idx.add.f32.msk $0xffff, v1;
	(pc) =	sbr.rel @p0 .LBB2_12-.Ltmp5, $4  }
0x254: {  	[tilespmem:v23+s19+$0x0] =	vst.idx.add.f32.msk $0xffff, v1  }
0x255: {  	[tilespmem:v24+s20+$0x0] =	vst.idx.add.f32.msk $0xffff, v1  }
0x256: {  	[tilespmem:v25+s19+$0x0] =	vst.idx.add.f32.msk $0xffff, v1  }
0x257: {  	s30 =	sadd.s32 $0xF0, s30;
	[tilespmem:v26+s20+$0x0] =	vst.idx.add.f32.msk $0xffff, v1  }
0x258: {  	[hbm4b:s11+s23] =	stream.strided.scatter [tilespmem:s19], [sflag:$0x1], $0x4000, s24, s23, $0x38;
	[tilespmem:$0xFC00] =	vst v63  }
0x259: {  	s25 =	sadd.s32 $0x1, s25  }
0x25a: {  	[hbm4b:s12+s23] =	stream.strided.scatter [tilespmem:s20], [sflag:$0x3], $0x4000, s24, s23, $0x38;
	[tilespmem:$0xFC00] =	vst v63  }
0x25b: {  	p0 =	sne.s32 s25, s13;
	_ =	swait.ge [sflag:s17], $0x4000  }
.Ltmp6:
0x25c: {  	[sflag:s17] =	ssyncset.done $0x0;
	(pc) =	sbr.rel @p0 .LBB2_1-.Ltmp6, $4  }
0x25d: {  	[sflag:s17] =	ssyncadd.s32 $0xFFFFC000  }
0x25e: {  	_ =	swait.ge [sflag:s18], $0x4000  }
0x25f: {  	[sflag:s18] =	ssyncset.done $0x0  }
0x260: {  	[sflag:s18] =	ssyncadd.s32 $0xFFFFC000  }
0x261: {  	_ =	sfence.sel $0x180000  }
0x262: {  	[bflag:$0x0] =	sbarrier.arrive $0xFFFF  }
0x263: {  	p0 =	sne.s32 s1, $0x0;
	_ =	strace $0x90000047  }
0x264: {  	s0 =	sadd.s32 @!p0 $0x100000, s0;
	[bflag:$0x2] =	sbarrier.arrive $0xFFFF  }
0x265: {  	[sflag:s0] =	ssyncadd.tile.s32 @!p0 $0x1;
	_ =	shalt  }
.Lfunc_end2:
_tile_overlayer_lowered:
.L_overlay_start_2:
0x266: {  	(tag) =	ssettag $0x2  }
0x267: {  	s0 =	rddreg [dreg:$0x0];
	s2 =	stileid.u32  }
0x268: {  	s1 =	rddreg [dreg:$0x1];
	p0 =	sne.s32 s2, $0x0  }
0x269: {  	s3 =	rddreg [dreg:$0x2];
	[bflag:$0x3] =	sbarrier.arrive $0xFFFF;
	s2 =	simm.s32 @!p0 $0x1C05  }
0x26a: {  	[timem:s3], [sflag:s2] =	dma.local @!p0 [hbm:s0], s1  }
0x26b: {  	s0 =	simm.s32 @!p0 $0x5  }
0x26c: {  	_ =	swait.ge @!p0 [sflag:s0], s1  }
0x26d: {  	s1 =	ssub.s32 @!p0 $0x0, s1;
	[sflag:s0] =	ssyncset.done @!p0 $0x0  }
0x26e: {  	[sflag:s0] =	ssyncadd.s32 @!p0 s1  }
0x26f: {  	[bflag:$0x3] =	sbarrier.arrive $0xFFFF  }
0x270: {  	_ =	shalt  }

</sc_bundles>
